<compile_context>
chip_gen: v7x
topology: tpu7x:2x2x1
jax: 0.10.2.dev20260603
libtpu: 0.0.44.dev20260713+nightly
codegen_flags: <defaults>
</compile_context>

<pallas_src>
import functools

import jax
import jax.numpy as jnp
from jax import lax
from jax.experimental import pallas as pl
from jax.experimental.pallas import tpu as pltpu
from jax.experimental.pallas import tpu_sc as plsc

N = 10000
NP = 10240
E = 320000
F = 128
FH = F // 2
NG = 64

NC = 2
NS = 16
CHUNK = 80
EPT_D = E // (NC * NS)
NCH_D = EPT_D // CHUNK
CHUNK_P = 80
NCH_P = 252
EPT_P = NCH_P * CHUNK_P
E_PAD = NS * EPT_P
PADNODE = N
RPT = NP // NS
ZROWS = 128
DEGW = 16

RB = 1024
GRID = NP // RB

_F32 = jnp.float32


def _sc_mesh():
    return plsc.VectorSubcoreMesh(core_axis_name="c", subcore_axis_name="s",
                                  num_cores=NC, num_subcores=NS)


_DEG_KW = dict(
    mesh=_sc_mesh(),
    out_type=jax.ShapeDtypeStruct((NC, NP, DEGW), _F32),
    scratch_types=[
        pltpu.VMEM((NCH_D, CHUNK), jnp.int32),
        pltpu.VMEM((CHUNK, DEGW), _F32),
        pltpu.VMEM((RPT, DEGW), _F32),
        pltpu.VMEM_SHARED((NP, DEGW), _F32),
    ],
    compiler_params=pltpu.CompilerParams(use_tc_tiling_on_sc=False),
)


def _deg_body(dst_hbm, out_hbm, dstv, onesv, zb, deg_sh):
    c = lax.axis_index("c")
    s = lax.axis_index("s")
    pltpu.sync_copy(dst_hbm.at[c, s], dstv)

    ones16 = jnp.ones((16,), _F32)
    z16 = jnp.zeros((16,), _F32)

    def fill_ones(r, carry):
        onesv[r, :] = ones16
        return carry

    lax.fori_loop(0, CHUNK, fill_ones, 0)

    def fill_zero(r, carry):
        zb[r, :] = z16
        return carry

    lax.fori_loop(0, RPT, fill_zero, 0)
    pltpu.sync_copy(zb, deg_sh.at[pl.ds(s * RPT, RPT)])
    plsc.subcore_barrier()

    def body(i, carry):
        pltpu.sync_copy(onesv, deg_sh.at[dstv.at[i]], add=True)
        return carry

    lax.fori_loop(0, NCH_D, body, 0)
    plsc.subcore_barrier()
    pltpu.sync_copy(deg_sh.at[pl.ds(s * RPT, RPT)],
                    out_hbm.at[c, pl.ds(s * RPT, RPT)])


_PROP_KW = dict(
    mesh=_sc_mesh(),
    out_type=(jax.ShapeDtypeStruct((NP, FH), _F32),
              jax.ShapeDtypeStruct((NP, FH), _F32)),
    scratch_types=[
        pltpu.VMEM((NCH_P, CHUNK_P), jnp.int32),
        pltpu.VMEM((NCH_P, CHUNK_P), jnp.int32),
        pltpu.VMEM((CHUNK_P, FH), _F32),
        pltpu.VMEM((CHUNK_P, FH), _F32),
        pltpu.VMEM((CHUNK_P, FH), _F32),
        pltpu.VMEM((CHUNK_P, FH), _F32),
        pltpu.VMEM((ZROWS, FH), _F32),
        pltpu.VMEM_SHARED((NP, FH), _F32),
        pltpu.SemaphoreType.DMA,
        pltpu.SemaphoreType.DMA,
        pltpu.SemaphoreType.DMA,
        pltpu.SemaphoreType.DMA,
        pltpu.SemaphoreType.DMA,
        pltpu.SemaphoreType.DMA,
        pltpu.SemaphoreType.DMA,
        pltpu.SemaphoreType.DMA,
    ],
    compiler_params=pltpu.CompilerParams(use_tc_tiling_on_sc=False),
)


def _prop_body(g0_hbm, g1_hbm, src_hbm, dst_hbm, p0_hbm, p1_hbm,
             srcv, dstv, gb0, gb1, gb2, gb3, zb, p_sh,
             sg0, sg1, sg2, sg3, ss0, ss1, ss2, ss3):
    c = lax.axis_index("c")
    s = lax.axis_index("s")
    pltpu.sync_copy(src_hbm.at[s], srcv)
    pltpu.sync_copy(dst_hbm.at[s], dstv)

    z16 = jnp.zeros((16,), _F32)

    def fill_zero(r, carry):
        for j in range(FH // 16):
            zb[r, pl.ds(j * 16, 16)] = z16
        return carry

    lax.fori_loop(0, ZROWS, fill_zero, 0)
    for k in range(RPT // ZROWS):
        pltpu.sync_copy(zb, p_sh.at[pl.ds(s * RPT + k * ZROWS, ZROWS)])
    plsc.subcore_barrier()

    def run_half(g_hbm):
        bufs = (gb0, gb1, gb2, gb3)
        sgs = (sg0, sg1, sg2, sg3)
        sss = (ss0, ss1, ss2, ss3)

        def wait_g(buf, sem):
            pltpu.make_async_copy(g_hbm.at[srcv.at[0]], buf, sem).wait()

        def wait_s(buf, sem):
            pltpu.make_async_copy(buf, p_sh.at[dstv.at[0]], sem).wait()

        pltpu.async_copy(g_hbm.at[srcv.at[0]], bufs[0], sgs[0])
        ngrp = NCH_P // 4

        def body4(j, carry):
            i = 4 * j
            for b in range(4):
                nb = (b + 1) % 4
                if b < 3:
                    @pl.when(j > 0)
                    def _(nb=nb):
                        wait_s(bufs[nb], sss[nb])
                    pltpu.async_copy(g_hbm.at[srcv.at[i + b + 1]],
                                     bufs[nb], sgs[nb])
                else:
                    wait_s(bufs[0], sss[0])

                    @pl.when(j < ngrp - 1)
                    def _():
                        pltpu.async_copy(g_hbm.at[srcv.at[i + 4]],
                                         bufs[0], sgs[0])
                wait_g(bufs[b], sgs[b])
                pltpu.async_copy(bufs[b], p_sh.at[dstv.at[i + b]], sss[b],
                                 add=True)
            return carry

        lax.fori_loop(0, ngrp, body4, 0)
        for b in (1, 2, 3):
            wait_s(bufs[b], sss[b])

    @pl.when(c == 0)
    def _():
        run_half(g0_hbm)

    @pl.when(c == 1)
    def _():
        run_half(g1_hbm)

    plsc.subcore_barrier()

    @pl.when(c == 0)
    def _():
        pltpu.sync_copy(p_sh.at[pl.ds(s * RPT, RPT)],
                        p0_hbm.at[pl.ds(s * RPT, RPT)])

    @pl.when(c == 1)
    def _():
        pltpu.sync_copy(p_sh.at[pl.ds(s * RPT, RPT)],
                        p1_hbm.at[pl.ds(s * RPT, RPT)])


_deg_sc = pl.kernel(_deg_body, **_DEG_KW)
_prop_sc = pl.kernel(_prop_body, **_PROP_KW)


def _dinv_of(deg_ref):
    dp = deg_ref[...]
    return lax.rsqrt(1.0 + dp[0, :, 0] + dp[1, :, 0])[:, None]


def _t1_body(deg_ref, x_ref, w_ref, g0_ref, g1_ref):
    h = jnp.dot(x_ref[...], w_ref[...], preferred_element_type=_F32)
    g = h * _dinv_of(deg_ref)
    g0_ref[...] = g[:, :FH]
    g1_ref[...] = g[:, FH:]


_t1 = pl.pallas_call(
    _t1_body,
    grid=(GRID,),
    in_specs=[
        pl.BlockSpec((NC, RB, DEGW), lambda i: (0, i, 0)),
        pl.BlockSpec((RB, F), lambda i: (i, 0)),
        pl.BlockSpec((F, F), lambda i: (0, 0)),
    ],
    out_specs=(pl.BlockSpec((RB, FH), lambda i: (i, 0)),
               pl.BlockSpec((RB, FH), lambda i: (i, 0))),
    out_shape=(jax.ShapeDtypeStruct((NP, FH), _F32),
               jax.ShapeDtypeStruct((NP, FH), _F32)),
)


def _t2_body(deg_ref, p0_ref, p1_ref, g0_ref, g1_ref, b_ref, w_ref,
             o0_ref, o1_ref):
    dinv = _dinv_of(deg_ref)
    agg0 = p0_ref[...] + g0_ref[...]
    agg1 = p1_ref[...] + g1_ref[...]
    agg = jnp.concatenate([agg0, agg1], axis=1)
    h = jnp.maximum(agg * dinv + b_ref[...], 0.0)
    g2 = jnp.dot(h, w_ref[...], preferred_element_type=_F32) * dinv
    o0_ref[...] = g2[:, :FH]
    o1_ref[...] = g2[:, FH:]


_t2 = pl.pallas_call(
    _t2_body,
    grid=(GRID,),
    in_specs=[
        pl.BlockSpec((NC, RB, DEGW), lambda i: (0, i, 0)),
        pl.BlockSpec((RB, FH), lambda i: (i, 0)),
        pl.BlockSpec((RB, FH), lambda i: (i, 0)),
        pl.BlockSpec((RB, FH), lambda i: (i, 0)),
        pl.BlockSpec((RB, FH), lambda i: (i, 0)),
        pl.BlockSpec((1, F), lambda i: (0, 0)),
        pl.BlockSpec((F, F), lambda i: (0, 0)),
    ],
    out_specs=(pl.BlockSpec((RB, FH), lambda i: (i, 0)),
               pl.BlockSpec((RB, FH), lambda i: (i, 0))),
    out_shape=(jax.ShapeDtypeStruct((NP, FH), _F32),
               jax.ShapeDtypeStruct((NP, FH), _F32)),
)


def _t3_body(deg_ref, p0_ref, p1_ref, g0_ref, g1_ref, b_ref, batch_ref,
             wlin_ref, blin_ref, o_ref, pool_acc, cnt_acc):
    i = pl.program_id(0)
    dinv = _dinv_of(deg_ref)
    agg = jnp.concatenate([p0_ref[...] + g0_ref[...],
                           p1_ref[...] + g1_ref[...]], axis=1)
    h = jnp.maximum(agg * dinv + b_ref[...], 0.0)
    bb = batch_ref[...]
    gid = lax.broadcasted_iota(jnp.int32, (RB, NG), 1)
    onehot = (bb == gid).astype(_F32)
    psum = lax.dot_general(onehot, h, (((0,), (0,)), ((), ())),
                           preferred_element_type=_F32)
    csum = jnp.sum(onehot, axis=0)

    @pl.when(i == 0)
    def _():
        pool_acc[...] = jnp.zeros_like(pool_acc)
        cnt_acc[...] = jnp.zeros_like(cnt_acc)

    pool_acc[...] += psum
    cnt_acc[...] += jnp.broadcast_to(csum[:, None], (NG, F))

    @pl.when(i == GRID - 1)
    def _():
        pooled = pool_acc[...] / jnp.maximum(cnt_acc[...], 1.0)
        o_ref[...] = jnp.dot(pooled, wlin_ref[...], preferred_element_type=_F32) + blin_ref[...]


_t3 = pl.pallas_call(
    _t3_body,
    grid=(GRID,),
    in_specs=[
        pl.BlockSpec((NC, RB, DEGW), lambda i: (0, i, 0)),
        pl.BlockSpec((RB, FH), lambda i: (i, 0)),
        pl.BlockSpec((RB, FH), lambda i: (i, 0)),
        pl.BlockSpec((RB, FH), lambda i: (i, 0)),
        pl.BlockSpec((RB, FH), lambda i: (i, 0)),
        pl.BlockSpec((1, F), lambda i: (0, 0)),
        pl.BlockSpec((RB, 1), lambda i: (i, 0)),
        pl.BlockSpec((F, 2), lambda i: (0, 0)),
        pl.BlockSpec((1, 2), lambda i: (0, 0)),
    ],
    out_specs=pl.BlockSpec((NG, 2), lambda i: (0, 0)),
    out_shape=jax.ShapeDtypeStruct((NG, 2), _F32),
    scratch_shapes=[
        pltpu.VMEM((NG, F), _F32),
        pltpu.VMEM((NG, F), _F32),
    ],
)


@jax.jit
def _impl(x, edge_index, batch, W1, b1, W2, b2, Wlin, blin):
    dst_d = edge_index[1].reshape(NC, NS, NCH_D, CHUNK)
    pad = jnp.full((E_PAD - E,), PADNODE, jnp.int32)
    src_p = jnp.concatenate([edge_index[0], pad]).reshape(NS, NCH_P, CHUNK_P)
    dst_p = jnp.concatenate([edge_index[1], pad]).reshape(NS, NCH_P, CHUNK_P)
    x_pad = jnp.pad(x, ((0, NP - N), (0, 0)))
    batch_pad = jnp.pad(batch, (0, NP - N), constant_values=NG)
    degp = _deg_sc(dst_d)
    g10, g11 = _t1(degp, x_pad, W1)
    p10, p11 = _prop_sc(g10, g11, src_p, dst_p)
    g20, g21 = _t2(degp, p10, p11, g10, g11, b1.reshape(1, F), W2)
    p20, p21 = _prop_sc(g20, g21, src_p, dst_p)
    return _t3(degp, p20, p21, g20, g21, b2.reshape(1, F),
               batch_pad.reshape(NP, 1), Wlin, blin.reshape(1, 2))


def kernel(x, edge_index, batch, W1, b1, W2, b2, Wlin, blin):
    return _impl(x, edge_index, batch, W1, b1, W2, b2, Wlin, blin)

# --- scband reference (transcript-rebuilt; emitter-appended) ---
"""Pipeline reference for scband-gcn-20091857011065 (READ-ONLY COPY).

The authoritative reference and input builder live on the scoring server;
editing this copy changes nothing except your own understanding.
"""

import jax, jax.numpy as jnp
import numpy as np

N_NODES = 10000
N_EDGES = 320000
N_FEAT = 128
HIDDEN = 128
N_GRAPHS = 64


def gcn_conv(x, src, dst, W, b, num_nodes):
    # PyG GCNConv: lin first, then symmetric-normalized propagate with self-loops, then bias
    loop = jnp.arange(num_nodes, dtype=src.dtype)
    s = jnp.concatenate([src, loop])
    d = jnp.concatenate([dst, loop])
    deg = jnp.zeros((num_nodes,), dtype=x.dtype).at[d].add(1.0)
    dinv = jnp.where(deg > 0, deg ** -0.5, 0.0)
    norm = dinv[s] * dinv[d]
    h = x @ W
    msg = h[s] * norm[:, None]
    out = jax.ops.segment_sum(msg, d, num_segments=num_nodes)
    return out + b


def setup_inputs(seed: int = 0) -> dict:
    key = jax.random.key(seed)
    ks = jax.random.split(key, 10)
    x = jax.random.normal(ks[0], (N_NODES, N_FEAT), dtype=jnp.float32)
    edge_index = jax.random.randint(ks[1], (2, N_EDGES), 0, N_NODES, dtype=jnp.int64 if jax.config.jax_enable_x64 else jnp.int32).astype(jnp.int32)
    batch = jnp.sort(jax.random.randint(ks[2], (N_NODES,), 0, N_GRAPHS).astype(jnp.int32))
    W1 = jax.random.normal(ks[3], (N_FEAT, HIDDEN), dtype=jnp.float32) * (1.0 / np.sqrt(N_FEAT))
    b1 = jnp.zeros((HIDDEN,), dtype=jnp.float32)
    W2 = jax.random.normal(ks[4], (HIDDEN, HIDDEN), dtype=jnp.float32) * (1.0 / np.sqrt(HIDDEN))
    b2 = jnp.zeros((HIDDEN,), dtype=jnp.float32)
    Wlin = jax.random.normal(ks[5], (HIDDEN, 2), dtype=jnp.float32) * (1.0 / np.sqrt(HIDDEN))
    blin = jnp.zeros((2,), dtype=jnp.float32)
    return {"x": x, "edge_index": edge_index, "batch": batch, "W1": W1, "b1": b1, "W2": W2, "b2": b2, "Wlin": Wlin, "blin": blin}


def reference(x, edge_index, batch, W1, b1, W2, b2, Wlin, blin):
    src, dst = edge_index[0], edge_index[1]
    h = jax.nn.relu(gcn_conv(x, src, dst, W1, b1, N_NODES))
    h = jax.nn.relu(gcn_conv(h, src, dst, W2, b2, N_NODES))
    # global_mean_pool over graph assignment `batch`
    sums = jax.ops.segment_sum(h, batch, num_segments=N_GRAPHS)
    counts = jax.ops.segment_sum(jnp.ones((N_NODES,), dtype=h.dtype), batch, num_segments=N_GRAPHS)
    pooled = sums / jnp.maximum(counts, 1.0)[:, None]
    # dropout is identity in eval mode
    out = pooled @ Wlin + blin
    return out

if __name__ == "__main__":
    import jax
    _d = setup_inputs()
    print(jax.jit(kernel)(*tuple(_d.values())))

</pallas_src>

<mosaic_0001>
#map = affine_map<(d0, d1) -> (0, 0)>
#map1 = affine_map<(d0, d1) -> (0, 0, 0)>
module attributes {stable_mosaic.version = 14 : i64} {
  func.func @_prop_body(%arg0: i32, %arg1: i32, %arg2: memref<10240x64xf32, #tpu.memory_space<hbm>>, %arg3: memref<10240x64xf32, #tpu.memory_space<hbm>>, %arg4: memref<16x252x80xi32, #tpu.memory_space<hbm>>, %arg5: memref<16x252x80xi32, #tpu.memory_space<hbm>>, %arg6: memref<10240x64xf32, #tpu.memory_space<hbm>>, %arg7: memref<10240x64xf32, #tpu.memory_space<hbm>>, %arg8: memref<252x80xi32, #tpu.memory_space<vmem>>, %arg9: memref<252x80xi32, #tpu.memory_space<vmem>>, %arg10: memref<80x64xf32, #tpu.memory_space<vmem>>, %arg11: memref<80x64xf32, #tpu.memory_space<vmem>>, %arg12: memref<80x64xf32, #tpu.memory_space<vmem>>, %arg13: memref<80x64xf32, #tpu.memory_space<vmem>>, %arg14: memref<128x64xf32, #tpu.memory_space<vmem>>, %arg15: memref<10240x64xf32, #tpu.memory_space<vmem_shared>>, %arg16: memref<!tpu.dma_semaphore, #tpu.memory_space<semaphore_mem>>, %arg17: memref<!tpu.dma_semaphore, #tpu.memory_space<semaphore_mem>>, %arg18: memref<!tpu.dma_semaphore, #tpu.memory_space<semaphore_mem>>, %arg19: memref<!tpu.dma_semaphore, #tpu.memory_space<semaphore_mem>>, %arg20: memref<!tpu.dma_semaphore, #tpu.memory_space<semaphore_mem>>, %arg21: memref<!tpu.dma_semaphore, #tpu.memory_space<semaphore_mem>>, %arg22: memref<!tpu.dma_semaphore, #tpu.memory_space<semaphore_mem>>, %arg23: memref<!tpu.dma_semaphore, #tpu.memory_space<semaphore_mem>>) attributes {dimension_semantics = [#tpu.dimension_semantics<core_parallel>, #tpu.dimension_semantics<subcore_parallel>], iteration_bounds = array<i64: 2, 16>, scalar_prefetch = 0 : i64, scratch_operands = 16 : i64, tpu.core_type = #tpu.core_type<sc_vector_subcore>, window_params = [{transform_indices = #map}, {transform_indices = #map}, {transform_indices = #map1}, {transform_indices = #map1}, {transform_indices = #map}, {transform_indices = #map}]} {
    "tpu.region"() ({
      %run_scoped3A = tpu.sem_alloc : memref<!tpu.dma_semaphore, #tpu.memory_space<semaphore_mem>>
      %dma_start3A = arith.constant 0 : i32
      %dma_start3A_42 = arith.constant 0 : i32
      %dma_start3A_43 = tpu.memref_slice %arg4[%arg1, %dma_start3A, %dma_start3A_42] : memref<16x252x80xi32, #tpu.memory_space<hbm>> -> memref<1x252x80xi32, #tpu.memory_space<hbm>>
      %dma_start3A_44 = tpu.memref_squeeze %dma_start3A_43 : memref<1x252x80xi32, #tpu.memory_space<hbm>> -> memref<252x80xi32, #tpu.memory_space<hbm>>
      %dma_start3A_45 = arith.constant 0 : i32
      %dma_start3A_46 = arith.constant 0 : i32
      %dma_start3A_47 = tpu.memref_slice %arg4[%arg1, %dma_start3A_45, %dma_start3A_46] : memref<16x252x80xi32, #tpu.memory_space<hbm>> -> memref<1x252x80xi32, #tpu.memory_space<hbm>>
      %dma_start3A_48 = tpu.memref_squeeze %dma_start3A_47 : memref<1x252x80xi32, #tpu.memory_space<hbm>> -> memref<252x80xi32, #tpu.memory_space<hbm>>
      tpu.enqueue_dma source(%dma_start3A_48 : memref<252x80xi32, #tpu.memory_space<hbm>>) target(%arg8 : memref<252x80xi32, #tpu.memory_space<vmem>>) target_semaphore(%run_scoped3A : memref<!tpu.dma_semaphore, #tpu.memory_space<semaphore_mem>>)
      %dma_wait3A = arith.constant 0 : i32
      %dma_wait3A_49 = arith.constant 0 : i32
      %dma_wait3A_50 = tpu.memref_slice %arg4[%arg1, %dma_wait3A, %dma_wait3A_49] : memref<16x252x80xi32, #tpu.memory_space<hbm>> -> memref<1x252x80xi32, #tpu.memory_space<hbm>>
      %dma_wait3A_51 = tpu.memref_squeeze %dma_wait3A_50 : memref<1x252x80xi32, #tpu.memory_space<hbm>> -> memref<252x80xi32, #tpu.memory_space<hbm>>
      %dma_wait3A_52 = arith.constant 0 : i32
      %dma_wait3A_53 = arith.constant 0 : i32
      %dma_wait3A_54 = tpu.memref_slice %arg4[%arg1, %dma_wait3A_52, %dma_wait3A_53] : memref<16x252x80xi32, #tpu.memory_space<hbm>> -> memref<1x252x80xi32, #tpu.memory_space<hbm>>
      %dma_wait3A_55 = tpu.memref_squeeze %dma_wait3A_54 : memref<1x252x80xi32, #tpu.memory_space<hbm>> -> memref<252x80xi32, #tpu.memory_space<hbm>>
      tpu.wait_dma2 semaphore(%run_scoped3A : memref<!tpu.dma_semaphore, #tpu.memory_space<semaphore_mem>>) src(%dma_wait3A_55 : memref<252x80xi32, #tpu.memory_space<hbm>>) dst(%arg8 : memref<252x80xi32, #tpu.memory_space<vmem>>)
      tpu.yield
    }) : () -> ()
    "tpu.region"() ({
      %run_scoped3A = tpu.sem_alloc : memref<!tpu.dma_semaphore, #tpu.memory_space<semaphore_mem>>
      %dma_start3A = arith.constant 0 : i32
      %dma_start3A_42 = arith.constant 0 : i32
      %dma_start3A_43 = tpu.memref_slice %arg5[%arg1, %dma_start3A, %dma_start3A_42] : memref<16x252x80xi32, #tpu.memory_space<hbm>> -> memref<1x252x80xi32, #tpu.memory_space<hbm>>
      %dma_start3A_44 = tpu.memref_squeeze %dma_start3A_43 : memref<1x252x80xi32, #tpu.memory_space<hbm>> -> memref<252x80xi32, #tpu.memory_space<hbm>>
      %dma_start3A_45 = arith.constant 0 : i32
      %dma_start3A_46 = arith.constant 0 : i32
      %dma_start3A_47 = tpu.memref_slice %arg5[%arg1, %dma_start3A_45, %dma_start3A_46] : memref<16x252x80xi32, #tpu.memory_space<hbm>> -> memref<1x252x80xi32, #tpu.memory_space<hbm>>
      %dma_start3A_48 = tpu.memref_squeeze %dma_start3A_47 : memref<1x252x80xi32, #tpu.memory_space<hbm>> -> memref<252x80xi32, #tpu.memory_space<hbm>>
      tpu.enqueue_dma source(%dma_start3A_48 : memref<252x80xi32, #tpu.memory_space<hbm>>) target(%arg9 : memref<252x80xi32, #tpu.memory_space<vmem>>) target_semaphore(%run_scoped3A : memref<!tpu.dma_semaphore, #tpu.memory_space<semaphore_mem>>)
      %dma_wait3A = arith.constant 0 : i32
      %dma_wait3A_49 = arith.constant 0 : i32
      %dma_wait3A_50 = tpu.memref_slice %arg5[%arg1, %dma_wait3A, %dma_wait3A_49] : memref<16x252x80xi32, #tpu.memory_space<hbm>> -> memref<1x252x80xi32, #tpu.memory_space<hbm>>
      %dma_wait3A_51 = tpu.memref_squeeze %dma_wait3A_50 : memref<1x252x80xi32, #tpu.memory_space<hbm>> -> memref<252x80xi32, #tpu.memory_space<hbm>>
      %dma_wait3A_52 = arith.constant 0 : i32
      %dma_wait3A_53 = arith.constant 0 : i32
      %dma_wait3A_54 = tpu.memref_slice %arg5[%arg1, %dma_wait3A_52, %dma_wait3A_53] : memref<16x252x80xi32, #tpu.memory_space<hbm>> -> memref<1x252x80xi32, #tpu.memory_space<hbm>>
      %dma_wait3A_55 = tpu.memref_squeeze %dma_wait3A_54 : memref<1x252x80xi32, #tpu.memory_space<hbm>> -> memref<252x80xi32, #tpu.memory_space<hbm>>
      tpu.wait_dma2 semaphore(%run_scoped3A : memref<!tpu.dma_semaphore, #tpu.memory_space<semaphore_mem>>) src(%dma_wait3A_55 : memref<252x80xi32, #tpu.memory_space<hbm>>) dst(%arg9 : memref<252x80xi32, #tpu.memory_space<vmem>>)
      tpu.yield
    }) : () -> ()
    %broadcast_in_dim3A = arith.constant 0.000000e+00 : f32
    %broadcast_in_dim3A_0 = vector.broadcast %broadcast_in_dim3A : f32 to vector<16xf32>
    %scan3A = arith.constant 0 : i32
    %scan3A_1 = arith.constant 0 : i32
    %scan3A_2 = arith.constant 128 : i32
    %scan3A_3 = arith.addi %scan3A_1, %scan3A_2 : i32
    %scan3A_4 = arith.constant 1 : i32
    scf.for %scan3A_42 = %scan3A_1 to %scan3A_3 step %scan3A_4  : i32 {
      %swap3A = arith.index_cast %scan3A_42 : i32 to index
      %swap3A_43 = arith.constant 0 : index
      %swap3A_44 = tpu.vector_load %arg14[%swap3A, %swap3A_43] {strides = array<i32>} : memref<128x64xf32, #tpu.memory_space<vmem>>, vector<1x16xf32>,
      %swap3A_45 = vector.shape_cast %swap3A_44 : vector<1x16xf32> to vector<16xf32>
      %swap3A_46 = vector.shape_cast %broadcast_in_dim3A_0 : vector<16xf32> to vector<1x16xf32>
      tpu.vector_store %arg14[%swap3A, %swap3A_43], %swap3A_46 {strides = array<i32>} : memref<128x64xf32, #tpu.memory_space<vmem>>, vector<1x16xf32>,
      %swap3A_47 = arith.index_cast %scan3A_42 : i32 to index
      %swap3A_48 = arith.constant 16 : index
      %swap3A_49 = tpu.vector_load %arg14[%swap3A_47, %swap3A_48] {strides = array<i32>} : memref<128x64xf32, #tpu.memory_space<vmem>>, vector<1x16xf32>,
      %swap3A_50 = vector.shape_cast %swap3A_49 : vector<1x16xf32> to vector<16xf32>
      %swap3A_51 = vector.shape_cast %broadcast_in_dim3A_0 : vector<16xf32> to vector<1x16xf32>
      tpu.vector_store %arg14[%swap3A_47, %swap3A_48], %swap3A_51 {strides = array<i32>} : memref<128x64xf32, #tpu.memory_space<vmem>>, vector<1x16xf32>,
      %swap3A_52 = arith.index_cast %scan3A_42 : i32 to index
      %swap3A_53 = arith.constant 32 : index
      %swap3A_54 = tpu.vector_load %arg14[%swap3A_52, %swap3A_53] {strides = array<i32>} : memref<128x64xf32, #tpu.memory_space<vmem>>, vector<1x16xf32>,
      %swap3A_55 = vector.shape_cast %swap3A_54 : vector<1x16xf32> to vector<16xf32>
      %swap3A_56 = vector.shape_cast %broadcast_in_dim3A_0 : vector<16xf32> to vector<1x16xf32>
      tpu.vector_store %arg14[%swap3A_52, %swap3A_53], %swap3A_56 {strides = array<i32>} : memref<128x64xf32, #tpu.memory_space<vmem>>, vector<1x16xf32>,
      %swap3A_57 = arith.index_cast %scan3A_42 : i32 to index
      %swap3A_58 = arith.constant 48 : index
      %swap3A_59 = tpu.vector_load %arg14[%swap3A_57, %swap3A_58] {strides = array<i32>} : memref<128x64xf32, #tpu.memory_space<vmem>>, vector<1x16xf32>,
      %swap3A_60 = vector.shape_cast %swap3A_59 : vector<1x16xf32> to vector<16xf32>
      %swap3A_61 = vector.shape_cast %broadcast_in_dim3A_0 : vector<16xf32> to vector<1x16xf32>
      tpu.vector_store %arg14[%swap3A_57, %swap3A_58], %swap3A_61 {strides = array<i32>} : memref<128x64xf32, #tpu.memory_space<vmem>>, vector<1x16xf32>,
    }
    %scan3A_5 = arith.constant 128 : i32
    %mul3A = arith.constant 640 : i32
    %mul3A_6 = arith.muli %arg1, %mul3A : i32
    %add3A = arith.constant 0 : i32
    %add3A_7 = arith.addi %mul3A_6, %add3A : i32
    "tpu.region"() ({
      %run_scoped3A = tpu.sem_alloc : memref<!tpu.dma_semaphore, #tpu.memory_space<semaphore_mem>>
      %dma_start3A = arith.constant 0 : i32
      %dma_start3A_42 = tpu.memref_slice %arg15[%add3A_7, %dma_start3A] : memref<10240x64xf32, #tpu.memory_space<vmem_shared>> -> memref<128x64xf32, #tpu.memory_space<vmem_shared>>
      %dma_start3A_43 = arith.constant 0 : i32
      %dma_start3A_44 = tpu.memref_slice %arg15[%add3A_7, %dma_start3A_43] : memref<10240x64xf32, #tpu.memory_space<vmem_shared>> -> memref<128x64xf32, #tpu.memory_space<vmem_shared>>
      tpu.enqueue_dma source(%arg14 : memref<128x64xf32, #tpu.memory_space<vmem>>) target(%dma_start3A_44 : memref<128x64xf32, #tpu.memory_space<vmem_shared>>) target_semaphore(%run_scoped3A : memref<!tpu.dma_semaphore, #tpu.memory_space<semaphore_mem>>)
      %dma_wait3A = arith.constant 0 : i32
      %dma_wait3A_45 = tpu.memref_slice %arg15[%add3A_7, %dma_wait3A] : memref<10240x64xf32, #tpu.memory_space<vmem_shared>> -> memref<128x64xf32, #tpu.memory_space<vmem_shared>>
      %dma_wait3A_46 = arith.constant 0 : i32
      %dma_wait3A_47 = tpu.memref_slice %arg15[%add3A_7, %dma_wait3A_46] : memref<10240x64xf32, #tpu.memory_space<vmem_shared>> -> memref<128x64xf32, #tpu.memory_space<vmem_shared>>
      tpu.wait_dma2 semaphore(%run_scoped3A : memref<!tpu.dma_semaphore, #tpu.memory_space<semaphore_mem>>) src(%arg14 : memref<128x64xf32, #tpu.memory_space<vmem>>) dst(%dma_wait3A_47 : memref<128x64xf32, #tpu.memory_space<vmem_shared>>)
      tpu.yield
    }) : () -> ()
    %mul3A_8 = arith.constant 640 : i32
    %mul3A_9 = arith.muli %arg1, %mul3A_8 : i32
    %add3A_10 = arith.constant 128 : i32
    %add3A_11 = arith.addi %mul3A_9, %add3A_10 : i32
    "tpu.region"() ({
      %run_scoped3A = tpu.sem_alloc : memref<!tpu.dma_semaphore, #tpu.memory_space<semaphore_mem>>
      %dma_start3A = arith.constant 0 : i32
      %dma_start3A_42 = tpu.memref_slice %arg15[%add3A_11, %dma_start3A] : memref<10240x64xf32, #tpu.memory_space<vmem_shared>> -> memref<128x64xf32, #tpu.memory_space<vmem_shared>>
      %dma_start3A_43 = arith.constant 0 : i32
      %dma_start3A_44 = tpu.memref_slice %arg15[%add3A_11, %dma_start3A_43] : memref<10240x64xf32, #tpu.memory_space<vmem_shared>> -> memref<128x64xf32, #tpu.memory_space<vmem_shared>>
      tpu.enqueue_dma source(%arg14 : memref<128x64xf32, #tpu.memory_space<vmem>>) target(%dma_start3A_44 : memref<128x64xf32, #tpu.memory_space<vmem_shared>>) target_semaphore(%run_scoped3A : memref<!tpu.dma_semaphore, #tpu.memory_space<semaphore_mem>>)
      %dma_wait3A = arith.constant 0 : i32
      %dma_wait3A_45 = tpu.memref_slice %arg15[%add3A_11, %dma_wait3A] : memref<10240x64xf32, #tpu.memory_space<vmem_shared>> -> memref<128x64xf32, #tpu.memory_space<vmem_shared>>
      %dma_wait3A_46 = arith.constant 0 : i32
      %dma_wait3A_47 = tpu.memref_slice %arg15[%add3A_11, %dma_wait3A_46] : memref<10240x64xf32, #tpu.memory_space<vmem_shared>> -> memref<128x64xf32, #tpu.memory_space<vmem_shared>>
      tpu.wait_dma2 semaphore(%run_scoped3A : memref<!tpu.dma_semaphore, #tpu.memory_space<semaphore_mem>>) src(%arg14 : memref<128x64xf32, #tpu.memory_space<vmem>>) dst(%dma_wait3A_47 : memref<128x64xf32, #tpu.memory_space<vmem_shared>>)
      tpu.yield
    }) : () -> ()
    %mul3A_12 = arith.constant 640 : i32
    %mul3A_13 = arith.muli %arg1, %mul3A_12 : i32
    %add3A_14 = arith.constant 256 : i32
    %add3A_15 = arith.addi %mul3A_13, %add3A_14 : i32
    "tpu.region"() ({
      %run_scoped3A = tpu.sem_alloc : memref<!tpu.dma_semaphore, #tpu.memory_space<semaphore_mem>>
      %dma_start3A = arith.constant 0 : i32
      %dma_start3A_42 = tpu.memref_slice %arg15[%add3A_15, %dma_start3A] : memref<10240x64xf32, #tpu.memory_space<vmem_shared>> -> memref<128x64xf32, #tpu.memory_space<vmem_shared>>
      %dma_start3A_43 = arith.constant 0 : i32
      %dma_start3A_44 = tpu.memref_slice %arg15[%add3A_15, %dma_start3A_43] : memref<10240x64xf32, #tpu.memory_space<vmem_shared>> -> memref<128x64xf32, #tpu.memory_space<vmem_shared>>
      tpu.enqueue_dma source(%arg14 : memref<128x64xf32, #tpu.memory_space<vmem>>) target(%dma_start3A_44 : memref<128x64xf32, #tpu.memory_space<vmem_shared>>) target_semaphore(%run_scoped3A : memref<!tpu.dma_semaphore, #tpu.memory_space<semaphore_mem>>)
      %dma_wait3A = arith.constant 0 : i32
      %dma_wait3A_45 = tpu.memref_slice %arg15[%add3A_15, %dma_wait3A] : memref<10240x64xf32, #tpu.memory_space<vmem_shared>> -> memref<128x64xf32, #tpu.memory_space<vmem_shared>>
      %dma_wait3A_46 = arith.constant 0 : i32
      %dma_wait3A_47 = tpu.memref_slice %arg15[%add3A_15, %dma_wait3A_46] : memref<10240x64xf32, #tpu.memory_space<vmem_shared>> -> memref<128x64xf32, #tpu.memory_space<vmem_shared>>
      tpu.wait_dma2 semaphore(%run_scoped3A : memref<!tpu.dma_semaphore, #tpu.memory_space<semaphore_mem>>) src(%arg14 : memref<128x64xf32, #tpu.memory_space<vmem>>) dst(%dma_wait3A_47 : memref<128x64xf32, #tpu.memory_space<vmem_shared>>)
      tpu.yield
    }) : () -> ()
    %mul3A_16 = arith.constant 640 : i32
    %mul3A_17 = arith.muli %arg1, %mul3A_16 : i32
    %add3A_18 = arith.constant 384 : i32
    %add3A_19 = arith.addi %mul3A_17, %add3A_18 : i32
    "tpu.region"() ({
      %run_scoped3A = tpu.sem_alloc : memref<!tpu.dma_semaphore, #tpu.memory_space<semaphore_mem>>
      %dma_start3A = arith.constant 0 : i32
      %dma_start3A_42 = tpu.memref_slice %arg15[%add3A_19, %dma_start3A] : memref<10240x64xf32, #tpu.memory_space<vmem_shared>> -> memref<128x64xf32, #tpu.memory_space<vmem_shared>>
      %dma_start3A_43 = arith.constant 0 : i32
      %dma_start3A_44 = tpu.memref_slice %arg15[%add3A_19, %dma_start3A_43] : memref<10240x64xf32, #tpu.memory_space<vmem_shared>> -> memref<128x64xf32, #tpu.memory_space<vmem_shared>>
      tpu.enqueue_dma source(%arg14 : memref<128x64xf32, #tpu.memory_space<vmem>>) target(%dma_start3A_44 : memref<128x64xf32, #tpu.memory_space<vmem_shared>>) target_semaphore(%run_scoped3A : memref<!tpu.dma_semaphore, #tpu.memory_space<semaphore_mem>>)
      %dma_wait3A = arith.constant 0 : i32
      %dma_wait3A_45 = tpu.memref_slice %arg15[%add3A_19, %dma_wait3A] : memref<10240x64xf32, #tpu.memory_space<vmem_shared>> -> memref<128x64xf32, #tpu.memory_space<vmem_shared>>
      %dma_wait3A_46 = arith.constant 0 : i32
      %dma_wait3A_47 = tpu.memref_slice %arg15[%add3A_19, %dma_wait3A_46] : memref<10240x64xf32, #tpu.memory_space<vmem_shared>> -> memref<128x64xf32, #tpu.memory_space<vmem_shared>>
      tpu.wait_dma2 semaphore(%run_scoped3A : memref<!tpu.dma_semaphore, #tpu.memory_space<semaphore_mem>>) src(%arg14 : memref<128x64xf32, #tpu.memory_space<vmem>>) dst(%dma_wait3A_47 : memref<128x64xf32, #tpu.memory_space<vmem_shared>>)
      tpu.yield
    }) : () -> ()
    %mul3A_20 = arith.constant 640 : i32
    %mul3A_21 = arith.muli %arg1, %mul3A_20 : i32
    %add3A_22 = arith.constant 512 : i32
    %add3A_23 = arith.addi %mul3A_21, %add3A_22 : i32
    "tpu.region"() ({
      %run_scoped3A = tpu.sem_alloc : memref<!tpu.dma_semaphore, #tpu.memory_space<semaphore_mem>>
      %dma_start3A = arith.constant 0 : i32
      %dma_start3A_42 = tpu.memref_slice %arg15[%add3A_23, %dma_start3A] : memref<10240x64xf32, #tpu.memory_space<vmem_shared>> -> memref<128x64xf32, #tpu.memory_space<vmem_shared>>
      %dma_start3A_43 = arith.constant 0 : i32
      %dma_start3A_44 = tpu.memref_slice %arg15[%add3A_23, %dma_start3A_43] : memref<10240x64xf32, #tpu.memory_space<vmem_shared>> -> memref<128x64xf32, #tpu.memory_space<vmem_shared>>
      tpu.enqueue_dma source(%arg14 : memref<128x64xf32, #tpu.memory_space<vmem>>) target(%dma_start3A_44 : memref<128x64xf32, #tpu.memory_space<vmem_shared>>) target_semaphore(%run_scoped3A : memref<!tpu.dma_semaphore, #tpu.memory_space<semaphore_mem>>)
      %dma_wait3A = arith.constant 0 : i32
      %dma_wait3A_45 = tpu.memref_slice %arg15[%add3A_23, %dma_wait3A] : memref<10240x64xf32, #tpu.memory_space<vmem_shared>> -> memref<128x64xf32, #tpu.memory_space<vmem_shared>>
      %dma_wait3A_46 = arith.constant 0 : i32
      %dma_wait3A_47 = tpu.memref_slice %arg15[%add3A_23, %dma_wait3A_46] : memref<10240x64xf32, #tpu.memory_space<vmem_shared>> -> memref<128x64xf32, #tpu.memory_space<vmem_shared>>
      tpu.wait_dma2 semaphore(%run_scoped3A : memref<!tpu.dma_semaphore, #tpu.memory_space<semaphore_mem>>) src(%arg14 : memref<128x64xf32, #tpu.memory_space<vmem>>) dst(%dma_wait3A_47 : memref<128x64xf32, #tpu.memory_space<vmem_shared>>)
      tpu.yield
    }) : () -> ()
    %barrier3A = arith.constant 0 : index
    tpu.barrier barrier_id(%barrier3A)
    %eq3A = arith.constant 0 : i32
    %eq3A_24 = arith.cmpi eq, %arg0, %eq3A : i32
    %convert_element_type3A = arith.extui %eq3A_24 : i1 to i32
    %cond3A = arith.constant 0 : i32
    %cond3A_25 = arith.cmpi ne, %convert_element_type3A, %cond3A : i32
    scf.if %cond3A_25 {
      %dma_start3A = arith.constant 0 : i32
      %dma_start3A_42 = arith.constant 0 : i32
      %dma_start3A_43 = tpu.memref_slice %arg8[%dma_start3A, %dma_start3A_42] : memref<252x80xi32, #tpu.memory_space<vmem>> -> memref<1x80xi32, #tpu.memory_space<vmem>>
      %dma_start3A_44 = tpu.memref_squeeze %dma_start3A_43 : memref<1x80xi32, #tpu.memory_space<vmem>> -> memref<80xi32, #tpu.memory_space<vmem>>
      %dma_start3A_45 = arith.constant 0 : i32
      %dma_start3A_46 = arith.constant 0 : i32
      %dma_start3A_47 = tpu.memref_slice %arg2[%dma_start3A_45, %dma_start3A_46] : memref<10240x64xf32, #tpu.memory_space<hbm>> -> memref<10240x64xf32, #tpu.memory_space<hbm>>
      tpu.enqueue_indirect_dma source(%dma_start3A_47 : memref<10240x64xf32, #tpu.memory_space<hbm>>) target(%arg10 : memref<80x64xf32, #tpu.memory_space<vmem>>) offsets(%dma_start3A_44 : memref<80xi32, #tpu.memory_space<vmem>>) semaphore(%arg16 : memref<!tpu.dma_semaphore, #tpu.memory_space<semaphore_mem>>)
      %scan3A_48 = arith.constant 0 : i32
      %scan3A_49 = arith.constant 0 : i32
      %scan3A_50 = arith.constant 63 : i32
      %scan3A_51 = arith.addi %scan3A_49, %scan3A_50 : i32
      %scan3A_52 = arith.constant 1 : i32
      scf.for %scan3A_74 = %scan3A_49 to %scan3A_51 step %scan3A_52  : i32 {
        %mul3A_75 = arith.constant 4 : i32
        %mul3A_76 = arith.muli %mul3A_75, %scan3A_74 : i32
        %gt3A = arith.constant 0 : i32
        %gt3A_77 = arith.cmpi sgt, %scan3A_74, %gt3A : i32
        %convert_element_type3A_78 = arith.extui %gt3A_77 : i1 to i32
        %cond3A_79 = arith.constant 0 : i32
        %cond3A_80 = arith.cmpi ne, %convert_element_type3A_78, %cond3A_79 : i32
        scf.if %cond3A_80 {
          %dma_wait3A_192 = arith.constant 0 : i32
          %dma_wait3A_193 = arith.constant 0 : i32
          %dma_wait3A_194 = tpu.memref_slice %arg9[%dma_wait3A_192, %dma_wait3A_193] : memref<252x80xi32, #tpu.memory_space<vmem>> -> memref<1x80xi32, #tpu.memory_space<vmem>>
          %dma_wait3A_195 = tpu.memref_squeeze %dma_wait3A_194 : memref<1x80xi32, #tpu.memory_space<vmem>> -> memref<80xi32, #tpu.memory_space<vmem>>
          %dma_wait3A_196 = arith.constant 0 : i32
          %dma_wait3A_197 = arith.constant 0 : i32
          %dma_wait3A_198 = tpu.memref_slice %arg15[%dma_wait3A_196, %dma_wait3A_197] : memref<10240x64xf32, #tpu.memory_space<vmem_shared>> -> memref<10240x64xf32, #tpu.memory_space<vmem_shared>>
          tpu.wait_indirect_dma semaphore(%arg21 : memref<!tpu.dma_semaphore, #tpu.memory_space<semaphore_mem>>) src(%arg11 : memref<80x64xf32, #tpu.memory_space<vmem>>) dst(%dma_wait3A_198 : memref<10240x64xf32, #tpu.memory_space<vmem_shared>>)
        } else {
        }
        %add3A_81 = arith.constant 0 : i32
        %add3A_82 = arith.addi %mul3A_76, %add3A_81 : i32
        %add3A_83 = arith.constant 1 : i32
        %add3A_84 = arith.addi %add3A_82, %add3A_83 : i32
        %dma_start3A_85 = arith.constant 0 : i32
        %dma_start3A_86 = tpu.memref_slice %arg8[%add3A_84, %dma_start3A_85] : memref<252x80xi32, #tpu.memory_space<vmem>> -> memref<1x80xi32, #tpu.memory_space<vmem>>
        %dma_start3A_87 = tpu.memref_squeeze %dma_start3A_86 : memref<1x80xi32, #tpu.memory_space<vmem>> -> memref<80xi32, #tpu.memory_space<vmem>>
        %dma_start3A_88 = arith.constant 0 : i32
        %dma_start3A_89 = arith.constant 0 : i32
        %dma_start3A_90 = tpu.memref_slice %arg2[%dma_start3A_88, %dma_start3A_89] : memref<10240x64xf32, #tpu.memory_space<hbm>> -> memref<10240x64xf32, #tpu.memory_space<hbm>>
        tpu.enqueue_indirect_dma source(%dma_start3A_90 : memref<10240x64xf32, #tpu.memory_space<hbm>>) target(%arg11 : memref<80x64xf32, #tpu.memory_space<vmem>>) offsets(%dma_start3A_87 : memref<80xi32, #tpu.memory_space<vmem>>) semaphore(%arg17 : memref<!tpu.dma_semaphore, #tpu.memory_space<semaphore_mem>>)
        %dma_wait3A_91 = arith.constant 0 : i32
        %dma_wait3A_92 = arith.constant 0 : i32
        %dma_wait3A_93 = tpu.memref_slice %arg8[%dma_wait3A_91, %dma_wait3A_92] : memref<252x80xi32, #tpu.memory_space<vmem>> -> memref<1x80xi32, #tpu.memory_space<vmem>>
        %dma_wait3A_94 = tpu.memref_squeeze %dma_wait3A_93 : memref<1x80xi32, #tpu.memory_space<vmem>> -> memref<80xi32, #tpu.memory_space<vmem>>
        %dma_wait3A_95 = arith.constant 0 : i32
        %dma_wait3A_96 = arith.constant 0 : i32
        %dma_wait3A_97 = tpu.memref_slice %arg2[%dma_wait3A_95, %dma_wait3A_96] : memref<10240x64xf32, #tpu.memory_space<hbm>> -> memref<10240x64xf32, #tpu.memory_space<hbm>>
        tpu.wait_indirect_dma semaphore(%arg16 : memref<!tpu.dma_semaphore, #tpu.memory_space<semaphore_mem>>) src(%dma_wait3A_97 : memref<10240x64xf32, #tpu.memory_space<hbm>>) dst(%arg10 : memref<80x64xf32, #tpu.memory_space<vmem>>)
        %add3A_98 = arith.constant 0 : i32
        %add3A_99 = arith.addi %mul3A_76, %add3A_98 : i32
        %dma_start3A_100 = arith.constant 0 : i32
        %dma_start3A_101 = tpu.memref_slice %arg9[%add3A_99, %dma_start3A_100] : memref<252x80xi32, #tpu.memory_space<vmem>> -> memref<1x80xi32, #tpu.memory_space<vmem>>
        %dma_start3A_102 = tpu.memref_squeeze %dma_start3A_101 : memref<1x80xi32, #tpu.memory_space<vmem>> -> memref<80xi32, #tpu.memory_space<vmem>>
        %dma_start3A_103 = arith.constant 0 : i32
        %dma_start3A_104 = arith.constant 0 : i32
        %dma_start3A_105 = tpu.memref_slice %arg15[%dma_start3A_103, %dma_start3A_104] : memref<10240x64xf32, #tpu.memory_space<vmem_shared>> -> memref<10240x64xf32, #tpu.memory_space<vmem_shared>>
        tpu.enqueue_indirect_dma source(%arg10 : memref<80x64xf32, #tpu.memory_space<vmem>>) target(%dma_start3A_105 : memref<10240x64xf32, #tpu.memory_space<vmem_shared>>) offsets(%dma_start3A_102 : memref<80xi32, #tpu.memory_space<vmem>>) semaphore(%arg20 : memref<!tpu.dma_semaphore, #tpu.memory_space<semaphore_mem>>) {add = true}
        %gt3A_106 = arith.constant 0 : i32
        %gt3A_107 = arith.cmpi sgt, %scan3A_74, %gt3A_106 : i32
        %convert_element_type3A_108 = arith.extui %gt3A_107 : i1 to i32
        %cond3A_109 = arith.constant 0 : i32
        %cond3A_110 = arith.cmpi ne, %convert_element_type3A_108, %cond3A_109 : i32
        scf.if %cond3A_110 {
          %dma_wait3A_192 = arith.constant 0 : i32
          %dma_wait3A_193 = arith.constant 0 : i32
          %dma_wait3A_194 = tpu.memref_slice %arg9[%dma_wait3A_192, %dma_wait3A_193] : memref<252x80xi32, #tpu.memory_space<vmem>> -> memref<1x80xi32, #tpu.memory_space<vmem>>
          %dma_wait3A_195 = tpu.memref_squeeze %dma_wait3A_194 : memref<1x80xi32, #tpu.memory_space<vmem>> -> memref<80xi32, #tpu.memory_space<vmem>>
          %dma_wait3A_196 = arith.constant 0 : i32
          %dma_wait3A_197 = arith.constant 0 : i32
          %dma_wait3A_198 = tpu.memref_slice %arg15[%dma_wait3A_196, %dma_wait3A_197] : memref<10240x64xf32, #tpu.memory_space<vmem_shared>> -> memref<10240x64xf32, #tpu.memory_space<vmem_shared>>
          tpu.wait_indirect_dma semaphore(%arg22 : memref<!tpu.dma_semaphore, #tpu.memory_space<semaphore_mem>>) src(%arg12 : memref<80x64xf32, #tpu.memory_space<vmem>>) dst(%dma_wait3A_198 : memref<10240x64xf32, #tpu.memory_space<vmem_shared>>)
        } else {
        }
        %add3A_111 = arith.constant 1 : i32
        %add3A_112 = arith.addi %mul3A_76, %add3A_111 : i32
        %add3A_113 = arith.constant 1 : i32
        %add3A_114 = arith.addi %add3A_112, %add3A_113 : i32
        %dma_start3A_115 = arith.constant 0 : i32
        %dma_start3A_116 = tpu.memref_slice %arg8[%add3A_114, %dma_start3A_115] : memref<252x80xi32, #tpu.memory_space<vmem>> -> memref<1x80xi32, #tpu.memory_space<vmem>>
        %dma_start3A_117 = tpu.memref_squeeze %dma_start3A_116 : memref<1x80xi32, #tpu.memory_space<vmem>> -> memref<80xi32, #tpu.memory_space<vmem>>
        %dma_start3A_118 = arith.constant 0 : i32
        %dma_start3A_119 = arith.constant 0 : i32
        %dma_start3A_120 = tpu.memref_slice %arg2[%dma_start3A_118, %dma_start3A_119] : memref<10240x64xf32, #tpu.memory_space<hbm>> -> memref<10240x64xf32, #tpu.memory_space<hbm>>
        tpu.enqueue_indirect_dma source(%dma_start3A_120 : memref<10240x64xf32, #tpu.memory_space<hbm>>) target(%arg12 : memref<80x64xf32, #tpu.memory_space<vmem>>) offsets(%dma_start3A_117 : memref<80xi32, #tpu.memory_space<vmem>>) semaphore(%arg18 : memref<!tpu.dma_semaphore, #tpu.memory_space<semaphore_mem>>)
        %dma_wait3A_121 = arith.constant 0 : i32
        %dma_wait3A_122 = arith.constant 0 : i32
        %dma_wait3A_123 = tpu.memref_slice %arg8[%dma_wait3A_121, %dma_wait3A_122] : memref<252x80xi32, #tpu.memory_space<vmem>> -> memref<1x80xi32, #tpu.memory_space<vmem>>
        %dma_wait3A_124 = tpu.memref_squeeze %dma_wait3A_123 : memref<1x80xi32, #tpu.memory_space<vmem>> -> memref<80xi32, #tpu.memory_space<vmem>>
        %dma_wait3A_125 = arith.constant 0 : i32
        %dma_wait3A_126 = arith.constant 0 : i32
        %dma_wait3A_127 = tpu.memref_slice %arg2[%dma_wait3A_125, %dma_wait3A_126] : memref<10240x64xf32, #tpu.memory_space<hbm>> -> memref<10240x64xf32, #tpu.memory_space<hbm>>
        tpu.wait_indirect_dma semaphore(%arg17 : memref<!tpu.dma_semaphore, #tpu.memory_space<semaphore_mem>>) src(%dma_wait3A_127 : memref<10240x64xf32, #tpu.memory_space<hbm>>) dst(%arg11 : memref<80x64xf32, #tpu.memory_space<vmem>>)
        %add3A_128 = arith.constant 1 : i32
        %add3A_129 = arith.addi %mul3A_76, %add3A_128 : i32
        %dma_start3A_130 = arith.constant 0 : i32
        %dma_start3A_131 = tpu.memref_slice %arg9[%add3A_129, %dma_start3A_130] : memref<252x80xi32, #tpu.memory_space<vmem>> -> memref<1x80xi32, #tpu.memory_space<vmem>>
        %dma_start3A_132 = tpu.memref_squeeze %dma_start3A_131 : memref<1x80xi32, #tpu.memory_space<vmem>> -> memref<80xi32, #tpu.memory_space<vmem>>
        %dma_start3A_133 = arith.constant 0 : i32
        %dma_start3A_134 = arith.constant 0 : i32
        %dma_start3A_135 = tpu.memref_slice %arg15[%dma_start3A_133, %dma_start3A_134] : memref<10240x64xf32, #tpu.memory_space<vmem_shared>> -> memref<10240x64xf32, #tpu.memory_space<vmem_shared>>
        tpu.enqueue_indirect_dma source(%arg11 : memref<80x64xf32, #tpu.memory_space<vmem>>) target(%dma_start3A_135 : memref<10240x64xf32, #tpu.memory_space<vmem_shared>>) offsets(%dma_start3A_132 : memref<80xi32, #tpu.memory_space<vmem>>) semaphore(%arg21 : memref<!tpu.dma_semaphore, #tpu.memory_space<semaphore_mem>>) {add = true}
        %gt3A_136 = arith.constant 0 : i32
        %gt3A_137 = arith.cmpi sgt, %scan3A_74, %gt3A_136 : i32
        %convert_element_type3A_138 = arith.extui %gt3A_137 : i1 to i32
        %cond3A_139 = arith.constant 0 : i32
        %cond3A_140 = arith.cmpi ne, %convert_element_type3A_138, %cond3A_139 : i32
        scf.if %cond3A_140 {
          %dma_wait3A_192 = arith.constant 0 : i32
          %dma_wait3A_193 = arith.constant 0 : i32
          %dma_wait3A_194 = tpu.memref_slice %arg9[%dma_wait3A_192, %dma_wait3A_193] : memref<252x80xi32, #tpu.memory_space<vmem>> -> memref<1x80xi32, #tpu.memory_space<vmem>>
          %dma_wait3A_195 = tpu.memref_squeeze %dma_wait3A_194 : memref<1x80xi32, #tpu.memory_space<vmem>> -> memref<80xi32, #tpu.memory_space<vmem>>
          %dma_wait3A_196 = arith.constant 0 : i32
          %dma_wait3A_197 = arith.constant 0 : i32
          %dma_wait3A_198 = tpu.memref_slice %arg15[%dma_wait3A_196, %dma_wait3A_197] : memref<10240x64xf32, #tpu.memory_space<vmem_shared>> -> memref<10240x64xf32, #tpu.memory_space<vmem_shared>>
          tpu.wait_indirect_dma semaphore(%arg23 : memref<!tpu.dma_semaphore, #tpu.memory_space<semaphore_mem>>) src(%arg13 : memref<80x64xf32, #tpu.memory_space<vmem>>) dst(%dma_wait3A_198 : memref<10240x64xf32, #tpu.memory_space<vmem_shared>>)
        } else {
        }
        %add3A_141 = arith.constant 2 : i32
        %add3A_142 = arith.addi %mul3A_76, %add3A_141 : i32
        %add3A_143 = arith.constant 1 : i32
        %add3A_144 = arith.addi %add3A_142, %add3A_143 : i32
        %dma_start3A_145 = arith.constant 0 : i32
        %dma_start3A_146 = tpu.memref_slice %arg8[%add3A_144, %dma_start3A_145] : memref<252x80xi32, #tpu.memory_space<vmem>> -> memref<1x80xi32, #tpu.memory_space<vmem>>
        %dma_start3A_147 = tpu.memref_squeeze %dma_start3A_146 : memref<1x80xi32, #tpu.memory_space<vmem>> -> memref<80xi32, #tpu.memory_space<vmem>>
        %dma_start3A_148 = arith.constant 0 : i32
        %dma_start3A_149 = arith.constant 0 : i32
        %dma_start3A_150 = tpu.memref_slice %arg2[%dma_start3A_148, %dma_start3A_149] : memref<10240x64xf32, #tpu.memory_space<hbm>> -> memref<10240x64xf32, #tpu.memory_space<hbm>>
        tpu.enqueue_indirect_dma source(%dma_start3A_150 : memref<10240x64xf32, #tpu.memory_space<hbm>>) target(%arg13 : memref<80x64xf32, #tpu.memory_space<vmem>>) offsets(%dma_start3A_147 : memref<80xi32, #tpu.memory_space<vmem>>) semaphore(%arg19 : memref<!tpu.dma_semaphore, #tpu.memory_space<semaphore_mem>>)
        %dma_wait3A_151 = arith.constant 0 : i32
        %dma_wait3A_152 = arith.constant 0 : i32
        %dma_wait3A_153 = tpu.memref_slice %arg8[%dma_wait3A_151, %dma_wait3A_152] : memref<252x80xi32, #tpu.memory_space<vmem>> -> memref<1x80xi32, #tpu.memory_space<vmem>>
        %dma_wait3A_154 = tpu.memref_squeeze %dma_wait3A_153 : memref<1x80xi32, #tpu.memory_space<vmem>> -> memref<80xi32, #tpu.memory_space<vmem>>
        %dma_wait3A_155 = arith.constant 0 : i32
        %dma_wait3A_156 = arith.constant 0 : i32
        %dma_wait3A_157 = tpu.memref_slice %arg2[%dma_wait3A_155, %dma_wait3A_156] : memref<10240x64xf32, #tpu.memory_space<hbm>> -> memref<10240x64xf32, #tpu.memory_space<hbm>>
        tpu.wait_indirect_dma semaphore(%arg18 : memref<!tpu.dma_semaphore, #tpu.memory_space<semaphore_mem>>) src(%dma_wait3A_157 : memref<10240x64xf32, #tpu.memory_space<hbm>>) dst(%arg12 : memref<80x64xf32, #tpu.memory_space<vmem>>)
        %add3A_158 = arith.constant 2 : i32
        %add3A_159 = arith.addi %mul3A_76, %add3A_158 : i32
        %dma_start3A_160 = arith.constant 0 : i32
        %dma_start3A_161 = tpu.memref_slice %arg9[%add3A_159, %dma_start3A_160] : memref<252x80xi32, #tpu.memory_space<vmem>> -> memref<1x80xi32, #tpu.memory_space<vmem>>
        %dma_start3A_162 = tpu.memref_squeeze %dma_start3A_161 : memref<1x80xi32, #tpu.memory_space<vmem>> -> memref<80xi32, #tpu.memory_space<vmem>>
        %dma_start3A_163 = arith.constant 0 : i32
        %dma_start3A_164 = arith.constant 0 : i32
        %dma_start3A_165 = tpu.memref_slice %arg15[%dma_start3A_163, %dma_start3A_164] : memref<10240x64xf32, #tpu.memory_space<vmem_shared>> -> memref<10240x64xf32, #tpu.memory_space<vmem_shared>>
        tpu.enqueue_indirect_dma source(%arg12 : memref<80x64xf32, #tpu.memory_space<vmem>>) target(%dma_start3A_165 : memref<10240x64xf32, #tpu.memory_space<vmem_shared>>) offsets(%dma_start3A_162 : memref<80xi32, #tpu.memory_space<vmem>>) semaphore(%arg22 : memref<!tpu.dma_semaphore, #tpu.memory_space<semaphore_mem>>) {add = true}
        %dma_wait3A_166 = arith.constant 0 : i32
        %dma_wait3A_167 = arith.constant 0 : i32
        %dma_wait3A_168 = tpu.memref_slice %arg9[%dma_wait3A_166, %dma_wait3A_167] : memref<252x80xi32, #tpu.memory_space<vmem>> -> memref<1x80xi32, #tpu.memory_space<vmem>>
        %dma_wait3A_169 = tpu.memref_squeeze %dma_wait3A_168 : memref<1x80xi32, #tpu.memory_space<vmem>> -> memref<80xi32, #tpu.memory_space<vmem>>
        %dma_wait3A_170 = arith.constant 0 : i32
        %dma_wait3A_171 = arith.constant 0 : i32
        %dma_wait3A_172 = tpu.memref_slice %arg15[%dma_wait3A_170, %dma_wait3A_171] : memref<10240x64xf32, #tpu.memory_space<vmem_shared>> -> memref<10240x64xf32, #tpu.memory_space<vmem_shared>>
        tpu.wait_indirect_dma semaphore(%arg20 : memref<!tpu.dma_semaphore, #tpu.memory_space<semaphore_mem>>) src(%arg10 : memref<80x64xf32, #tpu.memory_space<vmem>>) dst(%dma_wait3A_172 : memref<10240x64xf32, #tpu.memory_space<vmem_shared>>)
        %lt3A = arith.constant 62 : i32
        %lt3A_173 = arith.cmpi slt, %scan3A_74, %lt3A : i32
        %convert_element_type3A_174 = arith.extui %lt3A_173 : i1 to i32
        %cond3A_175 = arith.constant 0 : i32
        %cond3A_176 = arith.cmpi ne, %convert_element_type3A_174, %cond3A_175 : i32
        scf.if %cond3A_176 {
          %add3A_192 = arith.constant 4 : i32
          %add3A_193 = arith.addi %mul3A_76, %add3A_192 : i32
          %dma_start3A_194 = arith.constant 0 : i32
          %dma_start3A_195 = tpu.memref_slice %arg8[%add3A_193, %dma_start3A_194] : memref<252x80xi32, #tpu.memory_space<vmem>> -> memref<1x80xi32, #tpu.memory_space<vmem>>
          %dma_start3A_196 = tpu.memref_squeeze %dma_start3A_195 : memref<1x80xi32, #tpu.memory_space<vmem>> -> memref<80xi32, #tpu.memory_space<vmem>>
          %dma_start3A_197 = arith.constant 0 : i32
          %dma_start3A_198 = arith.constant 0 : i32
          %dma_start3A_199 = tpu.memref_slice %arg2[%dma_start3A_197, %dma_start3A_198] : memref<10240x64xf32, #tpu.memory_space<hbm>> -> memref<10240x64xf32, #tpu.memory_space<hbm>>
          tpu.enqueue_indirect_dma source(%dma_start3A_199 : memref<10240x64xf32, #tpu.memory_space<hbm>>) target(%arg10 : memref<80x64xf32, #tpu.memory_space<vmem>>) offsets(%dma_start3A_196 : memref<80xi32, #tpu.memory_space<vmem>>) semaphore(%arg16 : memref<!tpu.dma_semaphore, #tpu.memory_space<semaphore_mem>>)
        } else {
        }
        %dma_wait3A_177 = arith.constant 0 : i32
        %dma_wait3A_178 = arith.constant 0 : i32
        %dma_wait3A_179 = tpu.memref_slice %arg8[%dma_wait3A_177, %dma_wait3A_178] : memref<252x80xi32, #tpu.memory_space<vmem>> -> memref<1x80xi32, #tpu.memory_space<vmem>>
        %dma_wait3A_180 = tpu.memref_squeeze %dma_wait3A_179 : memref<1x80xi32, #tpu.memory_space<vmem>> -> memref<80xi32, #tpu.memory_space<vmem>>
        %dma_wait3A_181 = arith.constant 0 : i32
        %dma_wait3A_182 = arith.constant 0 : i32
        %dma_wait3A_183 = tpu.memref_slice %arg2[%dma_wait3A_181, %dma_wait3A_182] : memref<10240x64xf32, #tpu.memory_space<hbm>> -> memref<10240x64xf32, #tpu.memory_space<hbm>>
        tpu.wait_indirect_dma semaphore(%arg19 : memref<!tpu.dma_semaphore, #tpu.memory_space<semaphore_mem>>) src(%dma_wait3A_183 : memref<10240x64xf32, #tpu.memory_space<hbm>>) dst(%arg13 : memref<80x64xf32, #tpu.memory_space<vmem>>)
        %add3A_184 = arith.constant 3 : i32
        %add3A_185 = arith.addi %mul3A_76, %add3A_184 : i32
        %dma_start3A_186 = arith.constant 0 : i32
        %dma_start3A_187 = tpu.memref_slice %arg9[%add3A_185, %dma_start3A_186] : memref<252x80xi32, #tpu.memory_space<vmem>> -> memref<1x80xi32, #tpu.memory_space<vmem>>
        %dma_start3A_188 = tpu.memref_squeeze %dma_start3A_187 : memref<1x80xi32, #tpu.memory_space<vmem>> -> memref<80xi32, #tpu.memory_space<vmem>>
        %dma_start3A_189 = arith.constant 0 : i32
        %dma_start3A_190 = arith.constant 0 : i32
        %dma_start3A_191 = tpu.memref_slice %arg15[%dma_start3A_189, %dma_start3A_190] : memref<10240x64xf32, #tpu.memory_space<vmem_shared>> -> memref<10240x64xf32, #tpu.memory_space<vmem_shared>>
        tpu.enqueue_indirect_dma source(%arg13 : memref<80x64xf32, #tpu.memory_space<vmem>>) target(%dma_start3A_191 : memref<10240x64xf32, #tpu.memory_space<vmem_shared>>) offsets(%dma_start3A_188 : memref<80xi32, #tpu.memory_space<vmem>>) semaphore(%arg23 : memref<!tpu.dma_semaphore, #tpu.memory_space<semaphore_mem>>) {add = true}
      }
      %scan3A_53 = arith.constant 63 : i32
      %dma_wait3A = arith.constant 0 : i32
      %dma_wait3A_54 = arith.constant 0 : i32
      %dma_wait3A_55 = tpu.memref_slice %arg9[%dma_wait3A, %dma_wait3A_54] : memref<252x80xi32, #tpu.memory_space<vmem>> -> memref<1x80xi32, #tpu.memory_space<vmem>>
      %dma_wait3A_56 = tpu.memref_squeeze %dma_wait3A_55 : memref<1x80xi32, #tpu.memory_space<vmem>> -> memref<80xi32, #tpu.memory_space<vmem>>
      %dma_wait3A_57 = arith.constant 0 : i32
      %dma_wait3A_58 = arith.constant 0 : i32
      %dma_wait3A_59 = tpu.memref_slice %arg15[%dma_wait3A_57, %dma_wait3A_58] : memref<10240x64xf32, #tpu.memory_space<vmem_shared>> -> memref<10240x64xf32, #tpu.memory_space<vmem_shared>>
      tpu.wait_indirect_dma semaphore(%arg21 : memref<!tpu.dma_semaphore, #tpu.memory_space<semaphore_mem>>) src(%arg11 : memref<80x64xf32, #tpu.memory_space<vmem>>) dst(%dma_wait3A_59 : memref<10240x64xf32, #tpu.memory_space<vmem_shared>>)
      %dma_wait3A_60 = arith.constant 0 : i32
      %dma_wait3A_61 = arith.constant 0 : i32
      %dma_wait3A_62 = tpu.memref_slice %arg9[%dma_wait3A_60, %dma_wait3A_61] : memref<252x80xi32, #tpu.memory_space<vmem>> -> memref<1x80xi32, #tpu.memory_space<vmem>>
      %dma_wait3A_63 = tpu.memref_squeeze %dma_wait3A_62 : memref<1x80xi32, #tpu.memory_space<vmem>> -> memref<80xi32, #tpu.memory_space<vmem>>
      %dma_wait3A_64 = arith.constant 0 : i32
      %dma_wait3A_65 = arith.constant 0 : i32
      %dma_wait3A_66 = tpu.memref_slice %arg15[%dma_wait3A_64, %dma_wait3A_65] : memref<10240x64xf32, #tpu.memory_space<vmem_shared>> -> memref<10240x64xf32, #tpu.memory_space<vmem_shared>>
      tpu.wait_indirect_dma semaphore(%arg22 : memref<!tpu.dma_semaphore, #tpu.memory_space<semaphore_mem>>) src(%arg12 : memref<80x64xf32, #tpu.memory_space<vmem>>) dst(%dma_wait3A_66 : memref<10240x64xf32, #tpu.memory_space<vmem_shared>>)
      %dma_wait3A_67 = arith.constant 0 : i32
      %dma_wait3A_68 = arith.constant 0 : i32
      %dma_wait3A_69 = tpu.memref_slice %arg9[%dma_wait3A_67, %dma_wait3A_68] : memref<252x80xi32, #tpu.memory_space<vmem>> -> memref<1x80xi32, #tpu.memory_space<vmem>>
      %dma_wait3A_70 = tpu.memref_squeeze %dma_wait3A_69 : memref<1x80xi32, #tpu.memory_space<vmem>> -> memref<80xi32, #tpu.memory_space<vmem>>
      %dma_wait3A_71 = arith.constant 0 : i32
      %dma_wait3A_72 = arith.constant 0 : i32
      %dma_wait3A_73 = tpu.memref_slice %arg15[%dma_wait3A_71, %dma_wait3A_72] : memref<10240x64xf32, #tpu.memory_space<vmem_shared>> -> memref<10240x64xf32, #tpu.memory_space<vmem_shared>>
      tpu.wait_indirect_dma semaphore(%arg23 : memref<!tpu.dma_semaphore, #tpu.memory_space<semaphore_mem>>) src(%arg13 : memref<80x64xf32, #tpu.memory_space<vmem>>) dst(%dma_wait3A_73 : memref<10240x64xf32, #tpu.memory_space<vmem_shared>>)
    } else {
    }
    %eq3A_26 = arith.constant 1 : i32
    %eq3A_27 = arith.cmpi eq, %arg0, %eq3A_26 : i32
    %convert_element_type3A_28 = arith.extui %eq3A_27 : i1 to i32
    %cond3A_29 = arith.constant 0 : i32
    %cond3A_30 = arith.cmpi ne, %convert_element_type3A_28, %cond3A_29 : i32
    scf.if %cond3A_30 {
      %dma_start3A = arith.constant 0 : i32
      %dma_start3A_42 = arith.constant 0 : i32
      %dma_start3A_43 = tpu.memref_slice %arg8[%dma_start3A, %dma_start3A_42] : memref<252x80xi32, #tpu.memory_space<vmem>> -> memref<1x80xi32, #tpu.memory_space<vmem>>
      %dma_start3A_44 = tpu.memref_squeeze %dma_start3A_43 : memref<1x80xi32, #tpu.memory_space<vmem>> -> memref<80xi32, #tpu.memory_space<vmem>>
      %dma_start3A_45 = arith.constant 0 : i32
      %dma_start3A_46 = arith.constant 0 : i32
      %dma_start3A_47 = tpu.memref_slice %arg3[%dma_start3A_45, %dma_start3A_46] : memref<10240x64xf32, #tpu.memory_space<hbm>> -> memref<10240x64xf32, #tpu.memory_space<hbm>>
      tpu.enqueue_indirect_dma source(%dma_start3A_47 : memref<10240x64xf32, #tpu.memory_space<hbm>>) target(%arg10 : memref<80x64xf32, #tpu.memory_space<vmem>>) offsets(%dma_start3A_44 : memref<80xi32, #tpu.memory_space<vmem>>) semaphore(%arg16 : memref<!tpu.dma_semaphore, #tpu.memory_space<semaphore_mem>>)
      %scan3A_48 = arith.constant 0 : i32
      %scan3A_49 = arith.constant 0 : i32
      %scan3A_50 = arith.constant 63 : i32
      %scan3A_51 = arith.addi %scan3A_49, %scan3A_50 : i32
      %scan3A_52 = arith.constant 1 : i32
      scf.for %scan3A_74 = %scan3A_49 to %scan3A_51 step %scan3A_52  : i32 {
        %mul3A_75 = arith.constant 4 : i32
        %mul3A_76 = arith.muli %mul3A_75, %scan3A_74 : i32
        %gt3A = arith.constant 0 : i32
        %gt3A_77 = arith.cmpi sgt, %scan3A_74, %gt3A : i32
        %convert_element_type3A_78 = arith.extui %gt3A_77 : i1 to i32
        %cond3A_79 = arith.constant 0 : i32
        %cond3A_80 = arith.cmpi ne, %convert_element_type3A_78, %cond3A_79 : i32
        scf.if %cond3A_80 {
          %dma_wait3A_192 = arith.constant 0 : i32
          %dma_wait3A_193 = arith.constant 0 : i32
          %dma_wait3A_194 = tpu.memref_slice %arg9[%dma_wait3A_192, %dma_wait3A_193] : memref<252x80xi32, #tpu.memory_space<vmem>> -> memref<1x80xi32, #tpu.memory_space<vmem>>
          %dma_wait3A_195 = tpu.memref_squeeze %dma_wait3A_194 : memref<1x80xi32, #tpu.memory_space<vmem>> -> memref<80xi32, #tpu.memory_space<vmem>>
          %dma_wait3A_196 = arith.constant 0 : i32
          %dma_wait3A_197 = arith.constant 0 : i32
          %dma_wait3A_198 = tpu.memref_slice %arg15[%dma_wait3A_196, %dma_wait3A_197] : memref<10240x64xf32, #tpu.memory_space<vmem_shared>> -> memref<10240x64xf32, #tpu.memory_space<vmem_shared>>
          tpu.wait_indirect_dma semaphore(%arg21 : memref<!tpu.dma_semaphore, #tpu.memory_space<semaphore_mem>>) src(%arg11 : memref<80x64xf32, #tpu.memory_space<vmem>>) dst(%dma_wait3A_198 : memref<10240x64xf32, #tpu.memory_space<vmem_shared>>)
        } else {
        }
        %add3A_81 = arith.constant 0 : i32
        %add3A_82 = arith.addi %mul3A_76, %add3A_81 : i32
        %add3A_83 = arith.constant 1 : i32
        %add3A_84 = arith.addi %add3A_82, %add3A_83 : i32
        %dma_start3A_85 = arith.constant 0 : i32
        %dma_start3A_86 = tpu.memref_slice %arg8[%add3A_84, %dma_start3A_85] : memref<252x80xi32, #tpu.memory_space<vmem>> -> memref<1x80xi32, #tpu.memory_space<vmem>>
        %dma_start3A_87 = tpu.memref_squeeze %dma_start3A_86 : memref<1x80xi32, #tpu.memory_space<vmem>> -> memref<80xi32, #tpu.memory_space<vmem>>
        %dma_start3A_88 = arith.constant 0 : i32
        %dma_start3A_89 = arith.constant 0 : i32
        %dma_start3A_90 = tpu.memref_slice %arg3[%dma_start3A_88, %dma_start3A_89] : memref<10240x64xf32, #tpu.memory_space<hbm>> -> memref<10240x64xf32, #tpu.memory_space<hbm>>
        tpu.enqueue_indirect_dma source(%dma_start3A_90 : memref<10240x64xf32, #tpu.memory_space<hbm>>) target(%arg11 : memref<80x64xf32, #tpu.memory_space<vmem>>) offsets(%dma_start3A_87 : memref<80xi32, #tpu.memory_space<vmem>>) semaphore(%arg17 : memref<!tpu.dma_semaphore, #tpu.memory_space<semaphore_mem>>)
        %dma_wait3A_91 = arith.constant 0 : i32
        %dma_wait3A_92 = arith.constant 0 : i32
        %dma_wait3A_93 = tpu.memref_slice %arg8[%dma_wait3A_91, %dma_wait3A_92] : memref<252x80xi32, #tpu.memory_space<vmem>> -> memref<1x80xi32, #tpu.memory_space<vmem>>
        %dma_wait3A_94 = tpu.memref_squeeze %dma_wait3A_93 : memref<1x80xi32, #tpu.memory_space<vmem>> -> memref<80xi32, #tpu.memory_space<vmem>>
        %dma_wait3A_95 = arith.constant 0 : i32
        %dma_wait3A_96 = arith.constant 0 : i32
        %dma_wait3A_97 = tpu.memref_slice %arg3[%dma_wait3A_95, %dma_wait3A_96] : memref<10240x64xf32, #tpu.memory_space<hbm>> -> memref<10240x64xf32, #tpu.memory_space<hbm>>
        tpu.wait_indirect_dma semaphore(%arg16 : memref<!tpu.dma_semaphore, #tpu.memory_space<semaphore_mem>>) src(%dma_wait3A_97 : memref<10240x64xf32, #tpu.memory_space<hbm>>) dst(%arg10 : memref<80x64xf32, #tpu.memory_space<vmem>>)
        %add3A_98 = arith.constant 0 : i32
        %add3A_99 = arith.addi %mul3A_76, %add3A_98 : i32
        %dma_start3A_100 = arith.constant 0 : i32
        %dma_start3A_101 = tpu.memref_slice %arg9[%add3A_99, %dma_start3A_100] : memref<252x80xi32, #tpu.memory_space<vmem>> -> memref<1x80xi32, #tpu.memory_space<vmem>>
        %dma_start3A_102 = tpu.memref_squeeze %dma_start3A_101 : memref<1x80xi32, #tpu.memory_space<vmem>> -> memref<80xi32, #tpu.memory_space<vmem>>
        %dma_start3A_103 = arith.constant 0 : i32
        %dma_start3A_104 = arith.constant 0 : i32
        %dma_start3A_105 = tpu.memref_slice %arg15[%dma_start3A_103, %dma_start3A_104] : memref<10240x64xf32, #tpu.memory_space<vmem_shared>> -> memref<10240x64xf32, #tpu.memory_space<vmem_shared>>
        tpu.enqueue_indirect_dma source(%arg10 : memref<80x64xf32, #tpu.memory_space<vmem>>) target(%dma_start3A_105 : memref<10240x64xf32, #tpu.memory_space<vmem_shared>>) offsets(%dma_start3A_102 : memref<80xi32, #tpu.memory_space<vmem>>) semaphore(%arg20 : memref<!tpu.dma_semaphore, #tpu.memory_space<semaphore_mem>>) {add = true}
        %gt3A_106 = arith.constant 0 : i32
        %gt3A_107 = arith.cmpi sgt, %scan3A_74, %gt3A_106 : i32
        %convert_element_type3A_108 = arith.extui %gt3A_107 : i1 to i32
        %cond3A_109 = arith.constant 0 : i32
        %cond3A_110 = arith.cmpi ne, %convert_element_type3A_108, %cond3A_109 : i32
        scf.if %cond3A_110 {
          %dma_wait3A_192 = arith.constant 0 : i32
          %dma_wait3A_193 = arith.constant 0 : i32
          %dma_wait3A_194 = tpu.memref_slice %arg9[%dma_wait3A_192, %dma_wait3A_193] : memref<252x80xi32, #tpu.memory_space<vmem>> -> memref<1x80xi32, #tpu.memory_space<vmem>>
          %dma_wait3A_195 = tpu.memref_squeeze %dma_wait3A_194 : memref<1x80xi32, #tpu.memory_space<vmem>> -> memref<80xi32, #tpu.memory_space<vmem>>
          %dma_wait3A_196 = arith.constant 0 : i32
          %dma_wait3A_197 = arith.constant 0 : i32
          %dma_wait3A_198 = tpu.memref_slice %arg15[%dma_wait3A_196, %dma_wait3A_197] : memref<10240x64xf32, #tpu.memory_space<vmem_shared>> -> memref<10240x64xf32, #tpu.memory_space<vmem_shared>>
          tpu.wait_indirect_dma semaphore(%arg22 : memref<!tpu.dma_semaphore, #tpu.memory_space<semaphore_mem>>) src(%arg12 : memref<80x64xf32, #tpu.memory_space<vmem>>) dst(%dma_wait3A_198 : memref<10240x64xf32, #tpu.memory_space<vmem_shared>>)
        } else {
        }
        %add3A_111 = arith.constant 1 : i32
        %add3A_112 = arith.addi %mul3A_76, %add3A_111 : i32
        %add3A_113 = arith.constant 1 : i32
        %add3A_114 = arith.addi %add3A_112, %add3A_113 : i32
        %dma_start3A_115 = arith.constant 0 : i32
        %dma_start3A_116 = tpu.memref_slice %arg8[%add3A_114, %dma_start3A_115] : memref<252x80xi32, #tpu.memory_space<vmem>> -> memref<1x80xi32, #tpu.memory_space<vmem>>
        %dma_start3A_117 = tpu.memref_squeeze %dma_start3A_116 : memref<1x80xi32, #tpu.memory_space<vmem>> -> memref<80xi32, #tpu.memory_space<vmem>>
        %dma_start3A_118 = arith.constant 0 : i32
        %dma_start3A_119 = arith.constant 0 : i32
        %dma_start3A_120 = tpu.memref_slice %arg3[%dma_start3A_118, %dma_start3A_119] : memref<10240x64xf32, #tpu.memory_space<hbm>> -> memref<10240x64xf32, #tpu.memory_space<hbm>>
        tpu.enqueue_indirect_dma source(%dma_start3A_120 : memref<10240x64xf32, #tpu.memory_space<hbm>>) target(%arg12 : memref<80x64xf32, #tpu.memory_space<vmem>>) offsets(%dma_start3A_117 : memref<80xi32, #tpu.memory_space<vmem>>) semaphore(%arg18 : memref<!tpu.dma_semaphore, #tpu.memory_space<semaphore_mem>>)
        %dma_wait3A_121 = arith.constant 0 : i32
        %dma_wait3A_122 = arith.constant 0 : i32
        %dma_wait3A_123 = tpu.memref_slice %arg8[%dma_wait3A_121, %dma_wait3A_122] : memref<252x80xi32, #tpu.memory_space<vmem>> -> memref<1x80xi32, #tpu.memory_space<vmem>>
        %dma_wait3A_124 = tpu.memref_squeeze %dma_wait3A_123 : memref<1x80xi32, #tpu.memory_space<vmem>> -> memref<80xi32, #tpu.memory_space<vmem>>
        %dma_wait3A_125 = arith.constant 0 : i32
        %dma_wait3A_126 = arith.constant 0 : i32
        %dma_wait3A_127 = tpu.memref_slice %arg3[%dma_wait3A_125, %dma_wait3A_126] : memref<10240x64xf32, #tpu.memory_space<hbm>> -> memref<10240x64xf32, #tpu.memory_space<hbm>>
        tpu.wait_indirect_dma semaphore(%arg17 : memref<!tpu.dma_semaphore, #tpu.memory_space<semaphore_mem>>) src(%dma_wait3A_127 : memref<10240x64xf32, #tpu.memory_space<hbm>>) dst(%arg11 : memref<80x64xf32, #tpu.memory_space<vmem>>)
        %add3A_128 = arith.constant 1 : i32
        %add3A_129 = arith.addi %mul3A_76, %add3A_128 : i32
        %dma_start3A_130 = arith.constant 0 : i32
        %dma_start3A_131 = tpu.memref_slice %arg9[%add3A_129, %dma_start3A_130] : memref<252x80xi32, #tpu.memory_space<vmem>> -> memref<1x80xi32, #tpu.memory_space<vmem>>
        %dma_start3A_132 = tpu.memref_squeeze %dma_start3A_131 : memref<1x80xi32, #tpu.memory_space<vmem>> -> memref<80xi32, #tpu.memory_space<vmem>>
        %dma_start3A_133 = arith.constant 0 : i32
        %dma_start3A_134 = arith.constant 0 : i32
        %dma_start3A_135 = tpu.memref_slice %arg15[%dma_start3A_133, %dma_start3A_134] : memref<10240x64xf32, #tpu.memory_space<vmem_shared>> -> memref<10240x64xf32, #tpu.memory_space<vmem_shared>>
        tpu.enqueue_indirect_dma source(%arg11 : memref<80x64xf32, #tpu.memory_space<vmem>>) target(%dma_start3A_135 : memref<10240x64xf32, #tpu.memory_space<vmem_shared>>) offsets(%dma_start3A_132 : memref<80xi32, #tpu.memory_space<vmem>>) semaphore(%arg21 : memref<!tpu.dma_semaphore, #tpu.memory_space<semaphore_mem>>) {add = true}
        %gt3A_136 = arith.constant 0 : i32
        %gt3A_137 = arith.cmpi sgt, %scan3A_74, %gt3A_136 : i32
        %convert_element_type3A_138 = arith.extui %gt3A_137 : i1 to i32
        %cond3A_139 = arith.constant 0 : i32
        %cond3A_140 = arith.cmpi ne, %convert_element_type3A_138, %cond3A_139 : i32
        scf.if %cond3A_140 {
          %dma_wait3A_192 = arith.constant 0 : i32
          %dma_wait3A_193 = arith.constant 0 : i32
          %dma_wait3A_194 = tpu.memref_slice %arg9[%dma_wait3A_192, %dma_wait3A_193] : memref<252x80xi32, #tpu.memory_space<vmem>> -> memref<1x80xi32, #tpu.memory_space<vmem>>
          %dma_wait3A_195 = tpu.memref_squeeze %dma_wait3A_194 : memref<1x80xi32, #tpu.memory_space<vmem>> -> memref<80xi32, #tpu.memory_space<vmem>>
          %dma_wait3A_196 = arith.constant 0 : i32
          %dma_wait3A_197 = arith.constant 0 : i32
          %dma_wait3A_198 = tpu.memref_slice %arg15[%dma_wait3A_196, %dma_wait3A_197] : memref<10240x64xf32, #tpu.memory_space<vmem_shared>> -> memref<10240x64xf32, #tpu.memory_space<vmem_shared>>
          tpu.wait_indirect_dma semaphore(%arg23 : memref<!tpu.dma_semaphore, #tpu.memory_space<semaphore_mem>>) src(%arg13 : memref<80x64xf32, #tpu.memory_space<vmem>>) dst(%dma_wait3A_198 : memref<10240x64xf32, #tpu.memory_space<vmem_shared>>)
        } else {
        }
        %add3A_141 = arith.constant 2 : i32
        %add3A_142 = arith.addi %mul3A_76, %add3A_141 : i32
        %add3A_143 = arith.constant 1 : i32
        %add3A_144 = arith.addi %add3A_142, %add3A_143 : i32
        %dma_start3A_145 = arith.constant 0 : i32
        %dma_start3A_146 = tpu.memref_slice %arg8[%add3A_144, %dma_start3A_145] : memref<252x80xi32, #tpu.memory_space<vmem>> -> memref<1x80xi32, #tpu.memory_space<vmem>>
        %dma_start3A_147 = tpu.memref_squeeze %dma_start3A_146 : memref<1x80xi32, #tpu.memory_space<vmem>> -> memref<80xi32, #tpu.memory_space<vmem>>
        %dma_start3A_148 = arith.constant 0 : i32
        %dma_start3A_149 = arith.constant 0 : i32
        %dma_start3A_150 = tpu.memref_slice %arg3[%dma_start3A_148, %dma_start3A_149] : memref<10240x64xf32, #tpu.memory_space<hbm>> -> memref<10240x64xf32, #tpu.memory_space<hbm>>
        tpu.enqueue_indirect_dma source(%dma_start3A_150 : memref<10240x64xf32, #tpu.memory_space<hbm>>) target(%arg13 : memref<80x64xf32, #tpu.memory_space<vmem>>) offsets(%dma_start3A_147 : memref<80xi32, #tpu.memory_space<vmem>>) semaphore(%arg19 : memref<!tpu.dma_semaphore, #tpu.memory_space<semaphore_mem>>)
        %dma_wait3A_151 = arith.constant 0 : i32
        %dma_wait3A_152 = arith.constant 0 : i32
        %dma_wait3A_153 = tpu.memref_slice %arg8[%dma_wait3A_151, %dma_wait3A_152] : memref<252x80xi32, #tpu.memory_space<vmem>> -> memref<1x80xi32, #tpu.memory_space<vmem>>
        %dma_wait3A_154 = tpu.memref_squeeze %dma_wait3A_153 : memref<1x80xi32, #tpu.memory_space<vmem>> -> memref<80xi32, #tpu.memory_space<vmem>>
        %dma_wait3A_155 = arith.constant 0 : i32
        %dma_wait3A_156 = arith.constant 0 : i32
        %dma_wait3A_157 = tpu.memref_slice %arg3[%dma_wait3A_155, %dma_wait3A_156] : memref<10240x64xf32, #tpu.memory_space<hbm>> -> memref<10240x64xf32, #tpu.memory_space<hbm>>
        tpu.wait_indirect_dma semaphore(%arg18 : memref<!tpu.dma_semaphore, #tpu.memory_space<semaphore_mem>>) src(%dma_wait3A_157 : memref<10240x64xf32, #tpu.memory_space<hbm>>) dst(%arg12 : memref<80x64xf32, #tpu.memory_space<vmem>>)
        %add3A_158 = arith.constant 2 : i32
        %add3A_159 = arith.addi %mul3A_76, %add3A_158 : i32
        %dma_start3A_160 = arith.constant 0 : i32
        %dma_start3A_161 = tpu.memref_slice %arg9[%add3A_159, %dma_start3A_160] : memref<252x80xi32, #tpu.memory_space<vmem>> -> memref<1x80xi32, #tpu.memory_space<vmem>>
        %dma_start3A_162 = tpu.memref_squeeze %dma_start3A_161 : memref<1x80xi32, #tpu.memory_space<vmem>> -> memref<80xi32, #tpu.memory_space<vmem>>
        %dma_start3A_163 = arith.constant 0 : i32
        %dma_start3A_164 = arith.constant 0 : i32
        %dma_start3A_165 = tpu.memref_slice %arg15[%dma_start3A_163, %dma_start3A_164] : memref<10240x64xf32, #tpu.memory_space<vmem_shared>> -> memref<10240x64xf32, #tpu.memory_space<vmem_shared>>
        tpu.enqueue_indirect_dma source(%arg12 : memref<80x64xf32, #tpu.memory_space<vmem>>) target(%dma_start3A_165 : memref<10240x64xf32, #tpu.memory_space<vmem_shared>>) offsets(%dma_start3A_162 : memref<80xi32, #tpu.memory_space<vmem>>) semaphore(%arg22 : memref<!tpu.dma_semaphore, #tpu.memory_space<semaphore_mem>>) {add = true}
        %dma_wait3A_166 = arith.constant 0 : i32
        %dma_wait3A_167 = arith.constant 0 : i32
        %dma_wait3A_168 = tpu.memref_slice %arg9[%dma_wait3A_166, %dma_wait3A_167] : memref<252x80xi32, #tpu.memory_space<vmem>> -> memref<1x80xi32, #tpu.memory_space<vmem>>
        %dma_wait3A_169 = tpu.memref_squeeze %dma_wait3A_168 : memref<1x80xi32, #tpu.memory_space<vmem>> -> memref<80xi32, #tpu.memory_space<vmem>>
        %dma_wait3A_170 = arith.constant 0 : i32
        %dma_wait3A_171 = arith.constant 0 : i32
        %dma_wait3A_172 = tpu.memref_slice %arg15[%dma_wait3A_170, %dma_wait3A_171] : memref<10240x64xf32, #tpu.memory_space<vmem_shared>> -> memref<10240x64xf32, #tpu.memory_space<vmem_shared>>
        tpu.wait_indirect_dma semaphore(%arg20 : memref<!tpu.dma_semaphore, #tpu.memory_space<semaphore_mem>>) src(%arg10 : memref<80x64xf32, #tpu.memory_space<vmem>>) dst(%dma_wait3A_172 : memref<10240x64xf32, #tpu.memory_space<vmem_shared>>)
        %lt3A = arith.constant 62 : i32
        %lt3A_173 = arith.cmpi slt, %scan3A_74, %lt3A : i32
        %convert_element_type3A_174 = arith.extui %lt3A_173 : i1 to i32
        %cond3A_175 = arith.constant 0 : i32
        %cond3A_176 = arith.cmpi ne, %convert_element_type3A_174, %cond3A_175 : i32
        scf.if %cond3A_176 {
          %add3A_192 = arith.constant 4 : i32
          %add3A_193 = arith.addi %mul3A_76, %add3A_192 : i32
          %dma_start3A_194 = arith.constant 0 : i32
          %dma_start3A_195 = tpu.memref_slice %arg8[%add3A_193, %dma_start3A_194] : memref<252x80xi32, #tpu.memory_space<vmem>> -> memref<1x80xi32, #tpu.memory_space<vmem>>
          %dma_start3A_196 = tpu.memref_squeeze %dma_start3A_195 : memref<1x80xi32, #tpu.memory_space<vmem>> -> memref<80xi32, #tpu.memory_space<vmem>>
          %dma_start3A_197 = arith.constant 0 : i32
          %dma_start3A_198 = arith.constant 0 : i32
          %dma_start3A_199 = tpu.memref_slice %arg3[%dma_start3A_197, %dma_start3A_198] : memref<10240x64xf32, #tpu.memory_space<hbm>> -> memref<10240x64xf32, #tpu.memory_space<hbm>>
          tpu.enqueue_indirect_dma source(%dma_start3A_199 : memref<10240x64xf32, #tpu.memory_space<hbm>>) target(%arg10 : memref<80x64xf32, #tpu.memory_space<vmem>>) offsets(%dma_start3A_196 : memref<80xi32, #tpu.memory_space<vmem>>) semaphore(%arg16 : memref<!tpu.dma_semaphore, #tpu.memory_space<semaphore_mem>>)
        } else {
        }
        %dma_wait3A_177 = arith.constant 0 : i32
        %dma_wait3A_178 = arith.constant 0 : i32
        %dma_wait3A_179 = tpu.memref_slice %arg8[%dma_wait3A_177, %dma_wait3A_178] : memref<252x80xi32, #tpu.memory_space<vmem>> -> memref<1x80xi32, #tpu.memory_space<vmem>>
        %dma_wait3A_180 = tpu.memref_squeeze %dma_wait3A_179 : memref<1x80xi32, #tpu.memory_space<vmem>> -> memref<80xi32, #tpu.memory_space<vmem>>
        %dma_wait3A_181 = arith.constant 0 : i32
        %dma_wait3A_182 = arith.constant 0 : i32
        %dma_wait3A_183 = tpu.memref_slice %arg3[%dma_wait3A_181, %dma_wait3A_182] : memref<10240x64xf32, #tpu.memory_space<hbm>> -> memref<10240x64xf32, #tpu.memory_space<hbm>>
        tpu.wait_indirect_dma semaphore(%arg19 : memref<!tpu.dma_semaphore, #tpu.memory_space<semaphore_mem>>) src(%dma_wait3A_183 : memref<10240x64xf32, #tpu.memory_space<hbm>>) dst(%arg13 : memref<80x64xf32, #tpu.memory_space<vmem>>)
        %add3A_184 = arith.constant 3 : i32
        %add3A_185 = arith.addi %mul3A_76, %add3A_184 : i32
        %dma_start3A_186 = arith.constant 0 : i32
        %dma_start3A_187 = tpu.memref_slice %arg9[%add3A_185, %dma_start3A_186] : memref<252x80xi32, #tpu.memory_space<vmem>> -> memref<1x80xi32, #tpu.memory_space<vmem>>
        %dma_start3A_188 = tpu.memref_squeeze %dma_start3A_187 : memref<1x80xi32, #tpu.memory_space<vmem>> -> memref<80xi32, #tpu.memory_space<vmem>>
        %dma_start3A_189 = arith.constant 0 : i32
        %dma_start3A_190 = arith.constant 0 : i32
        %dma_start3A_191 = tpu.memref_slice %arg15[%dma_start3A_189, %dma_start3A_190] : memref<10240x64xf32, #tpu.memory_space<vmem_shared>> -> memref<10240x64xf32, #tpu.memory_space<vmem_shared>>
        tpu.enqueue_indirect_dma source(%arg13 : memref<80x64xf32, #tpu.memory_space<vmem>>) target(%dma_start3A_191 : memref<10240x64xf32, #tpu.memory_space<vmem_shared>>) offsets(%dma_start3A_188 : memref<80xi32, #tpu.memory_space<vmem>>) semaphore(%arg23 : memref<!tpu.dma_semaphore, #tpu.memory_space<semaphore_mem>>) {add = true}
      }
      %scan3A_53 = arith.constant 63 : i32
      %dma_wait3A = arith.constant 0 : i32
      %dma_wait3A_54 = arith.constant 0 : i32
      %dma_wait3A_55 = tpu.memref_slice %arg9[%dma_wait3A, %dma_wait3A_54] : memref<252x80xi32, #tpu.memory_space<vmem>> -> memref<1x80xi32, #tpu.memory_space<vmem>>
      %dma_wait3A_56 = tpu.memref_squeeze %dma_wait3A_55 : memref<1x80xi32, #tpu.memory_space<vmem>> -> memref<80xi32, #tpu.memory_space<vmem>>
      %dma_wait3A_57 = arith.constant 0 : i32
      %dma_wait3A_58 = arith.constant 0 : i32
      %dma_wait3A_59 = tpu.memref_slice %arg15[%dma_wait3A_57, %dma_wait3A_58] : memref<10240x64xf32, #tpu.memory_space<vmem_shared>> -> memref<10240x64xf32, #tpu.memory_space<vmem_shared>>
      tpu.wait_indirect_dma semaphore(%arg21 : memref<!tpu.dma_semaphore, #tpu.memory_space<semaphore_mem>>) src(%arg11 : memref<80x64xf32, #tpu.memory_space<vmem>>) dst(%dma_wait3A_59 : memref<10240x64xf32, #tpu.memory_space<vmem_shared>>)
      %dma_wait3A_60 = arith.constant 0 : i32
      %dma_wait3A_61 = arith.constant 0 : i32
      %dma_wait3A_62 = tpu.memref_slice %arg9[%dma_wait3A_60, %dma_wait3A_61] : memref<252x80xi32, #tpu.memory_space<vmem>> -> memref<1x80xi32, #tpu.memory_space<vmem>>
      %dma_wait3A_63 = tpu.memref_squeeze %dma_wait3A_62 : memref<1x80xi32, #tpu.memory_space<vmem>> -> memref<80xi32, #tpu.memory_space<vmem>>
      %dma_wait3A_64 = arith.constant 0 : i32
      %dma_wait3A_65 = arith.constant 0 : i32
      %dma_wait3A_66 = tpu.memref_slice %arg15[%dma_wait3A_64, %dma_wait3A_65] : memref<10240x64xf32, #tpu.memory_space<vmem_shared>> -> memref<10240x64xf32, #tpu.memory_space<vmem_shared>>
      tpu.wait_indirect_dma semaphore(%arg22 : memref<!tpu.dma_semaphore, #tpu.memory_space<semaphore_mem>>) src(%arg12 : memref<80x64xf32, #tpu.memory_space<vmem>>) dst(%dma_wait3A_66 : memref<10240x64xf32, #tpu.memory_space<vmem_shared>>)
      %dma_wait3A_67 = arith.constant 0 : i32
      %dma_wait3A_68 = arith.constant 0 : i32
      %dma_wait3A_69 = tpu.memref_slice %arg9[%dma_wait3A_67, %dma_wait3A_68] : memref<252x80xi32, #tpu.memory_space<vmem>> -> memref<1x80xi32, #tpu.memory_space<vmem>>
      %dma_wait3A_70 = tpu.memref_squeeze %dma_wait3A_69 : memref<1x80xi32, #tpu.memory_space<vmem>> -> memref<80xi32, #tpu.memory_space<vmem>>
      %dma_wait3A_71 = arith.constant 0 : i32
      %dma_wait3A_72 = arith.constant 0 : i32
      %dma_wait3A_73 = tpu.memref_slice %arg15[%dma_wait3A_71, %dma_wait3A_72] : memref<10240x64xf32, #tpu.memory_space<vmem_shared>> -> memref<10240x64xf32, #tpu.memory_space<vmem_shared>>
      tpu.wait_indirect_dma semaphore(%arg23 : memref<!tpu.dma_semaphore, #tpu.memory_space<semaphore_mem>>) src(%arg13 : memref<80x64xf32, #tpu.memory_space<vmem>>) dst(%dma_wait3A_73 : memref<10240x64xf32, #tpu.memory_space<vmem_shared>>)
    } else {
    }
    %barrier3A_31 = arith.constant 0 : index
    tpu.barrier barrier_id(%barrier3A_31)
    %eq3A_32 = arith.constant 0 : i32
    %eq3A_33 = arith.cmpi eq, %arg0, %eq3A_32 : i32
    %convert_element_type3A_34 = arith.extui %eq3A_33 : i1 to i32
    %cond3A_35 = arith.constant 0 : i32
    %cond3A_36 = arith.cmpi ne, %convert_element_type3A_34, %cond3A_35 : i32
    scf.if %cond3A_36 {
      %mul3A_42 = arith.constant 640 : i32
      %mul3A_43 = arith.muli %arg1, %mul3A_42 : i32
      %mul3A_44 = arith.constant 640 : i32
      %mul3A_45 = arith.muli %arg1, %mul3A_44 : i32
      "tpu.region"() ({
        %run_scoped3A = tpu.sem_alloc : memref<!tpu.dma_semaphore, #tpu.memory_space<semaphore_mem>>
        %dma_start3A = arith.constant 0 : i32
        %dma_start3A_46 = tpu.memref_slice %arg6[%mul3A_45, %dma_start3A] : memref<10240x64xf32, #tpu.memory_space<hbm>> -> memref<640x64xf32, #tpu.memory_space<hbm>>
        %dma_start3A_47 = arith.constant 0 : i32
        %dma_start3A_48 = tpu.memref_slice %arg15[%mul3A_43, %dma_start3A_47] : memref<10240x64xf32, #tpu.memory_space<vmem_shared>> -> memref<640x64xf32, #tpu.memory_space<vmem_shared>>
        tpu.enqueue_dma source(%dma_start3A_48 : memref<640x64xf32, #tpu.memory_space<vmem_shared>>) target(%dma_start3A_46 : memref<640x64xf32, #tpu.memory_space<hbm>>) target_semaphore(%run_scoped3A : memref<!tpu.dma_semaphore, #tpu.memory_space<semaphore_mem>>)
        %dma_wait3A = arith.constant 0 : i32
        %dma_wait3A_49 = tpu.memref_slice %arg6[%mul3A_45, %dma_wait3A] : memref<10240x64xf32, #tpu.memory_space<hbm>> -> memref<640x64xf32, #tpu.memory_space<hbm>>
        %dma_wait3A_50 = arith.constant 0 : i32
        %dma_wait3A_51 = tpu.memref_slice %arg15[%mul3A_43, %dma_wait3A_50] : memref<10240x64xf32, #tpu.memory_space<vmem_shared>> -> memref<640x64xf32, #tpu.memory_space<vmem_shared>>
        tpu.wait_dma2 semaphore(%run_scoped3A : memref<!tpu.dma_semaphore, #tpu.memory_space<semaphore_mem>>) src(%dma_wait3A_51 : memref<640x64xf32, #tpu.memory_space<vmem_shared>>) dst(%dma_wait3A_49 : memref<640x64xf32, #tpu.memory_space<hbm>>)
        tpu.yield
      }) : () -> ()
    } else {
    }
    %eq3A_37 = arith.constant 1 : i32
    %eq3A_38 = arith.cmpi eq, %arg0, %eq3A_37 : i32
    %convert_element_type3A_39 = arith.extui %eq3A_38 : i1 to i32
    %cond3A_40 = arith.constant 0 : i32
    %cond3A_41 = arith.cmpi ne, %convert_element_type3A_39, %cond3A_40 : i32
    scf.if %cond3A_41 {
      %mul3A_42 = arith.constant 640 : i32
      %mul3A_43 = arith.muli %arg1, %mul3A_42 : i32
      %mul3A_44 = arith.constant 640 : i32
      %mul3A_45 = arith.muli %arg1, %mul3A_44 : i32
      "tpu.region"() ({
        %run_scoped3A = tpu.sem_alloc : memref<!tpu.dma_semaphore, #tpu.memory_space<semaphore_mem>>
        %dma_start3A = arith.constant 0 : i32
        %dma_start3A_46 = tpu.memref_slice %arg7[%mul3A_45, %dma_start3A] : memref<10240x64xf32, #tpu.memory_space<hbm>> -> memref<640x64xf32, #tpu.memory_space<hbm>>
        %dma_start3A_47 = arith.constant 0 : i32
        %dma_start3A_48 = tpu.memref_slice %arg15[%mul3A_43, %dma_start3A_47] : memref<10240x64xf32, #tpu.memory_space<vmem_shared>> -> memref<640x64xf32, #tpu.memory_space<vmem_shared>>
        tpu.enqueue_dma source(%dma_start3A_48 : memref<640x64xf32, #tpu.memory_space<vmem_shared>>) target(%dma_start3A_46 : memref<640x64xf32, #tpu.memory_space<hbm>>) target_semaphore(%run_scoped3A : memref<!tpu.dma_semaphore, #tpu.memory_space<semaphore_mem>>)
        %dma_wait3A = arith.constant 0 : i32
        %dma_wait3A_49 = tpu.memref_slice %arg7[%mul3A_45, %dma_wait3A] : memref<10240x64xf32, #tpu.memory_space<hbm>> -> memref<640x64xf32, #tpu.memory_space<hbm>>
        %dma_wait3A_50 = arith.constant 0 : i32
        %dma_wait3A_51 = tpu.memref_slice %arg15[%mul3A_43, %dma_wait3A_50] : memref<10240x64xf32, #tpu.memory_space<vmem_shared>> -> memref<640x64xf32, #tpu.memory_space<vmem_shared>>
        tpu.wait_dma2 semaphore(%run_scoped3A : memref<!tpu.dma_semaphore, #tpu.memory_space<semaphore_mem>>) src(%dma_wait3A_51 : memref<640x64xf32, #tpu.memory_space<vmem_shared>>) dst(%dma_wait3A_49 : memref<640x64xf32, #tpu.memory_space<hbm>>)
        tpu.yield
      }) : () -> ()
    } else {
    }
    return
  }
}

#map = affine_map<(d0, d1) -> (0, 0, 0, 0)>
#map1 = affine_map<(d0, d1) -> (0, 0, 0)>
module attributes {stable_mosaic.version = 14 : i64} {
  func.func @_deg_body(%arg0: i32, %arg1: i32, %arg2: memref<2x16x125x80xi32, #tpu.memory_space<hbm>>, %arg3: memref<2x10240x16xf32, #tpu.memory_space<hbm>>, %arg4: memref<125x80xi32, #tpu.memory_space<vmem>>, %arg5: memref<80x16xf32, #tpu.memory_space<vmem>>, %arg6: memref<640x16xf32, #tpu.memory_space<vmem>>, %arg7: memref<10240x16xf32, #tpu.memory_space<vmem_shared>>) attributes {dimension_semantics = [#tpu.dimension_semantics<core_parallel>, #tpu.dimension_semantics<subcore_parallel>], iteration_bounds = array<i64: 2, 16>, scalar_prefetch = 0 : i64, scratch_operands = 4 : i64, tpu.core_type = #tpu.core_type<sc_vector_subcore>, window_params = [{transform_indices = #map}, {transform_indices = #map1}]} {
    "tpu.region"() ({
      %run_scoped3A = tpu.sem_alloc : memref<!tpu.dma_semaphore, #tpu.memory_space<semaphore_mem>>
      %dma_start3A = arith.constant 0 : i32
      %dma_start3A_26 = arith.constant 0 : i32
      %dma_start3A_27 = tpu.memref_slice %arg2[%arg0, %arg1, %dma_start3A, %dma_start3A_26] : memref<2x16x125x80xi32, #tpu.memory_space<hbm>> -> memref<1x1x125x80xi32, #tpu.memory_space<hbm>>
      %dma_start3A_28 = tpu.memref_squeeze %dma_start3A_27 : memref<1x1x125x80xi32, #tpu.memory_space<hbm>> -> memref<125x80xi32, #tpu.memory_space<hbm>>
      %dma_start3A_29 = arith.constant 0 : i32
      %dma_start3A_30 = arith.constant 0 : i32
      %dma_start3A_31 = tpu.memref_slice %arg2[%arg0, %arg1, %dma_start3A_29, %dma_start3A_30] : memref<2x16x125x80xi32, #tpu.memory_space<hbm>> -> memref<1x1x125x80xi32, #tpu.memory_space<hbm>>
      %dma_start3A_32 = tpu.memref_squeeze %dma_start3A_31 : memref<1x1x125x80xi32, #tpu.memory_space<hbm>> -> memref<125x80xi32, #tpu.memory_space<hbm>>
      tpu.enqueue_dma source(%dma_start3A_32 : memref<125x80xi32, #tpu.memory_space<hbm>>) target(%arg4 : memref<125x80xi32, #tpu.memory_space<vmem>>) target_semaphore(%run_scoped3A : memref<!tpu.dma_semaphore, #tpu.memory_space<semaphore_mem>>)
      %dma_wait3A = arith.constant 0 : i32
      %dma_wait3A_33 = arith.constant 0 : i32
      %dma_wait3A_34 = tpu.memref_slice %arg2[%arg0, %arg1, %dma_wait3A, %dma_wait3A_33] : memref<2x16x125x80xi32, #tpu.memory_space<hbm>> -> memref<1x1x125x80xi32, #tpu.memory_space<hbm>>
      %dma_wait3A_35 = tpu.memref_squeeze %dma_wait3A_34 : memref<1x1x125x80xi32, #tpu.memory_space<hbm>> -> memref<125x80xi32, #tpu.memory_space<hbm>>
      %dma_wait3A_36 = arith.constant 0 : i32
      %dma_wait3A_37 = arith.constant 0 : i32
      %dma_wait3A_38 = tpu.memref_slice %arg2[%arg0, %arg1, %dma_wait3A_36, %dma_wait3A_37] : memref<2x16x125x80xi32, #tpu.memory_space<hbm>> -> memref<1x1x125x80xi32, #tpu.memory_space<hbm>>
      %dma_wait3A_39 = tpu.memref_squeeze %dma_wait3A_38 : memref<1x1x125x80xi32, #tpu.memory_space<hbm>> -> memref<125x80xi32, #tpu.memory_space<hbm>>
      tpu.wait_dma2 semaphore(%run_scoped3A : memref<!tpu.dma_semaphore, #tpu.memory_space<semaphore_mem>>) src(%dma_wait3A_39 : memref<125x80xi32, #tpu.memory_space<hbm>>) dst(%arg4 : memref<125x80xi32, #tpu.memory_space<vmem>>)
      tpu.yield
    }) : () -> ()
    %broadcast_in_dim3A = arith.constant 1.000000e+00 : f32
    %broadcast_in_dim3A_0 = vector.broadcast %broadcast_in_dim3A : f32 to vector<16xf32>
    %broadcast_in_dim3A_1 = arith.constant 0.000000e+00 : f32
    %broadcast_in_dim3A_2 = vector.broadcast %broadcast_in_dim3A_1 : f32 to vector<16xf32>
    %scan3A = arith.constant 0 : i32
    %scan3A_3 = arith.constant 0 : i32
    %scan3A_4 = arith.constant 80 : i32
    %scan3A_5 = arith.addi %scan3A_3, %scan3A_4 : i32
    %scan3A_6 = arith.constant 1 : i32
    scf.for %scan3A_26 = %scan3A_3 to %scan3A_5 step %scan3A_6  : i32 {
      %swap3A = arith.index_cast %scan3A_26 : i32 to index
      %swap3A_27 = arith.constant 0 : index
      %swap3A_28 = tpu.vector_load %arg5[%swap3A, %swap3A_27] {strides = array<i32>} : memref<80x16xf32, #tpu.memory_space<vmem>>, vector<1x16xf32>,
      %swap3A_29 = vector.shape_cast %swap3A_28 : vector<1x16xf32> to vector<16xf32>
      %swap3A_30 = vector.shape_cast %broadcast_in_dim3A_0 : vector<16xf32> to vector<1x16xf32>
      tpu.vector_store %arg5[%swap3A, %swap3A_27], %swap3A_30 {strides = array<i32>} : memref<80x16xf32, #tpu.memory_space<vmem>>, vector<1x16xf32>,
    }
    %scan3A_7 = arith.constant 80 : i32
    %scan3A_8 = arith.constant 0 : i32
    %scan3A_9 = arith.constant 0 : i32
    %scan3A_10 = arith.constant 640 : i32
    %scan3A_11 = arith.addi %scan3A_9, %scan3A_10 : i32
    %scan3A_12 = arith.constant 1 : i32
    scf.for %scan3A_26 = %scan3A_9 to %scan3A_11 step %scan3A_12  : i32 {
      %swap3A = arith.index_cast %scan3A_26 : i32 to index
      %swap3A_27 = arith.constant 0 : index
      %swap3A_28 = tpu.vector_load %arg6[%swap3A, %swap3A_27] {strides = array<i32>} : memref<640x16xf32, #tpu.memory_space<vmem>>, vector<1x16xf32>,
      %swap3A_29 = vector.shape_cast %swap3A_28 : vector<1x16xf32> to vector<16xf32>
      %swap3A_30 = vector.shape_cast %broadcast_in_dim3A_2 : vector<16xf32> to vector<1x16xf32>
      tpu.vector_store %arg6[%swap3A, %swap3A_27], %swap3A_30 {strides = array<i32>} : memref<640x16xf32, #tpu.memory_space<vmem>>, vector<1x16xf32>,
    }
    %scan3A_13 = arith.constant 640 : i32
    %mul3A = arith.constant 640 : i32
    %mul3A_14 = arith.muli %arg1, %mul3A : i32
    "tpu.region"() ({
      %run_scoped3A = tpu.sem_alloc : memref<!tpu.dma_semaphore, #tpu.memory_space<semaphore_mem>>
      %dma_start3A = arith.constant 0 : i32
      %dma_start3A_26 = tpu.memref_slice %arg7[%mul3A_14, %dma_start3A] : memref<10240x16xf32, #tpu.memory_space<vmem_shared>> -> memref<640x16xf32, #tpu.memory_space<vmem_shared>>
      %dma_start3A_27 = arith.constant 0 : i32
      %dma_start3A_28 = tpu.memref_slice %arg7[%mul3A_14, %dma_start3A_27] : memref<10240x16xf32, #tpu.memory_space<vmem_shared>> -> memref<640x16xf32, #tpu.memory_space<vmem_shared>>
      tpu.enqueue_dma source(%arg6 : memref<640x16xf32, #tpu.memory_space<vmem>>) target(%dma_start3A_28 : memref<640x16xf32, #tpu.memory_space<vmem_shared>>) target_semaphore(%run_scoped3A : memref<!tpu.dma_semaphore, #tpu.memory_space<semaphore_mem>>)
      %dma_wait3A = arith.constant 0 : i32
      %dma_wait3A_29 = tpu.memref_slice %arg7[%mul3A_14, %dma_wait3A] : memref<10240x16xf32, #tpu.memory_space<vmem_shared>> -> memref<640x16xf32, #tpu.memory_space<vmem_shared>>
      %dma_wait3A_30 = arith.constant 0 : i32
      %dma_wait3A_31 = tpu.memref_slice %arg7[%mul3A_14, %dma_wait3A_30] : memref<10240x16xf32, #tpu.memory_space<vmem_shared>> -> memref<640x16xf32, #tpu.memory_space<vmem_shared>>
      tpu.wait_dma2 semaphore(%run_scoped3A : memref<!tpu.dma_semaphore, #tpu.memory_space<semaphore_mem>>) src(%arg6 : memref<640x16xf32, #tpu.memory_space<vmem>>) dst(%dma_wait3A_31 : memref<640x16xf32, #tpu.memory_space<vmem_shared>>)
      tpu.yield
    }) : () -> ()
    %barrier3A = arith.constant 0 : index
    tpu.barrier barrier_id(%barrier3A)
    %scan3A_15 = arith.constant 0 : i32
    %scan3A_16 = arith.constant 0 : i32
    %scan3A_17 = arith.constant 125 : i32
    %scan3A_18 = arith.addi %scan3A_16, %scan3A_17 : i32
    %scan3A_19 = arith.constant 1 : i32
    scf.for %scan3A_26 = %scan3A_16 to %scan3A_18 step %scan3A_19  : i32 {
      "tpu.region"() ({
        %run_scoped3A = tpu.sem_alloc : memref<!tpu.dma_semaphore, #tpu.memory_space<semaphore_mem>>
        %dma_start3A = arith.constant 0 : i32
        %dma_start3A_27 = tpu.memref_slice %arg4[%scan3A_26, %dma_start3A] : memref<125x80xi32, #tpu.memory_space<vmem>> -> memref<1x80xi32, #tpu.memory_space<vmem>>
        %dma_start3A_28 = tpu.memref_squeeze %dma_start3A_27 : memref<1x80xi32, #tpu.memory_space<vmem>> -> memref<80xi32, #tpu.memory_space<vmem>>
        %dma_start3A_29 = arith.constant 0 : i32
        %dma_start3A_30 = arith.constant 0 : i32
        %dma_start3A_31 = tpu.memref_slice %arg7[%dma_start3A_29, %dma_start3A_30] : memref<10240x16xf32, #tpu.memory_space<vmem_shared>> -> memref<10240x16xf32, #tpu.memory_space<vmem_shared>>
        tpu.enqueue_indirect_dma source(%arg5 : memref<80x16xf32, #tpu.memory_space<vmem>>) target(%dma_start3A_31 : memref<10240x16xf32, #tpu.memory_space<vmem_shared>>) offsets(%dma_start3A_28 : memref<80xi32, #tpu.memory_space<vmem>>) semaphore(%run_scoped3A : memref<!tpu.dma_semaphore, #tpu.memory_space<semaphore_mem>>) {add = true}
        %dma_wait3A = arith.constant 0 : i32
        %dma_wait3A_32 = tpu.memref_slice %arg4[%scan3A_26, %dma_wait3A] : memref<125x80xi32, #tpu.memory_space<vmem>> -> memref<1x80xi32, #tpu.memory_space<vmem>>
        %dma_wait3A_33 = tpu.memref_squeeze %dma_wait3A_32 : memref<1x80xi32, #tpu.memory_space<vmem>> -> memref<80xi32, #tpu.memory_space<vmem>>
        %dma_wait3A_34 = arith.constant 0 : i32
        %dma_wait3A_35 = arith.constant 0 : i32
        %dma_wait3A_36 = tpu.memref_slice %arg7[%dma_wait3A_34, %dma_wait3A_35] : memref<10240x16xf32, #tpu.memory_space<vmem_shared>> -> memref<10240x16xf32, #tpu.memory_space<vmem_shared>>
        tpu.wait_indirect_dma semaphore(%run_scoped3A : memref<!tpu.dma_semaphore, #tpu.memory_space<semaphore_mem>>) src(%arg5 : memref<80x16xf32, #tpu.memory_space<vmem>>) dst(%dma_wait3A_36 : memref<10240x16xf32, #tpu.memory_space<vmem_shared>>)
        tpu.yield
      }) : () -> ()
    }
    %scan3A_20 = arith.constant 125 : i32
    %barrier3A_21 = arith.constant 0 : index
    tpu.barrier barrier_id(%barrier3A_21)
    %mul3A_22 = arith.constant 640 : i32
    %mul3A_23 = arith.muli %arg1, %mul3A_22 : i32
    %mul3A_24 = arith.constant 640 : i32
    %mul3A_25 = arith.muli %arg1, %mul3A_24 : i32
    "tpu.region"() ({
      %run_scoped3A = tpu.sem_alloc : memref<!tpu.dma_semaphore, #tpu.memory_space<semaphore_mem>>
      %dma_start3A = arith.constant 0 : i32
      %dma_start3A_26 = tpu.memref_slice %arg3[%arg0, %mul3A_25, %dma_start3A] : memref<2x10240x16xf32, #tpu.memory_space<hbm>> -> memref<1x640x16xf32, #tpu.memory_space<hbm>>
      %dma_start3A_27 = tpu.memref_squeeze %dma_start3A_26 : memref<1x640x16xf32, #tpu.memory_space<hbm>> -> memref<640x16xf32, #tpu.memory_space<hbm>>
      %dma_start3A_28 = arith.constant 0 : i32
      %dma_start3A_29 = tpu.memref_slice %arg7[%mul3A_23, %dma_start3A_28] : memref<10240x16xf32, #tpu.memory_space<vmem_shared>> -> memref<640x16xf32, #tpu.memory_space<vmem_shared>>
      tpu.enqueue_dma source(%dma_start3A_29 : memref<640x16xf32, #tpu.memory_space<vmem_shared>>) target(%dma_start3A_27 : memref<640x16xf32, #tpu.memory_space<hbm>>) target_semaphore(%run_scoped3A : memref<!tpu.dma_semaphore, #tpu.memory_space<semaphore_mem>>)
      %dma_wait3A = arith.constant 0 : i32
      %dma_wait3A_30 = tpu.memref_slice %arg3[%arg0, %mul3A_25, %dma_wait3A] : memref<2x10240x16xf32, #tpu.memory_space<hbm>> -> memref<1x640x16xf32, #tpu.memory_space<hbm>>
      %dma_wait3A_31 = tpu.memref_squeeze %dma_wait3A_30 : memref<1x640x16xf32, #tpu.memory_space<hbm>> -> memref<640x16xf32, #tpu.memory_space<hbm>>
      %dma_wait3A_32 = arith.constant 0 : i32
      %dma_wait3A_33 = tpu.memref_slice %arg7[%mul3A_23, %dma_wait3A_32] : memref<10240x16xf32, #tpu.memory_space<vmem_shared>> -> memref<640x16xf32, #tpu.memory_space<vmem_shared>>
      tpu.wait_dma2 semaphore(%run_scoped3A : memref<!tpu.dma_semaphore, #tpu.memory_space<semaphore_mem>>) src(%dma_wait3A_33 : memref<640x16xf32, #tpu.memory_space<vmem_shared>>) dst(%dma_wait3A_31 : memref<640x16xf32, #tpu.memory_space<hbm>>)
      tpu.yield
    }) : () -> ()
    return
  }
}

#map = affine_map<(d0, d1) -> (0, 0)>
#map1 = affine_map<(d0, d1) -> (0, 0, 0)>
module attributes {stable_mosaic.version = 14 : i64} {
  func.func @_prop_body(%arg0: i32, %arg1: i32, %arg2: memref<10240x64xf32, #tpu.memory_space<hbm>>, %arg3: memref<10240x64xf32, #tpu.memory_space<hbm>>, %arg4: memref<16x252x80xi32, #tpu.memory_space<hbm>>, %arg5: memref<16x252x80xi32, #tpu.memory_space<hbm>>, %arg6: memref<10240x64xf32, #tpu.memory_space<hbm>>, %arg7: memref<10240x64xf32, #tpu.memory_space<hbm>>, %arg8: memref<252x80xi32, #tpu.memory_space<vmem>>, %arg9: memref<252x80xi32, #tpu.memory_space<vmem>>, %arg10: memref<80x64xf32, #tpu.memory_space<vmem>>, %arg11: memref<80x64xf32, #tpu.memory_space<vmem>>, %arg12: memref<80x64xf32, #tpu.memory_space<vmem>>, %arg13: memref<80x64xf32, #tpu.memory_space<vmem>>, %arg14: memref<128x64xf32, #tpu.memory_space<vmem>>, %arg15: memref<10240x64xf32, #tpu.memory_space<vmem_shared>>, %arg16: memref<!tpu.dma_semaphore, #tpu.memory_space<semaphore_mem>>, %arg17: memref<!tpu.dma_semaphore, #tpu.memory_space<semaphore_mem>>, %arg18: memref<!tpu.dma_semaphore, #tpu.memory_space<semaphore_mem>>, %arg19: memref<!tpu.dma_semaphore, #tpu.memory_space<semaphore_mem>>, %arg20: memref<!tpu.dma_semaphore, #tpu.memory_space<semaphore_mem>>, %arg21: memref<!tpu.dma_semaphore, #tpu.memory_space<semaphore_mem>>, %arg22: memref<!tpu.dma_semaphore, #tpu.memory_space<semaphore_mem>>, %arg23: memref<!tpu.dma_semaphore, #tpu.memory_space<semaphore_mem>>) attributes {dimension_semantics = [#tpu.dimension_semantics<core_parallel>, #tpu.dimension_semantics<subcore_parallel>], iteration_bounds = array<i64: 2, 16>, scalar_prefetch = 0 : i64, scratch_operands = 16 : i64, tpu.core_type = #tpu.core_type<sc_vector_subcore>, window_params = [{transform_indices = #map}, {transform_indices = #map}, {transform_indices = #map1}, {transform_indices = #map1}, {transform_indices = #map}, {transform_indices = #map}]} {
    "tpu.region"() ({
      %run_scoped3A = tpu.sem_alloc : memref<!tpu.dma_semaphore, #tpu.memory_space<semaphore_mem>>
      %dma_start3A = arith.constant 0 : i32
      %dma_start3A_42 = arith.constant 0 : i32
      %dma_start3A_43 = tpu.memref_slice %arg4[%arg1, %dma_start3A, %dma_start3A_42] : memref<16x252x80xi32, #tpu.memory_space<hbm>> -> memref<1x252x80xi32, #tpu.memory_space<hbm>>
      %dma_start3A_44 = tpu.memref_squeeze %dma_start3A_43 : memref<1x252x80xi32, #tpu.memory_space<hbm>> -> memref<252x80xi32, #tpu.memory_space<hbm>>
      %dma_start3A_45 = arith.constant 0 : i32
      %dma_start3A_46 = arith.constant 0 : i32
      %dma_start3A_47 = tpu.memref_slice %arg4[%arg1, %dma_start3A_45, %dma_start3A_46] : memref<16x252x80xi32, #tpu.memory_space<hbm>> -> memref<1x252x80xi32, #tpu.memory_space<hbm>>
      %dma_start3A_48 = tpu.memref_squeeze %dma_start3A_47 : memref<1x252x80xi32, #tpu.memory_space<hbm>> -> memref<252x80xi32, #tpu.memory_space<hbm>>
      tpu.enqueue_dma source(%dma_start3A_48 : memref<252x80xi32, #tpu.memory_space<hbm>>) target(%arg8 : memref<252x80xi32, #tpu.memory_space<vmem>>) target_semaphore(%run_scoped3A : memref<!tpu.dma_semaphore, #tpu.memory_space<semaphore_mem>>)
      %dma_wait3A = arith.constant 0 : i32
      %dma_wait3A_49 = arith.constant 0 : i32
      %dma_wait3A_50 = tpu.memref_slice %arg4[%arg1, %dma_wait3A, %dma_wait3A_49] : memref<16x252x80xi32, #tpu.memory_space<hbm>> -> memref<1x252x80xi32, #tpu.memory_space<hbm>>
      %dma_wait3A_51 = tpu.memref_squeeze %dma_wait3A_50 : memref<1x252x80xi32, #tpu.memory_space<hbm>> -> memref<252x80xi32, #tpu.memory_space<hbm>>
      %dma_wait3A_52 = arith.constant 0 : i32
      %dma_wait3A_53 = arith.constant 0 : i32
      %dma_wait3A_54 = tpu.memref_slice %arg4[%arg1, %dma_wait3A_52, %dma_wait3A_53] : memref<16x252x80xi32, #tpu.memory_space<hbm>> -> memref<1x252x80xi32, #tpu.memory_space<hbm>>
      %dma_wait3A_55 = tpu.memref_squeeze %dma_wait3A_54 : memref<1x252x80xi32, #tpu.memory_space<hbm>> -> memref<252x80xi32, #tpu.memory_space<hbm>>
      tpu.wait_dma2 semaphore(%run_scoped3A : memref<!tpu.dma_semaphore, #tpu.memory_space<semaphore_mem>>) src(%dma_wait3A_55 : memref<252x80xi32, #tpu.memory_space<hbm>>) dst(%arg8 : memref<252x80xi32, #tpu.memory_space<vmem>>)
      tpu.yield
    }) : () -> ()
    "tpu.region"() ({
      %run_scoped3A = tpu.sem_alloc : memref<!tpu.dma_semaphore, #tpu.memory_space<semaphore_mem>>
      %dma_start3A = arith.constant 0 : i32
      %dma_start3A_42 = arith.constant 0 : i32
      %dma_start3A_43 = tpu.memref_slice %arg5[%arg1, %dma_start3A, %dma_start3A_42] : memref<16x252x80xi32, #tpu.memory_space<hbm>> -> memref<1x252x80xi32, #tpu.memory_space<hbm>>
      %dma_start3A_44 = tpu.memref_squeeze %dma_start3A_43 : memref<1x252x80xi32, #tpu.memory_space<hbm>> -> memref<252x80xi32, #tpu.memory_space<hbm>>
      %dma_start3A_45 = arith.constant 0 : i32
      %dma_start3A_46 = arith.constant 0 : i32
      %dma_start3A_47 = tpu.memref_slice %arg5[%arg1, %dma_start3A_45, %dma_start3A_46] : memref<16x252x80xi32, #tpu.memory_space<hbm>> -> memref<1x252x80xi32, #tpu.memory_space<hbm>>
      %dma_start3A_48 = tpu.memref_squeeze %dma_start3A_47 : memref<1x252x80xi32, #tpu.memory_space<hbm>> -> memref<252x80xi32, #tpu.memory_space<hbm>>
      tpu.enqueue_dma source(%dma_start3A_48 : memref<252x80xi32, #tpu.memory_space<hbm>>) target(%arg9 : memref<252x80xi32, #tpu.memory_space<vmem>>) target_semaphore(%run_scoped3A : memref<!tpu.dma_semaphore, #tpu.memory_space<semaphore_mem>>)
      %dma_wait3A = arith.constant 0 : i32
      %dma_wait3A_49 = arith.constant 0 : i32
      %dma_wait3A_50 = tpu.memref_slice %arg5[%arg1, %dma_wait3A, %dma_wait3A_49] : memref<16x252x80xi32, #tpu.memory_space<hbm>> -> memref<1x252x80xi32, #tpu.memory_space<hbm>>
      %dma_wait3A_51 = tpu.memref_squeeze %dma_wait3A_50 : memref<1x252x80xi32, #tpu.memory_space<hbm>> -> memref<252x80xi32, #tpu.memory_space<hbm>>
      %dma_wait3A_52 = arith.constant 0 : i32
      %dma_wait3A_53 = arith.constant 0 : i32
      %dma_wait3A_54 = tpu.memref_slice %arg5[%arg1, %dma_wait3A_52, %dma_wait3A_53] : memref<16x252x80xi32, #tpu.memory_space<hbm>> -> memref<1x252x80xi32, #tpu.memory_space<hbm>>
      %dma_wait3A_55 = tpu.memref_squeeze %dma_wait3A_54 : memref<1x252x80xi32, #tpu.memory_space<hbm>> -> memref<252x80xi32, #tpu.memory_space<hbm>>
      tpu.wait_dma2 semaphore(%run_scoped3A : memref<!tpu.dma_semaphore, #tpu.memory_space<semaphore_mem>>) src(%dma_wait3A_55 : memref<252x80xi32, #tpu.memory_space<hbm>>) dst(%arg9 : memref<252x80xi32, #tpu.memory_space<vmem>>)
      tpu.yield
    }) : () -> ()
    %broadcast_in_dim3A = arith.constant 0.000000e+00 : f32
    %broadcast_in_dim3A_0 = vector.broadcast %broadcast_in_dim3A : f32 to vector<16xf32>
    %scan3A = arith.constant 0 : i32
    %scan3A_1 = arith.constant 0 : i32
    %scan3A_2 = arith.constant 128 : i32
    %scan3A_3 = arith.addi %scan3A_1, %scan3A_2 : i32
    %scan3A_4 = arith.constant 1 : i32
    scf.for %scan3A_42 = %scan3A_1 to %scan3A_3 step %scan3A_4  : i32 {
      %swap3A = arith.index_cast %scan3A_42 : i32 to index
      %swap3A_43 = arith.constant 0 : index
      %swap3A_44 = tpu.vector_load %arg14[%swap3A, %swap3A_43] {strides = array<i32>} : memref<128x64xf32, #tpu.memory_space<vmem>>, vector<1x16xf32>,
      %swap3A_45 = vector.shape_cast %swap3A_44 : vector<1x16xf32> to vector<16xf32>
      %swap3A_46 = vector.shape_cast %broadcast_in_dim3A_0 : vector<16xf32> to vector<1x16xf32>
      tpu.vector_store %arg14[%swap3A, %swap3A_43], %swap3A_46 {strides = array<i32>} : memref<128x64xf32, #tpu.memory_space<vmem>>, vector<1x16xf32>,
      %swap3A_47 = arith.index_cast %scan3A_42 : i32 to index
      %swap3A_48 = arith.constant 16 : index
      %swap3A_49 = tpu.vector_load %arg14[%swap3A_47, %swap3A_48] {strides = array<i32>} : memref<128x64xf32, #tpu.memory_space<vmem>>, vector<1x16xf32>,
      %swap3A_50 = vector.shape_cast %swap3A_49 : vector<1x16xf32> to vector<16xf32>
      %swap3A_51 = vector.shape_cast %broadcast_in_dim3A_0 : vector<16xf32> to vector<1x16xf32>
      tpu.vector_store %arg14[%swap3A_47, %swap3A_48], %swap3A_51 {strides = array<i32>} : memref<128x64xf32, #tpu.memory_space<vmem>>, vector<1x16xf32>,
      %swap3A_52 = arith.index_cast %scan3A_42 : i32 to index
      %swap3A_53 = arith.constant 32 : index
      %swap3A_54 = tpu.vector_load %arg14[%swap3A_52, %swap3A_53] {strides = array<i32>} : memref<128x64xf32, #tpu.memory_space<vmem>>, vector<1x16xf32>,
      %swap3A_55 = vector.shape_cast %swap3A_54 : vector<1x16xf32> to vector<16xf32>
      %swap3A_56 = vector.shape_cast %broadcast_in_dim3A_0 : vector<16xf32> to vector<1x16xf32>
      tpu.vector_store %arg14[%swap3A_52, %swap3A_53], %swap3A_56 {strides = array<i32>} : memref<128x64xf32, #tpu.memory_space<vmem>>, vector<1x16xf32>,
      %swap3A_57 = arith.index_cast %scan3A_42 : i32 to index
      %swap3A_58 = arith.constant 48 : index
      %swap3A_59 = tpu.vector_load %arg14[%swap3A_57, %swap3A_58] {strides = array<i32>} : memref<128x64xf32, #tpu.memory_space<vmem>>, vector<1x16xf32>,
      %swap3A_60 = vector.shape_cast %swap3A_59 : vector<1x16xf32> to vector<16xf32>
      %swap3A_61 = vector.shape_cast %broadcast_in_dim3A_0 : vector<16xf32> to vector<1x16xf32>
      tpu.vector_store %arg14[%swap3A_57, %swap3A_58], %swap3A_61 {strides = array<i32>} : memref<128x64xf32, #tpu.memory_space<vmem>>, vector<1x16xf32>,
    }
    %scan3A_5 = arith.constant 128 : i32
    %mul3A = arith.constant 640 : i32
    %mul3A_6 = arith.muli %arg1, %mul3A : i32
    %add3A = arith.constant 0 : i32
    %add3A_7 = arith.addi %mul3A_6, %add3A : i32
    "tpu.region"() ({
      %run_scoped3A = tpu.sem_alloc : memref<!tpu.dma_semaphore, #tpu.memory_space<semaphore_mem>>
      %dma_start3A = arith.constant 0 : i32
      %dma_start3A_42 = tpu.memref_slice %arg15[%add3A_7, %dma_start3A] : memref<10240x64xf32, #tpu.memory_space<vmem_shared>> -> memref<128x64xf32, #tpu.memory_space<vmem_shared>>
      %dma_start3A_43 = arith.constant 0 : i32
      %dma_start3A_44 = tpu.memref_slice %arg15[%add3A_7, %dma_start3A_43] : memref<10240x64xf32, #tpu.memory_space<vmem_shared>> -> memref<128x64xf32, #tpu.memory_space<vmem_shared>>
      tpu.enqueue_dma source(%arg14 : memref<128x64xf32, #tpu.memory_space<vmem>>) target(%dma_start3A_44 : memref<128x64xf32, #tpu.memory_space<vmem_shared>>) target_semaphore(%run_scoped3A : memref<!tpu.dma_semaphore, #tpu.memory_space<semaphore_mem>>)
      %dma_wait3A = arith.constant 0 : i32
      %dma_wait3A_45 = tpu.memref_slice %arg15[%add3A_7, %dma_wait3A] : memref<10240x64xf32, #tpu.memory_space<vmem_shared>> -> memref<128x64xf32, #tpu.memory_space<vmem_shared>>
      %dma_wait3A_46 = arith.constant 0 : i32
      %dma_wait3A_47 = tpu.memref_slice %arg15[%add3A_7, %dma_wait3A_46] : memref<10240x64xf32, #tpu.memory_space<vmem_shared>> -> memref<128x64xf32, #tpu.memory_space<vmem_shared>>
      tpu.wait_dma2 semaphore(%run_scoped3A : memref<!tpu.dma_semaphore, #tpu.memory_space<semaphore_mem>>) src(%arg14 : memref<128x64xf32, #tpu.memory_space<vmem>>) dst(%dma_wait3A_47 : memref<128x64xf32, #tpu.memory_space<vmem_shared>>)
      tpu.yield
    }) : () -> ()
    %mul3A_8 = arith.constant 640 : i32
    %mul3A_9 = arith.muli %arg1, %mul3A_8 : i32
    %add3A_10 = arith.constant 128 : i32
    %add3A_11 = arith.addi %mul3A_9, %add3A_10 : i32
    "tpu.region"() ({
      %run_scoped3A = tpu.sem_alloc : memref<!tpu.dma_semaphore, #tpu.memory_space<semaphore_mem>>
      %dma_start3A = arith.constant 0 : i32
      %dma_start3A_42 = tpu.memref_slice %arg15[%add3A_11, %dma_start3A] : memref<10240x64xf32, #tpu.memory_space<vmem_shared>> -> memref<128x64xf32, #tpu.memory_space<vmem_shared>>
      %dma_start3A_43 = arith.constant 0 : i32
      %dma_start3A_44 = tpu.memref_slice %arg15[%add3A_11, %dma_start3A_43] : memref<10240x64xf32, #tpu.memory_space<vmem_shared>> -> memref<128x64xf32, #tpu.memory_space<vmem_shared>>
      tpu.enqueue_dma source(%arg14 : memref<128x64xf32, #tpu.memory_space<vmem>>) target(%dma_start3A_44 : memref<128x64xf32, #tpu.memory_space<vmem_shared>>) target_semaphore(%run_scoped3A : memref<!tpu.dma_semaphore, #tpu.memory_space<semaphore_mem>>)
      %dma_wait3A = arith.constant 0 : i32
      %dma_wait3A_45 = tpu.memref_slice %arg15[%add3A_11, %dma_wait3A] : memref<10240x64xf32, #tpu.memory_space<vmem_shared>> -> memref<128x64xf32, #tpu.memory_space<vmem_shared>>
      %dma_wait3A_46 = arith.constant 0 : i32
      %dma_wait3A_47 = tpu.memref_slice %arg15[%add3A_11, %dma_wait3A_46] : memref<10240x64xf32, #tpu.memory_space<vmem_shared>> -> memref<128x64xf32, #tpu.memory_space<vmem_shared>>
      tpu.wait_dma2 semaphore(%run_scoped3A : memref<!tpu.dma_semaphore, #tpu.memory_space<semaphore_mem>>) src(%arg14 : memref<128x64xf32, #tpu.memory_space<vmem>>) dst(%dma_wait3A_47 : memref<128x64xf32, #tpu.memory_space<vmem_shared>>)
      tpu.yield
    }) : () -> ()
    %mul3A_12 = arith.constant 640 : i32
    %mul3A_13 = arith.muli %arg1, %mul3A_12 : i32
    %add3A_14 = arith.constant 256 : i32
    %add3A_15 = arith.addi %mul3A_13, %add3A_14 : i32
    "tpu.region"() ({
      %run_scoped3A = tpu.sem_alloc : memref<!tpu.dma_semaphore, #tpu.memory_space<semaphore_mem>>
      %dma_start3A = arith.constant 0 : i32
      %dma_start3A_42 = tpu.memref_slice %arg15[%add3A_15, %dma_start3A] : memref<10240x64xf32, #tpu.memory_space<vmem_shared>> -> memref<128x64xf32, #tpu.memory_space<vmem_shared>>
      %dma_start3A_43 = arith.constant 0 : i32
      %dma_start3A_44 = tpu.memref_slice %arg15[%add3A_15, %dma_start3A_43] : memref<10240x64xf32, #tpu.memory_space<vmem_shared>> -> memref<128x64xf32, #tpu.memory_space<vmem_shared>>
      tpu.enqueue_dma source(%arg14 : memref<128x64xf32, #tpu.memory_space<vmem>>) target(%dma_start3A_44 : memref<128x64xf32, #tpu.memory_space<vmem_shared>>) target_semaphore(%run_scoped3A : memref<!tpu.dma_semaphore, #tpu.memory_space<semaphore_mem>>)
      %dma_wait3A = arith.constant 0 : i32
      %dma_wait3A_45 = tpu.memref_slice %arg15[%add3A_15, %dma_wait3A] : memref<10240x64xf32, #tpu.memory_space<vmem_shared>> -> memref<128x64xf32, #tpu.memory_space<vmem_shared>>
      %dma_wait3A_46 = arith.constant 0 : i32
      %dma_wait3A_47 = tpu.memref_slice %arg15[%add3A_15, %dma_wait3A_46] : memref<10240x64xf32, #tpu.memory_space<vmem_shared>> -> memref<128x64xf32, #tpu.memory_space<vmem_shared>>
      tpu.wait_dma2 semaphore(%run_scoped3A : memref<!tpu.dma_semaphore, #tpu.memory_space<semaphore_mem>>) src(%arg14 : memref<128x64xf32, #tpu.memory_space<vmem>>) dst(%dma_wait3A_47 : memref<128x64xf32, #tpu.memory_space<vmem_shared>>)
      tpu.yield
    }) : () -> ()
    %mul3A_16 = arith.constant 640 : i32
    %mul3A_17 = arith.muli %arg1, %mul3A_16 : i32
    %add3A_18 = arith.constant 384 : i32
    %add3A_19 = arith.addi %mul3A_17, %add3A_18 : i32
    "tpu.region"() ({
      %run_scoped3A = tpu.sem_alloc : memref<!tpu.dma_semaphore, #tpu.memory_space<semaphore_mem>>
      %dma_start3A = arith.constant 0 : i32
      %dma_start3A_42 = tpu.memref_slice %arg15[%add3A_19, %dma_start3A] : memref<10240x64xf32, #tpu.memory_space<vmem_shared>> -> memref<128x64xf32, #tpu.memory_space<vmem_shared>>
      %dma_start3A_43 = arith.constant 0 : i32
      %dma_start3A_44 = tpu.memref_slice %arg15[%add3A_19, %dma_start3A_43] : memref<10240x64xf32, #tpu.memory_space<vmem_shared>> -> memref<128x64xf32, #tpu.memory_space<vmem_shared>>
      tpu.enqueue_dma source(%arg14 : memref<128x64xf32, #tpu.memory_space<vmem>>) target(%dma_start3A_44 : memref<128x64xf32, #tpu.memory_space<vmem_shared>>) target_semaphore(%run_scoped3A : memref<!tpu.dma_semaphore, #tpu.memory_space<semaphore_mem>>)
      %dma_wait3A = arith.constant 0 : i32
      %dma_wait3A_45 = tpu.memref_slice %arg15[%add3A_19, %dma_wait3A] : memref<10240x64xf32, #tpu.memory_space<vmem_shared>> -> memref<128x64xf32, #tpu.memory_space<vmem_shared>>
      %dma_wait3A_46 = arith.constant 0 : i32
      %dma_wait3A_47 = tpu.memref_slice %arg15[%add3A_19, %dma_wait3A_46] : memref<10240x64xf32, #tpu.memory_space<vmem_shared>> -> memref<128x64xf32, #tpu.memory_space<vmem_shared>>
      tpu.wait_dma2 semaphore(%run_scoped3A : memref<!tpu.dma_semaphore, #tpu.memory_space<semaphore_mem>>) src(%arg14 : memref<128x64xf32, #tpu.memory_space<vmem>>) dst(%dma_wait3A_47 : memref<128x64xf32, #tpu.memory_space<vmem_shared>>)
      tpu.yield
    }) : () -> ()
    %mul3A_20 = arith.constant 640 : i32
    %mul3A_21 = arith.muli %arg1, %mul3A_20 : i32
    %add3A_22 = arith.constant 512 : i32
    %add3A_23 = arith.addi %mul3A_21, %add3A_22 : i32
    "tpu.region"() ({
      %run_scoped3A = tpu.sem_alloc : memref<!tpu.dma_semaphore, #tpu.memory_space<semaphore_mem>>
      %dma_start3A = arith.constant 0 : i32
      %dma_start3A_42 = tpu.memref_slice %arg15[%add3A_23, %dma_start3A] : memref<10240x64xf32, #tpu.memory_space<vmem_shared>> -> memref<128x64xf32, #tpu.memory_space<vmem_shared>>
      %dma_start3A_43 = arith.constant 0 : i32
      %dma_start3A_44 = tpu.memref_slice %arg15[%add3A_23, %dma_start3A_43] : memref<10240x64xf32, #tpu.memory_space<vmem_shared>> -> memref<128x64xf32, #tpu.memory_space<vmem_shared>>
      tpu.enqueue_dma source(%arg14 : memref<128x64xf32, #tpu.memory_space<vmem>>) target(%dma_start3A_44 : memref<128x64xf32, #tpu.memory_space<vmem_shared>>) target_semaphore(%run_scoped3A : memref<!tpu.dma_semaphore, #tpu.memory_space<semaphore_mem>>)
      %dma_wait3A = arith.constant 0 : i32
      %dma_wait3A_45 = tpu.memref_slice %arg15[%add3A_23, %dma_wait3A] : memref<10240x64xf32, #tpu.memory_space<vmem_shared>> -> memref<128x64xf32, #tpu.memory_space<vmem_shared>>
      %dma_wait3A_46 = arith.constant 0 : i32
      %dma_wait3A_47 = tpu.memref_slice %arg15[%add3A_23, %dma_wait3A_46] : memref<10240x64xf32, #tpu.memory_space<vmem_shared>> -> memref<128x64xf32, #tpu.memory_space<vmem_shared>>
      tpu.wait_dma2 semaphore(%run_scoped3A : memref<!tpu.dma_semaphore, #tpu.memory_space<semaphore_mem>>) src(%arg14 : memref<128x64xf32, #tpu.memory_space<vmem>>) dst(%dma_wait3A_47 : memref<128x64xf32, #tpu.memory_space<vmem_shared>>)
      tpu.yield
    }) : () -> ()
    %barrier3A = arith.constant 0 : index
    tpu.barrier barrier_id(%barrier3A)
    %eq3A = arith.constant 0 : i32
    %eq3A_24 = arith.cmpi eq, %arg0, %eq3A : i32
    %convert_element_type3A = arith.extui %eq3A_24 : i1 to i32
    %cond3A = arith.constant 0 : i32
    %cond3A_25 = arith.cmpi ne, %convert_element_type3A, %cond3A : i32
    scf.if %cond3A_25 {
      %dma_start3A = arith.constant 0 : i32
      %dma_start3A_42 = arith.constant 0 : i32
      %dma_start3A_43 = tpu.memref_slice %arg8[%dma_start3A, %dma_start3A_42] : memref<252x80xi32, #tpu.memory_space<vmem>> -> memref<1x80xi32, #tpu.memory_space<vmem>>
      %dma_start3A_44 = tpu.memref_squeeze %dma_start3A_43 : memref<1x80xi32, #tpu.memory_space<vmem>> -> memref<80xi32, #tpu.memory_space<vmem>>
      %dma_start3A_45 = arith.constant 0 : i32
      %dma_start3A_46 = arith.constant 0 : i32
      %dma_start3A_47 = tpu.memref_slice %arg2[%dma_start3A_45, %dma_start3A_46] : memref<10240x64xf32, #tpu.memory_space<hbm>> -> memref<10240x64xf32, #tpu.memory_space<hbm>>
      tpu.enqueue_indirect_dma source(%dma_start3A_47 : memref<10240x64xf32, #tpu.memory_space<hbm>>) target(%arg10 : memref<80x64xf32, #tpu.memory_space<vmem>>) offsets(%dma_start3A_44 : memref<80xi32, #tpu.memory_space<vmem>>) semaphore(%arg16 : memref<!tpu.dma_semaphore, #tpu.memory_space<semaphore_mem>>)
      %scan3A_48 = arith.constant 0 : i32
      %scan3A_49 = arith.constant 0 : i32
      %scan3A_50 = arith.constant 63 : i32
      %scan3A_51 = arith.addi %scan3A_49, %scan3A_50 : i32
      %scan3A_52 = arith.constant 1 : i32
      scf.for %scan3A_74 = %scan3A_49 to %scan3A_51 step %scan3A_52  : i32 {
        %mul3A_75 = arith.constant 4 : i32
        %mul3A_76 = arith.muli %mul3A_75, %scan3A_74 : i32
        %gt3A = arith.constant 0 : i32
        %gt3A_77 = arith.cmpi sgt, %scan3A_74, %gt3A : i32
        %convert_element_type3A_78 = arith.extui %gt3A_77 : i1 to i32
        %cond3A_79 = arith.constant 0 : i32
        %cond3A_80 = arith.cmpi ne, %convert_element_type3A_78, %cond3A_79 : i32
        scf.if %cond3A_80 {
          %dma_wait3A_192 = arith.constant 0 : i32
          %dma_wait3A_193 = arith.constant 0 : i32
          %dma_wait3A_194 = tpu.memref_slice %arg9[%dma_wait3A_192, %dma_wait3A_193] : memref<252x80xi32, #tpu.memory_space<vmem>> -> memref<1x80xi32, #tpu.memory_space<vmem>>
          %dma_wait3A_195 = tpu.memref_squeeze %dma_wait3A_194 : memref<1x80xi32, #tpu.memory_space<vmem>> -> memref<80xi32, #tpu.memory_space<vmem>>
          %dma_wait3A_196 = arith.constant 0 : i32
          %dma_wait3A_197 = arith.constant 0 : i32
          %dma_wait3A_198 = tpu.memref_slice %arg15[%dma_wait3A_196, %dma_wait3A_197] : memref<10240x64xf32, #tpu.memory_space<vmem_shared>> -> memref<10240x64xf32, #tpu.memory_space<vmem_shared>>
          tpu.wait_indirect_dma semaphore(%arg21 : memref<!tpu.dma_semaphore, #tpu.memory_space<semaphore_mem>>) src(%arg11 : memref<80x64xf32, #tpu.memory_space<vmem>>) dst(%dma_wait3A_198 : memref<10240x64xf32, #tpu.memory_space<vmem_shared>>)
        } else {
        }
        %add3A_81 = arith.constant 0 : i32
        %add3A_82 = arith.addi %mul3A_76, %add3A_81 : i32
        %add3A_83 = arith.constant 1 : i32
        %add3A_84 = arith.addi %add3A_82, %add3A_83 : i32
        %dma_start3A_85 = arith.constant 0 : i32
        %dma_start3A_86 = tpu.memref_slice %arg8[%add3A_84, %dma_start3A_85] : memref<252x80xi32, #tpu.memory_space<vmem>> -> memref<1x80xi32, #tpu.memory_space<vmem>>
        %dma_start3A_87 = tpu.memref_squeeze %dma_start3A_86 : memref<1x80xi32, #tpu.memory_space<vmem>> -> memref<80xi32, #tpu.memory_space<vmem>>
        %dma_start3A_88 = arith.constant 0 : i32
        %dma_start3A_89 = arith.constant 0 : i32
        %dma_start3A_90 = tpu.memref_slice %arg2[%dma_start3A_88, %dma_start3A_89] : memref<10240x64xf32, #tpu.memory_space<hbm>> -> memref<10240x64xf32, #tpu.memory_space<hbm>>
        tpu.enqueue_indirect_dma source(%dma_start3A_90 : memref<10240x64xf32, #tpu.memory_space<hbm>>) target(%arg11 : memref<80x64xf32, #tpu.memory_space<vmem>>) offsets(%dma_start3A_87 : memref<80xi32, #tpu.memory_space<vmem>>) semaphore(%arg17 : memref<!tpu.dma_semaphore, #tpu.memory_space<semaphore_mem>>)
        %dma_wait3A_91 = arith.constant 0 : i32
        %dma_wait3A_92 = arith.constant 0 : i32
        %dma_wait3A_93 = tpu.memref_slice %arg8[%dma_wait3A_91, %dma_wait3A_92] : memref<252x80xi32, #tpu.memory_space<vmem>> -> memref<1x80xi32, #tpu.memory_space<vmem>>
        %dma_wait3A_94 = tpu.memref_squeeze %dma_wait3A_93 : memref<1x80xi32, #tpu.memory_space<vmem>> -> memref<80xi32, #tpu.memory_space<vmem>>
        %dma_wait3A_95 = arith.constant 0 : i32
        %dma_wait3A_96 = arith.constant 0 : i32
        %dma_wait3A_97 = tpu.memref_slice %arg2[%dma_wait3A_95, %dma_wait3A_96] : memref<10240x64xf32, #tpu.memory_space<hbm>> -> memref<10240x64xf32, #tpu.memory_space<hbm>>
        tpu.wait_indirect_dma semaphore(%arg16 : memref<!tpu.dma_semaphore, #tpu.memory_space<semaphore_mem>>) src(%dma_wait3A_97 : memref<10240x64xf32, #tpu.memory_space<hbm>>) dst(%arg10 : memref<80x64xf32, #tpu.memory_space<vmem>>)
        %add3A_98 = arith.constant 0 : i32
        %add3A_99 = arith.addi %mul3A_76, %add3A_98 : i32
        %dma_start3A_100 = arith.constant 0 : i32
        %dma_start3A_101 = tpu.memref_slice %arg9[%add3A_99, %dma_start3A_100] : memref<252x80xi32, #tpu.memory_space<vmem>> -> memref<1x80xi32, #tpu.memory_space<vmem>>
        %dma_start3A_102 = tpu.memref_squeeze %dma_start3A_101 : memref<1x80xi32, #tpu.memory_space<vmem>> -> memref<80xi32, #tpu.memory_space<vmem>>
        %dma_start3A_103 = arith.constant 0 : i32
        %dma_start3A_104 = arith.constant 0 : i32
        %dma_start3A_105 = tpu.memref_slice %arg15[%dma_start3A_103, %dma_start3A_104] : memref<10240x64xf32, #tpu.memory_space<vmem_shared>> -> memref<10240x64xf32, #tpu.memory_space<vmem_shared>>
        tpu.enqueue_indirect_dma source(%arg10 : memref<80x64xf32, #tpu.memory_space<vmem>>) target(%dma_start3A_105 : memref<10240x64xf32, #tpu.memory_space<vmem_shared>>) offsets(%dma_start3A_102 : memref<80xi32, #tpu.memory_space<vmem>>) semaphore(%arg20 : memref<!tpu.dma_semaphore, #tpu.memory_space<semaphore_mem>>) {add = true}
        %gt3A_106 = arith.constant 0 : i32
        %gt3A_107 = arith.cmpi sgt, %scan3A_74, %gt3A_106 : i32
        %convert_element_type3A_108 = arith.extui %gt3A_107 : i1 to i32
        %cond3A_109 = arith.constant 0 : i32
        %cond3A_110 = arith.cmpi ne, %convert_element_type3A_108, %cond3A_109 : i32
        scf.if %cond3A_110 {
          %dma_wait3A_192 = arith.constant 0 : i32
          %dma_wait3A_193 = arith.constant 0 : i32
          %dma_wait3A_194 = tpu.memref_slice %arg9[%dma_wait3A_192, %dma_wait3A_193] : memref<252x80xi32, #tpu.memory_space<vmem>> -> memref<1x80xi32, #tpu.memory_space<vmem>>
          %dma_wait3A_195 = tpu.memref_squeeze %dma_wait3A_194 : memref<1x80xi32, #tpu.memory_space<vmem>> -> memref<80xi32, #tpu.memory_space<vmem>>
          %dma_wait3A_196 = arith.constant 0 : i32
          %dma_wait3A_197 = arith.constant 0 : i32
          %dma_wait3A_198 = tpu.memref_slice %arg15[%dma_wait3A_196, %dma_wait3A_197] : memref<10240x64xf32, #tpu.memory_space<vmem_shared>> -> memref<10240x64xf32, #tpu.memory_space<vmem_shared>>
          tpu.wait_indirect_dma semaphore(%arg22 : memref<!tpu.dma_semaphore, #tpu.memory_space<semaphore_mem>>) src(%arg12 : memref<80x64xf32, #tpu.memory_space<vmem>>) dst(%dma_wait3A_198 : memref<10240x64xf32, #tpu.memory_space<vmem_shared>>)
        } else {
        }
        %add3A_111 = arith.constant 1 : i32
        %add3A_112 = arith.addi %mul3A_76, %add3A_111 : i32
        %add3A_113 = arith.constant 1 : i32
        %add3A_114 = arith.addi %add3A_112, %add3A_113 : i32
        %dma_start3A_115 = arith.constant 0 : i32
        %dma_start3A_116 = tpu.memref_slice %arg8[%add3A_114, %dma_start3A_115] : memref<252x80xi32, #tpu.memory_space<vmem>> -> memref<1x80xi32, #tpu.memory_space<vmem>>
        %dma_start3A_117 = tpu.memref_squeeze %dma_start3A_116 : memref<1x80xi32, #tpu.memory_space<vmem>> -> memref<80xi32, #tpu.memory_space<vmem>>
        %dma_start3A_118 = arith.constant 0 : i32
        %dma_start3A_119 = arith.constant 0 : i32
        %dma_start3A_120 = tpu.memref_slice %arg2[%dma_start3A_118, %dma_start3A_119] : memref<10240x64xf32, #tpu.memory_space<hbm>> -> memref<10240x64xf32, #tpu.memory_space<hbm>>
        tpu.enqueue_indirect_dma source(%dma_start3A_120 : memref<10240x64xf32, #tpu.memory_space<hbm>>) target(%arg12 : memref<80x64xf32, #tpu.memory_space<vmem>>) offsets(%dma_start3A_117 : memref<80xi32, #tpu.memory_space<vmem>>) semaphore(%arg18 : memref<!tpu.dma_semaphore, #tpu.memory_space<semaphore_mem>>)
        %dma_wait3A_121 = arith.constant 0 : i32
        %dma_wait3A_122 = arith.constant 0 : i32
        %dma_wait3A_123 = tpu.memref_slice %arg8[%dma_wait3A_121, %dma_wait3A_122] : memref<252x80xi32, #tpu.memory_space<vmem>> -> memref<1x80xi32, #tpu.memory_space<vmem>>
        %dma_wait3A_124 = tpu.memref_squeeze %dma_wait3A_123 : memref<1x80xi32, #tpu.memory_space<vmem>> -> memref<80xi32, #tpu.memory_space<vmem>>
        %dma_wait3A_125 = arith.constant 0 : i32
        %dma_wait3A_126 = arith.constant 0 : i32
        %dma_wait3A_127 = tpu.memref_slice %arg2[%dma_wait3A_125, %dma_wait3A_126] : memref<10240x64xf32, #tpu.memory_space<hbm>> -> memref<10240x64xf32, #tpu.memory_space<hbm>>
        tpu.wait_indirect_dma semaphore(%arg17 : memref<!tpu.dma_semaphore, #tpu.memory_space<semaphore_mem>>) src(%dma_wait3A_127 : memref<10240x64xf32, #tpu.memory_space<hbm>>) dst(%arg11 : memref<80x64xf32, #tpu.memory_space<vmem>>)
        %add3A_128 = arith.constant 1 : i32
        %add3A_129 = arith.addi %mul3A_76, %add3A_128 : i32
        %dma_start3A_130 = arith.constant 0 : i32
        %dma_start3A_131 = tpu.memref_slice %arg9[%add3A_129, %dma_start3A_130] : memref<252x80xi32, #tpu.memory_space<vmem>> -> memref<1x80xi32, #tpu.memory_space<vmem>>
        %dma_start3A_132 = tpu.memref_squeeze %dma_start3A_131 : memref<1x80xi32, #tpu.memory_space<vmem>> -> memref<80xi32, #tpu.memory_space<vmem>>
        %dma_start3A_133 = arith.constant 0 : i32
        %dma_start3A_134 = arith.constant 0 : i32
        %dma_start3A_135 = tpu.memref_slice %arg15[%dma_start3A_133, %dma_start3A_134] : memref<10240x64xf32, #tpu.memory_space<vmem_shared>> -> memref<10240x64xf32, #tpu.memory_space<vmem_shared>>
        tpu.enqueue_indirect_dma source(%arg11 : memref<80x64xf32, #tpu.memory_space<vmem>>) target(%dma_start3A_135 : memref<10240x64xf32, #tpu.memory_space<vmem_shared>>) offsets(%dma_start3A_132 : memref<80xi32, #tpu.memory_space<vmem>>) semaphore(%arg21 : memref<!tpu.dma_semaphore, #tpu.memory_space<semaphore_mem>>) {add = true}
        %gt3A_136 = arith.constant 0 : i32
        %gt3A_137 = arith.cmpi sgt, %scan3A_74, %gt3A_136 : i32
        %convert_element_type3A_138 = arith.extui %gt3A_137 : i1 to i32
        %cond3A_139 = arith.constant 0 : i32
        %cond3A_140 = arith.cmpi ne, %convert_element_type3A_138, %cond3A_139 : i32
        scf.if %cond3A_140 {
          %dma_wait3A_192 = arith.constant 0 : i32
          %dma_wait3A_193 = arith.constant 0 : i32
          %dma_wait3A_194 = tpu.memref_slice %arg9[%dma_wait3A_192, %dma_wait3A_193] : memref<252x80xi32, #tpu.memory_space<vmem>> -> memref<1x80xi32, #tpu.memory_space<vmem>>
          %dma_wait3A_195 = tpu.memref_squeeze %dma_wait3A_194 : memref<1x80xi32, #tpu.memory_space<vmem>> -> memref<80xi32, #tpu.memory_space<vmem>>
          %dma_wait3A_196 = arith.constant 0 : i32
          %dma_wait3A_197 = arith.constant 0 : i32
          %dma_wait3A_198 = tpu.memref_slice %arg15[%dma_wait3A_196, %dma_wait3A_197] : memref<10240x64xf32, #tpu.memory_space<vmem_shared>> -> memref<10240x64xf32, #tpu.memory_space<vmem_shared>>
          tpu.wait_indirect_dma semaphore(%arg23 : memref<!tpu.dma_semaphore, #tpu.memory_space<semaphore_mem>>) src(%arg13 : memref<80x64xf32, #tpu.memory_space<vmem>>) dst(%dma_wait3A_198 : memref<10240x64xf32, #tpu.memory_space<vmem_shared>>)
        } else {
        }
        %add3A_141 = arith.constant 2 : i32
        %add3A_142 = arith.addi %mul3A_76, %add3A_141 : i32
        %add3A_143 = arith.constant 1 : i32
        %add3A_144 = arith.addi %add3A_142, %add3A_143 : i32
        %dma_start3A_145 = arith.constant 0 : i32
        %dma_start3A_146 = tpu.memref_slice %arg8[%add3A_144, %dma_start3A_145] : memref<252x80xi32, #tpu.memory_space<vmem>> -> memref<1x80xi32, #tpu.memory_space<vmem>>
        %dma_start3A_147 = tpu.memref_squeeze %dma_start3A_146 : memref<1x80xi32, #tpu.memory_space<vmem>> -> memref<80xi32, #tpu.memory_space<vmem>>
        %dma_start3A_148 = arith.constant 0 : i32
        %dma_start3A_149 = arith.constant 0 : i32
        %dma_start3A_150 = tpu.memref_slice %arg2[%dma_start3A_148, %dma_start3A_149] : memref<10240x64xf32, #tpu.memory_space<hbm>> -> memref<10240x64xf32, #tpu.memory_space<hbm>>
        tpu.enqueue_indirect_dma source(%dma_start3A_150 : memref<10240x64xf32, #tpu.memory_space<hbm>>) target(%arg13 : memref<80x64xf32, #tpu.memory_space<vmem>>) offsets(%dma_start3A_147 : memref<80xi32, #tpu.memory_space<vmem>>) semaphore(%arg19 : memref<!tpu.dma_semaphore, #tpu.memory_space<semaphore_mem>>)
        %dma_wait3A_151 = arith.constant 0 : i32
        %dma_wait3A_152 = arith.constant 0 : i32
        %dma_wait3A_153 = tpu.memref_slice %arg8[%dma_wait3A_151, %dma_wait3A_152] : memref<252x80xi32, #tpu.memory_space<vmem>> -> memref<1x80xi32, #tpu.memory_space<vmem>>
        %dma_wait3A_154 = tpu.memref_squeeze %dma_wait3A_153 : memref<1x80xi32, #tpu.memory_space<vmem>> -> memref<80xi32, #tpu.memory_space<vmem>>
        %dma_wait3A_155 = arith.constant 0 : i32
        %dma_wait3A_156 = arith.constant 0 : i32
        %dma_wait3A_157 = tpu.memref_slice %arg2[%dma_wait3A_155, %dma_wait3A_156] : memref<10240x64xf32, #tpu.memory_space<hbm>> -> memref<10240x64xf32, #tpu.memory_space<hbm>>
        tpu.wait_indirect_dma semaphore(%arg18 : memref<!tpu.dma_semaphore, #tpu.memory_space<semaphore_mem>>) src(%dma_wait3A_157 : memref<10240x64xf32, #tpu.memory_space<hbm>>) dst(%arg12 : memref<80x64xf32, #tpu.memory_space<vmem>>)
        %add3A_158 = arith.constant 2 : i32
        %add3A_159 = arith.addi %mul3A_76, %add3A_158 : i32
        %dma_start3A_160 = arith.constant 0 : i32
        %dma_start3A_161 = tpu.memref_slice %arg9[%add3A_159, %dma_start3A_160] : memref<252x80xi32, #tpu.memory_space<vmem>> -> memref<1x80xi32, #tpu.memory_space<vmem>>
        %dma_start3A_162 = tpu.memref_squeeze %dma_start3A_161 : memref<1x80xi32, #tpu.memory_space<vmem>> -> memref<80xi32, #tpu.memory_space<vmem>>
        %dma_start3A_163 = arith.constant 0 : i32
        %dma_start3A_164 = arith.constant 0 : i32
        %dma_start3A_165 = tpu.memref_slice %arg15[%dma_start3A_163, %dma_start3A_164] : memref<10240x64xf32, #tpu.memory_space<vmem_shared>> -> memref<10240x64xf32, #tpu.memory_space<vmem_shared>>
        tpu.enqueue_indirect_dma source(%arg12 : memref<80x64xf32, #tpu.memory_space<vmem>>) target(%dma_start3A_165 : memref<10240x64xf32, #tpu.memory_space<vmem_shared>>) offsets(%dma_start3A_162 : memref<80xi32, #tpu.memory_space<vmem>>) semaphore(%arg22 : memref<!tpu.dma_semaphore, #tpu.memory_space<semaphore_mem>>) {add = true}
        %dma_wait3A_166 = arith.constant 0 : i32
        %dma_wait3A_167 = arith.constant 0 : i32
        %dma_wait3A_168 = tpu.memref_slice %arg9[%dma_wait3A_166, %dma_wait3A_167] : memref<252x80xi32, #tpu.memory_space<vmem>> -> memref<1x80xi32, #tpu.memory_space<vmem>>
        %dma_wait3A_169 = tpu.memref_squeeze %dma_wait3A_168 : memref<1x80xi32, #tpu.memory_space<vmem>> -> memref<80xi32, #tpu.memory_space<vmem>>
        %dma_wait3A_170 = arith.constant 0 : i32
        %dma_wait3A_171 = arith.constant 0 : i32
        %dma_wait3A_172 = tpu.memref_slice %arg15[%dma_wait3A_170, %dma_wait3A_171] : memref<10240x64xf32, #tpu.memory_space<vmem_shared>> -> memref<10240x64xf32, #tpu.memory_space<vmem_shared>>
        tpu.wait_indirect_dma semaphore(%arg20 : memref<!tpu.dma_semaphore, #tpu.memory_space<semaphore_mem>>) src(%arg10 : memref<80x64xf32, #tpu.memory_space<vmem>>) dst(%dma_wait3A_172 : memref<10240x64xf32, #tpu.memory_space<vmem_shared>>)
        %lt3A = arith.constant 62 : i32
        %lt3A_173 = arith.cmpi slt, %scan3A_74, %lt3A : i32
        %convert_element_type3A_174 = arith.extui %lt3A_173 : i1 to i32
        %cond3A_175 = arith.constant 0 : i32
        %cond3A_176 = arith.cmpi ne, %convert_element_type3A_174, %cond3A_175 : i32
        scf.if %cond3A_176 {
          %add3A_192 = arith.constant 4 : i32
          %add3A_193 = arith.addi %mul3A_76, %add3A_192 : i32
          %dma_start3A_194 = arith.constant 0 : i32
          %dma_start3A_195 = tpu.memref_slice %arg8[%add3A_193, %dma_start3A_194] : memref<252x80xi32, #tpu.memory_space<vmem>> -> memref<1x80xi32, #tpu.memory_space<vmem>>
          %dma_start3A_196 = tpu.memref_squeeze %dma_start3A_195 : memref<1x80xi32, #tpu.memory_space<vmem>> -> memref<80xi32, #tpu.memory_space<vmem>>
          %dma_start3A_197 = arith.constant 0 : i32
          %dma_start3A_198 = arith.constant 0 : i32
          %dma_start3A_199 = tpu.memref_slice %arg2[%dma_start3A_197, %dma_start3A_198] : memref<10240x64xf32, #tpu.memory_space<hbm>> -> memref<10240x64xf32, #tpu.memory_space<hbm>>
          tpu.enqueue_indirect_dma source(%dma_start3A_199 : memref<10240x64xf32, #tpu.memory_space<hbm>>) target(%arg10 : memref<80x64xf32, #tpu.memory_space<vmem>>) offsets(%dma_start3A_196 : memref<80xi32, #tpu.memory_space<vmem>>) semaphore(%arg16 : memref<!tpu.dma_semaphore, #tpu.memory_space<semaphore_mem>>)
        } else {
        }
        %dma_wait3A_177 = arith.constant 0 : i32
        %dma_wait3A_178 = arith.constant 0 : i32
        %dma_wait3A_179 = tpu.memref_slice %arg8[%dma_wait3A_177, %dma_wait3A_178] : memref<252x80xi32, #tpu.memory_space<vmem>> -> memref<1x80xi32, #tpu.memory_space<vmem>>
        %dma_wait3A_180 = tpu.memref_squeeze %dma_wait3A_179 : memref<1x80xi32, #tpu.memory_space<vmem>> -> memref<80xi32, #tpu.memory_space<vmem>>
        %dma_wait3A_181 = arith.constant 0 : i32
        %dma_wait3A_182 = arith.constant 0 : i32
        %dma_wait3A_183 = tpu.memref_slice %arg2[%dma_wait3A_181, %dma_wait3A_182] : memref<10240x64xf32, #tpu.memory_space<hbm>> -> memref<10240x64xf32, #tpu.memory_space<hbm>>
        tpu.wait_indirect_dma semaphore(%arg19 : memref<!tpu.dma_semaphore, #tpu.memory_space<semaphore_mem>>) src(%dma_wait3A_183 : memref<10240x64xf32, #tpu.memory_space<hbm>>) dst(%arg13 : memref<80x64xf32, #tpu.memory_space<vmem>>)
        %add3A_184 = arith.constant 3 : i32
        %add3A_185 = arith.addi %mul3A_76, %add3A_184 : i32
        %dma_start3A_186 = arith.constant 0 : i32
        %dma_start3A_187 = tpu.memref_slice %arg9[%add3A_185, %dma_start3A_186] : memref<252x80xi32, #tpu.memory_space<vmem>> -> memref<1x80xi32, #tpu.memory_space<vmem>>
        %dma_start3A_188 = tpu.memref_squeeze %dma_start3A_187 : memref<1x80xi32, #tpu.memory_space<vmem>> -> memref<80xi32, #tpu.memory_space<vmem>>
        %dma_start3A_189 = arith.constant 0 : i32
        %dma_start3A_190 = arith.constant 0 : i32
        %dma_start3A_191 = tpu.memref_slice %arg15[%dma_start3A_189, %dma_start3A_190] : memref<10240x64xf32, #tpu.memory_space<vmem_shared>> -> memref<10240x64xf32, #tpu.memory_space<vmem_shared>>
        tpu.enqueue_indirect_dma source(%arg13 : memref<80x64xf32, #tpu.memory_space<vmem>>) target(%dma_start3A_191 : memref<10240x64xf32, #tpu.memory_space<vmem_shared>>) offsets(%dma_start3A_188 : memref<80xi32, #tpu.memory_space<vmem>>) semaphore(%arg23 : memref<!tpu.dma_semaphore, #tpu.memory_space<semaphore_mem>>) {add = true}
      }
      %scan3A_53 = arith.constant 63 : i32
      %dma_wait3A = arith.constant 0 : i32
      %dma_wait3A_54 = arith.constant 0 : i32
      %dma_wait3A_55 = tpu.memref_slice %arg9[%dma_wait3A, %dma_wait3A_54] : memref<252x80xi32, #tpu.memory_space<vmem>> -> memref<1x80xi32, #tpu.memory_space<vmem>>
      %dma_wait3A_56 = tpu.memref_squeeze %dma_wait3A_55 : memref<1x80xi32, #tpu.memory_space<vmem>> -> memref<80xi32, #tpu.memory_space<vmem>>
      %dma_wait3A_57 = arith.constant 0 : i32
      %dma_wait3A_58 = arith.constant 0 : i32
      %dma_wait3A_59 = tpu.memref_slice %arg15[%dma_wait3A_57, %dma_wait3A_58] : memref<10240x64xf32, #tpu.memory_space<vmem_shared>> -> memref<10240x64xf32, #tpu.memory_space<vmem_shared>>
      tpu.wait_indirect_dma semaphore(%arg21 : memref<!tpu.dma_semaphore, #tpu.memory_space<semaphore_mem>>) src(%arg11 : memref<80x64xf32, #tpu.memory_space<vmem>>) dst(%dma_wait3A_59 : memref<10240x64xf32, #tpu.memory_space<vmem_shared>>)
      %dma_wait3A_60 = arith.constant 0 : i32
      %dma_wait3A_61 = arith.constant 0 : i32
      %dma_wait3A_62 = tpu.memref_slice %arg9[%dma_wait3A_60, %dma_wait3A_61] : memref<252x80xi32, #tpu.memory_space<vmem>> -> memref<1x80xi32, #tpu.memory_space<vmem>>
      %dma_wait3A_63 = tpu.memref_squeeze %dma_wait3A_62 : memref<1x80xi32, #tpu.memory_space<vmem>> -> memref<80xi32, #tpu.memory_space<vmem>>
      %dma_wait3A_64 = arith.constant 0 : i32
      %dma_wait3A_65 = arith.constant 0 : i32
      %dma_wait3A_66 = tpu.memref_slice %arg15[%dma_wait3A_64, %dma_wait3A_65] : memref<10240x64xf32, #tpu.memory_space<vmem_shared>> -> memref<10240x64xf32, #tpu.memory_space<vmem_shared>>
      tpu.wait_indirect_dma semaphore(%arg22 : memref<!tpu.dma_semaphore, #tpu.memory_space<semaphore_mem>>) src(%arg12 : memref<80x64xf32, #tpu.memory_space<vmem>>) dst(%dma_wait3A_66 : memref<10240x64xf32, #tpu.memory_space<vmem_shared>>)
      %dma_wait3A_67 = arith.constant 0 : i32
      %dma_wait3A_68 = arith.constant 0 : i32
      %dma_wait3A_69 = tpu.memref_slice %arg9[%dma_wait3A_67, %dma_wait3A_68] : memref<252x80xi32, #tpu.memory_space<vmem>> -> memref<1x80xi32, #tpu.memory_space<vmem>>
      %dma_wait3A_70 = tpu.memref_squeeze %dma_wait3A_69 : memref<1x80xi32, #tpu.memory_space<vmem>> -> memref<80xi32, #tpu.memory_space<vmem>>
      %dma_wait3A_71 = arith.constant 0 : i32
      %dma_wait3A_72 = arith.constant 0 : i32
      %dma_wait3A_73 = tpu.memref_slice %arg15[%dma_wait3A_71, %dma_wait3A_72] : memref<10240x64xf32, #tpu.memory_space<vmem_shared>> -> memref<10240x64xf32, #tpu.memory_space<vmem_shared>>
      tpu.wait_indirect_dma semaphore(%arg23 : memref<!tpu.dma_semaphore, #tpu.memory_space<semaphore_mem>>) src(%arg13 : memref<80x64xf32, #tpu.memory_space<vmem>>) dst(%dma_wait3A_73 : memref<10240x64xf32, #tpu.memory_space<vmem_shared>>)
    } else {
    }
    %eq3A_26 = arith.constant 1 : i32
    %eq3A_27 = arith.cmpi eq, %arg0, %eq3A_26 : i32
    %convert_element_type3A_28 = arith.extui %eq3A_27 : i1 to i32
    %cond3A_29 = arith.constant 0 : i32
    %cond3A_30 = arith.cmpi ne, %convert_element_type3A_28, %cond3A_29 : i32
    scf.if %cond3A_30 {
      %dma_start3A = arith.constant 0 : i32
      %dma_start3A_42 = arith.constant 0 : i32
      %dma_start3A_43 = tpu.memref_slice %arg8[%dma_start3A, %dma_start3A_42] : memref<252x80xi32, #tpu.memory_space<vmem>> -> memref<1x80xi32, #tpu.memory_space<vmem>>
      %dma_start3A_44 = tpu.memref_squeeze %dma_start3A_43 : memref<1x80xi32, #tpu.memory_space<vmem>> -> memref<80xi32, #tpu.memory_space<vmem>>
      %dma_start3A_45 = arith.constant 0 : i32
      %dma_start3A_46 = arith.constant 0 : i32
      %dma_start3A_47 = tpu.memref_slice %arg3[%dma_start3A_45, %dma_start3A_46] : memref<10240x64xf32, #tpu.memory_space<hbm>> -> memref<10240x64xf32, #tpu.memory_space<hbm>>
      tpu.enqueue_indirect_dma source(%dma_start3A_47 : memref<10240x64xf32, #tpu.memory_space<hbm>>) target(%arg10 : memref<80x64xf32, #tpu.memory_space<vmem>>) offsets(%dma_start3A_44 : memref<80xi32, #tpu.memory_space<vmem>>) semaphore(%arg16 : memref<!tpu.dma_semaphore, #tpu.memory_space<semaphore_mem>>)
      %scan3A_48 = arith.constant 0 : i32
      %scan3A_49 = arith.constant 0 : i32
      %scan3A_50 = arith.constant 63 : i32
      %scan3A_51 = arith.addi %scan3A_49, %scan3A_50 : i32
      %scan3A_52 = arith.constant 1 : i32
      scf.for %scan3A_74 = %scan3A_49 to %scan3A_51 step %scan3A_52  : i32 {
        %mul3A_75 = arith.constant 4 : i32
        %mul3A_76 = arith.muli %mul3A_75, %scan3A_74 : i32
        %gt3A = arith.constant 0 : i32
        %gt3A_77 = arith.cmpi sgt, %scan3A_74, %gt3A : i32
        %convert_element_type3A_78 = arith.extui %gt3A_77 : i1 to i32
        %cond3A_79 = arith.constant 0 : i32
        %cond3A_80 = arith.cmpi ne, %convert_element_type3A_78, %cond3A_79 : i32
        scf.if %cond3A_80 {
          %dma_wait3A_192 = arith.constant 0 : i32
          %dma_wait3A_193 = arith.constant 0 : i32
          %dma_wait3A_194 = tpu.memref_slice %arg9[%dma_wait3A_192, %dma_wait3A_193] : memref<252x80xi32, #tpu.memory_space<vmem>> -> memref<1x80xi32, #tpu.memory_space<vmem>>
          %dma_wait3A_195 = tpu.memref_squeeze %dma_wait3A_194 : memref<1x80xi32, #tpu.memory_space<vmem>> -> memref<80xi32, #tpu.memory_space<vmem>>
          %dma_wait3A_196 = arith.constant 0 : i32
          %dma_wait3A_197 = arith.constant 0 : i32
          %dma_wait3A_198 = tpu.memref_slice %arg15[%dma_wait3A_196, %dma_wait3A_197] : memref<10240x64xf32, #tpu.memory_space<vmem_shared>> -> memref<10240x64xf32, #tpu.memory_space<vmem_shared>>
          tpu.wait_indirect_dma semaphore(%arg21 : memref<!tpu.dma_semaphore, #tpu.memory_space<semaphore_mem>>) src(%arg11 : memref<80x64xf32, #tpu.memory_space<vmem>>) dst(%dma_wait3A_198 : memref<10240x64xf32, #tpu.memory_space<vmem_shared>>)
        } else {
        }
        %add3A_81 = arith.constant 0 : i32
        %add3A_82 = arith.addi %mul3A_76, %add3A_81 : i32
        %add3A_83 = arith.constant 1 : i32
        %add3A_84 = arith.addi %add3A_82, %add3A_83 : i32
        %dma_start3A_85 = arith.constant 0 : i32
        %dma_start3A_86 = tpu.memref_slice %arg8[%add3A_84, %dma_start3A_85] : memref<252x80xi32, #tpu.memory_space<vmem>> -> memref<1x80xi32, #tpu.memory_space<vmem>>
        %dma_start3A_87 = tpu.memref_squeeze %dma_start3A_86 : memref<1x80xi32, #tpu.memory_space<vmem>> -> memref<80xi32, #tpu.memory_space<vmem>>
        %dma_start3A_88 = arith.constant 0 : i32
        %dma_start3A_89 = arith.constant 0 : i32
        %dma_start3A_90 = tpu.memref_slice %arg3[%dma_start3A_88, %dma_start3A_89] : memref<10240x64xf32, #tpu.memory_space<hbm>> -> memref<10240x64xf32, #tpu.memory_space<hbm>>
        tpu.enqueue_indirect_dma source(%dma_start3A_90 : memref<10240x64xf32, #tpu.memory_space<hbm>>) target(%arg11 : memref<80x64xf32, #tpu.memory_space<vmem>>) offsets(%dma_start3A_87 : memref<80xi32, #tpu.memory_space<vmem>>) semaphore(%arg17 : memref<!tpu.dma_semaphore, #tpu.memory_space<semaphore_mem>>)
        %dma_wait3A_91 = arith.constant 0 : i32
        %dma_wait3A_92 = arith.constant 0 : i32
        %dma_wait3A_93 = tpu.memref_slice %arg8[%dma_wait3A_91, %dma_wait3A_92] : memref<252x80xi32, #tpu.memory_space<vmem>> -> memref<1x80xi32, #tpu.memory_space<vmem>>
        %dma_wait3A_94 = tpu.memref_squeeze %dma_wait3A_93 : memref<1x80xi32, #tpu.memory_space<vmem>> -> memref<80xi32, #tpu.memory_space<vmem>>
        %dma_wait3A_95 = arith.constant 0 : i32
        %dma_wait3A_96 = arith.constant 0 : i32
        %dma_wait3A_97 = tpu.memref_slice %arg3[%dma_wait3A_95, %dma_wait3A_96] : memref<10240x64xf32, #tpu.memory_space<hbm>> -> memref<10240x64xf32, #tpu.memory_space<hbm>>
        tpu.wait_indirect_dma semaphore(%arg16 : memref<!tpu.dma_semaphore, #tpu.memory_space<semaphore_mem>>) src(%dma_wait3A_97 : memref<10240x64xf32, #tpu.memory_space<hbm>>) dst(%arg10 : memref<80x64xf32, #tpu.memory_space<vmem>>)
        %add3A_98 = arith.constant 0 : i32
        %add3A_99 = arith.addi %mul3A_76, %add3A_98 : i32
        %dma_start3A_100 = arith.constant 0 : i32
        %dma_start3A_101 = tpu.memref_slice %arg9[%add3A_99, %dma_start3A_100] : memref<252x80xi32, #tpu.memory_space<vmem>> -> memref<1x80xi32, #tpu.memory_space<vmem>>
        %dma_start3A_102 = tpu.memref_squeeze %dma_start3A_101 : memref<1x80xi32, #tpu.memory_space<vmem>> -> memref<80xi32, #tpu.memory_space<vmem>>
        %dma_start3A_103 = arith.constant 0 : i32
        %dma_start3A_104 = arith.constant 0 : i32
        %dma_start3A_105 = tpu.memref_slice %arg15[%dma_start3A_103, %dma_start3A_104] : memref<10240x64xf32, #tpu.memory_space<vmem_shared>> -> memref<10240x64xf32, #tpu.memory_space<vmem_shared>>
        tpu.enqueue_indirect_dma source(%arg10 : memref<80x64xf32, #tpu.memory_space<vmem>>) target(%dma_start3A_105 : memref<10240x64xf32, #tpu.memory_space<vmem_shared>>) offsets(%dma_start3A_102 : memref<80xi32, #tpu.memory_space<vmem>>) semaphore(%arg20 : memref<!tpu.dma_semaphore, #tpu.memory_space<semaphore_mem>>) {add = true}
        %gt3A_106 = arith.constant 0 : i32
        %gt3A_107 = arith.cmpi sgt, %scan3A_74, %gt3A_106 : i32
        %convert_element_type3A_108 = arith.extui %gt3A_107 : i1 to i32
        %cond3A_109 = arith.constant 0 : i32
        %cond3A_110 = arith.cmpi ne, %convert_element_type3A_108, %cond3A_109 : i32
        scf.if %cond3A_110 {
          %dma_wait3A_192 = arith.constant 0 : i32
          %dma_wait3A_193 = arith.constant 0 : i32
          %dma_wait3A_194 = tpu.memref_slice %arg9[%dma_wait3A_192, %dma_wait3A_193] : memref<252x80xi32, #tpu.memory_space<vmem>> -> memref<1x80xi32, #tpu.memory_space<vmem>>
          %dma_wait3A_195 = tpu.memref_squeeze %dma_wait3A_194 : memref<1x80xi32, #tpu.memory_space<vmem>> -> memref<80xi32, #tpu.memory_space<vmem>>
          %dma_wait3A_196 = arith.constant 0 : i32
          %dma_wait3A_197 = arith.constant 0 : i32
          %dma_wait3A_198 = tpu.memref_slice %arg15[%dma_wait3A_196, %dma_wait3A_197] : memref<10240x64xf32, #tpu.memory_space<vmem_shared>> -> memref<10240x64xf32, #tpu.memory_space<vmem_shared>>
          tpu.wait_indirect_dma semaphore(%arg22 : memref<!tpu.dma_semaphore, #tpu.memory_space<semaphore_mem>>) src(%arg12 : memref<80x64xf32, #tpu.memory_space<vmem>>) dst(%dma_wait3A_198 : memref<10240x64xf32, #tpu.memory_space<vmem_shared>>)
        } else {
        }
        %add3A_111 = arith.constant 1 : i32
        %add3A_112 = arith.addi %mul3A_76, %add3A_111 : i32
        %add3A_113 = arith.constant 1 : i32
        %add3A_114 = arith.addi %add3A_112, %add3A_113 : i32
        %dma_start3A_115 = arith.constant 0 : i32
        %dma_start3A_116 = tpu.memref_slice %arg8[%add3A_114, %dma_start3A_115] : memref<252x80xi32, #tpu.memory_space<vmem>> -> memref<1x80xi32, #tpu.memory_space<vmem>>
        %dma_start3A_117 = tpu.memref_squeeze %dma_start3A_116 : memref<1x80xi32, #tpu.memory_space<vmem>> -> memref<80xi32, #tpu.memory_space<vmem>>
        %dma_start3A_118 = arith.constant 0 : i32
        %dma_start3A_119 = arith.constant 0 : i32
        %dma_start3A_120 = tpu.memref_slice %arg3[%dma_start3A_118, %dma_start3A_119] : memref<10240x64xf32, #tpu.memory_space<hbm>> -> memref<10240x64xf32, #tpu.memory_space<hbm>>
        tpu.enqueue_indirect_dma source(%dma_start3A_120 : memref<10240x64xf32, #tpu.memory_space<hbm>>) target(%arg12 : memref<80x64xf32, #tpu.memory_space<vmem>>) offsets(%dma_start3A_117 : memref<80xi32, #tpu.memory_space<vmem>>) semaphore(%arg18 : memref<!tpu.dma_semaphore, #tpu.memory_space<semaphore_mem>>)
        %dma_wait3A_121 = arith.constant 0 : i32
        %dma_wait3A_122 = arith.constant 0 : i32
        %dma_wait3A_123 = tpu.memref_slice %arg8[%dma_wait3A_121, %dma_wait3A_122] : memref<252x80xi32, #tpu.memory_space<vmem>> -> memref<1x80xi32, #tpu.memory_space<vmem>>
        %dma_wait3A_124 = tpu.memref_squeeze %dma_wait3A_123 : memref<1x80xi32, #tpu.memory_space<vmem>> -> memref<80xi32, #tpu.memory_space<vmem>>
        %dma_wait3A_125 = arith.constant 0 : i32
        %dma_wait3A_126 = arith.constant 0 : i32
        %dma_wait3A_127 = tpu.memref_slice %arg3[%dma_wait3A_125, %dma_wait3A_126] : memref<10240x64xf32, #tpu.memory_space<hbm>> -> memref<10240x64xf32, #tpu.memory_space<hbm>>
        tpu.wait_indirect_dma semaphore(%arg17 : memref<!tpu.dma_semaphore, #tpu.memory_space<semaphore_mem>>) src(%dma_wait3A_127 : memref<10240x64xf32, #tpu.memory_space<hbm>>) dst(%arg11 : memref<80x64xf32, #tpu.memory_space<vmem>>)
        %add3A_128 = arith.constant 1 : i32
        %add3A_129 = arith.addi %mul3A_76, %add3A_128 : i32
        %dma_start3A_130 = arith.constant 0 : i32
        %dma_start3A_131 = tpu.memref_slice %arg9[%add3A_129, %dma_start3A_130] : memref<252x80xi32, #tpu.memory_space<vmem>> -> memref<1x80xi32, #tpu.memory_space<vmem>>
        %dma_start3A_132 = tpu.memref_squeeze %dma_start3A_131 : memref<1x80xi32, #tpu.memory_space<vmem>> -> memref<80xi32, #tpu.memory_space<vmem>>
        %dma_start3A_133 = arith.constant 0 : i32
        %dma_start3A_134 = arith.constant 0 : i32
        %dma_start3A_135 = tpu.memref_slice %arg15[%dma_start3A_133, %dma_start3A_134] : memref<10240x64xf32, #tpu.memory_space<vmem_shared>> -> memref<10240x64xf32, #tpu.memory_space<vmem_shared>>
        tpu.enqueue_indirect_dma source(%arg11 : memref<80x64xf32, #tpu.memory_space<vmem>>) target(%dma_start3A_135 : memref<10240x64xf32, #tpu.memory_space<vmem_shared>>) offsets(%dma_start3A_132 : memref<80xi32, #tpu.memory_space<vmem>>) semaphore(%arg21 : memref<!tpu.dma_semaphore, #tpu.memory_space<semaphore_mem>>) {add = true}
        %gt3A_136 = arith.constant 0 : i32
        %gt3A_137 = arith.cmpi sgt, %scan3A_74, %gt3A_136 : i32
        %convert_element_type3A_138 = arith.extui %gt3A_137 : i1 to i32
        %cond3A_139 = arith.constant 0 : i32
        %cond3A_140 = arith.cmpi ne, %convert_element_type3A_138, %cond3A_139 : i32
        scf.if %cond3A_140 {
          %dma_wait3A_192 = arith.constant 0 : i32
          %dma_wait3A_193 = arith.constant 0 : i32
          %dma_wait3A_194 = tpu.memref_slice %arg9[%dma_wait3A_192, %dma_wait3A_193] : memref<252x80xi32, #tpu.memory_space<vmem>> -> memref<1x80xi32, #tpu.memory_space<vmem>>
          %dma_wait3A_195 = tpu.memref_squeeze %dma_wait3A_194 : memref<1x80xi32, #tpu.memory_space<vmem>> -> memref<80xi32, #tpu.memory_space<vmem>>
          %dma_wait3A_196 = arith.constant 0 : i32
          %dma_wait3A_197 = arith.constant 0 : i32
          %dma_wait3A_198 = tpu.memref_slice %arg15[%dma_wait3A_196, %dma_wait3A_197] : memref<10240x64xf32, #tpu.memory_space<vmem_shared>> -> memref<10240x64xf32, #tpu.memory_space<vmem_shared>>
          tpu.wait_indirect_dma semaphore(%arg23 : memref<!tpu.dma_semaphore, #tpu.memory_space<semaphore_mem>>) src(%arg13 : memref<80x64xf32, #tpu.memory_space<vmem>>) dst(%dma_wait3A_198 : memref<10240x64xf32, #tpu.memory_space<vmem_shared>>)
        } else {
        }
        %add3A_141 = arith.constant 2 : i32
        %add3A_142 = arith.addi %mul3A_76, %add3A_141 : i32
        %add3A_143 = arith.constant 1 : i32
        %add3A_144 = arith.addi %add3A_142, %add3A_143 : i32
        %dma_start3A_145 = arith.constant 0 : i32
        %dma_start3A_146 = tpu.memref_slice %arg8[%add3A_144, %dma_start3A_145] : memref<252x80xi32, #tpu.memory_space<vmem>> -> memref<1x80xi32, #tpu.memory_space<vmem>>
        %dma_start3A_147 = tpu.memref_squeeze %dma_start3A_146 : memref<1x80xi32, #tpu.memory_space<vmem>> -> memref<80xi32, #tpu.memory_space<vmem>>
        %dma_start3A_148 = arith.constant 0 : i32
        %dma_start3A_149 = arith.constant 0 : i32
        %dma_start3A_150 = tpu.memref_slice %arg3[%dma_start3A_148, %dma_start3A_149] : memref<10240x64xf32, #tpu.memory_space<hbm>> -> memref<10240x64xf32, #tpu.memory_space<hbm>>
        tpu.enqueue_indirect_dma source(%dma_start3A_150 : memref<10240x64xf32, #tpu.memory_space<hbm>>) target(%arg13 : memref<80x64xf32, #tpu.memory_space<vmem>>) offsets(%dma_start3A_147 : memref<80xi32, #tpu.memory_space<vmem>>) semaphore(%arg19 : memref<!tpu.dma_semaphore, #tpu.memory_space<semaphore_mem>>)
        %dma_wait3A_151 = arith.constant 0 : i32
        %dma_wait3A_152 = arith.constant 0 : i32
        %dma_wait3A_153 = tpu.memref_slice %arg8[%dma_wait3A_151, %dma_wait3A_152] : memref<252x80xi32, #tpu.memory_space<vmem>> -> memref<1x80xi32, #tpu.memory_space<vmem>>
        %dma_wait3A_154 = tpu.memref_squeeze %dma_wait3A_153 : memref<1x80xi32, #tpu.memory_space<vmem>> -> memref<80xi32, #tpu.memory_space<vmem>>
        %dma_wait3A_155 = arith.constant 0 : i32
        %dma_wait3A_156 = arith.constant 0 : i32
        %dma_wait3A_157 = tpu.memref_slice %arg3[%dma_wait3A_155, %dma_wait3A_156] : memref<10240x64xf32, #tpu.memory_space<hbm>> -> memref<10240x64xf32, #tpu.memory_space<hbm>>
        tpu.wait_indirect_dma semaphore(%arg18 : memref<!tpu.dma_semaphore, #tpu.memory_space<semaphore_mem>>) src(%dma_wait3A_157 : memref<10240x64xf32, #tpu.memory_space<hbm>>) dst(%arg12 : memref<80x64xf32, #tpu.memory_space<vmem>>)
        %add3A_158 = arith.constant 2 : i32
        %add3A_159 = arith.addi %mul3A_76, %add3A_158 : i32
        %dma_start3A_160 = arith.constant 0 : i32
        %dma_start3A_161 = tpu.memref_slice %arg9[%add3A_159, %dma_start3A_160] : memref<252x80xi32, #tpu.memory_space<vmem>> -> memref<1x80xi32, #tpu.memory_space<vmem>>
        %dma_start3A_162 = tpu.memref_squeeze %dma_start3A_161 : memref<1x80xi32, #tpu.memory_space<vmem>> -> memref<80xi32, #tpu.memory_space<vmem>>
        %dma_start3A_163 = arith.constant 0 : i32
        %dma_start3A_164 = arith.constant 0 : i32
        %dma_start3A_165 = tpu.memref_slice %arg15[%dma_start3A_163, %dma_start3A_164] : memref<10240x64xf32, #tpu.memory_space<vmem_shared>> -> memref<10240x64xf32, #tpu.memory_space<vmem_shared>>
        tpu.enqueue_indirect_dma source(%arg12 : memref<80x64xf32, #tpu.memory_space<vmem>>) target(%dma_start3A_165 : memref<10240x64xf32, #tpu.memory_space<vmem_shared>>) offsets(%dma_start3A_162 : memref<80xi32, #tpu.memory_space<vmem>>) semaphore(%arg22 : memref<!tpu.dma_semaphore, #tpu.memory_space<semaphore_mem>>) {add = true}
        %dma_wait3A_166 = arith.constant 0 : i32
        %dma_wait3A_167 = arith.constant 0 : i32
        %dma_wait3A_168 = tpu.memref_slice %arg9[%dma_wait3A_166, %dma_wait3A_167] : memref<252x80xi32, #tpu.memory_space<vmem>> -> memref<1x80xi32, #tpu.memory_space<vmem>>
        %dma_wait3A_169 = tpu.memref_squeeze %dma_wait3A_168 : memref<1x80xi32, #tpu.memory_space<vmem>> -> memref<80xi32, #tpu.memory_space<vmem>>
        %dma_wait3A_170 = arith.constant 0 : i32
        %dma_wait3A_171 = arith.constant 0 : i32
        %dma_wait3A_172 = tpu.memref_slice %arg15[%dma_wait3A_170, %dma_wait3A_171] : memref<10240x64xf32, #tpu.memory_space<vmem_shared>> -> memref<10240x64xf32, #tpu.memory_space<vmem_shared>>
        tpu.wait_indirect_dma semaphore(%arg20 : memref<!tpu.dma_semaphore, #tpu.memory_space<semaphore_mem>>) src(%arg10 : memref<80x64xf32, #tpu.memory_space<vmem>>) dst(%dma_wait3A_172 : memref<10240x64xf32, #tpu.memory_space<vmem_shared>>)
        %lt3A = arith.constant 62 : i32
        %lt3A_173 = arith.cmpi slt, %scan3A_74, %lt3A : i32
        %convert_element_type3A_174 = arith.extui %lt3A_173 : i1 to i32
        %cond3A_175 = arith.constant 0 : i32
        %cond3A_176 = arith.cmpi ne, %convert_element_type3A_174, %cond3A_175 : i32
        scf.if %cond3A_176 {
          %add3A_192 = arith.constant 4 : i32
          %add3A_193 = arith.addi %mul3A_76, %add3A_192 : i32
          %dma_start3A_194 = arith.constant 0 : i32
          %dma_start3A_195 = tpu.memref_slice %arg8[%add3A_193, %dma_start3A_194] : memref<252x80xi32, #tpu.memory_space<vmem>> -> memref<1x80xi32, #tpu.memory_space<vmem>>
          %dma_start3A_196 = tpu.memref_squeeze %dma_start3A_195 : memref<1x80xi32, #tpu.memory_space<vmem>> -> memref<80xi32, #tpu.memory_space<vmem>>
          %dma_start3A_197 = arith.constant 0 : i32
          %dma_start3A_198 = arith.constant 0 : i32
          %dma_start3A_199 = tpu.memref_slice %arg3[%dma_start3A_197, %dma_start3A_198] : memref<10240x64xf32, #tpu.memory_space<hbm>> -> memref<10240x64xf32, #tpu.memory_space<hbm>>
          tpu.enqueue_indirect_dma source(%dma_start3A_199 : memref<10240x64xf32, #tpu.memory_space<hbm>>) target(%arg10 : memref<80x64xf32, #tpu.memory_space<vmem>>) offsets(%dma_start3A_196 : memref<80xi32, #tpu.memory_space<vmem>>) semaphore(%arg16 : memref<!tpu.dma_semaphore, #tpu.memory_space<semaphore_mem>>)
        } else {
        }
        %dma_wait3A_177 = arith.constant 0 : i32
        %dma_wait3A_178 = arith.constant 0 : i32
        %dma_wait3A_179 = tpu.memref_slice %arg8[%dma_wait3A_177, %dma_wait3A_178] : memref<252x80xi32, #tpu.memory_space<vmem>> -> memref<1x80xi32, #tpu.memory_space<vmem>>
        %dma_wait3A_180 = tpu.memref_squeeze %dma_wait3A_179 : memref<1x80xi32, #tpu.memory_space<vmem>> -> memref<80xi32, #tpu.memory_space<vmem>>
        %dma_wait3A_181 = arith.constant 0 : i32
        %dma_wait3A_182 = arith.constant 0 : i32
        %dma_wait3A_183 = tpu.memref_slice %arg3[%dma_wait3A_181, %dma_wait3A_182] : memref<10240x64xf32, #tpu.memory_space<hbm>> -> memref<10240x64xf32, #tpu.memory_space<hbm>>
        tpu.wait_indirect_dma semaphore(%arg19 : memref<!tpu.dma_semaphore, #tpu.memory_space<semaphore_mem>>) src(%dma_wait3A_183 : memref<10240x64xf32, #tpu.memory_space<hbm>>) dst(%arg13 : memref<80x64xf32, #tpu.memory_space<vmem>>)
        %add3A_184 = arith.constant 3 : i32
        %add3A_185 = arith.addi %mul3A_76, %add3A_184 : i32
        %dma_start3A_186 = arith.constant 0 : i32
        %dma_start3A_187 = tpu.memref_slice %arg9[%add3A_185, %dma_start3A_186] : memref<252x80xi32, #tpu.memory_space<vmem>> -> memref<1x80xi32, #tpu.memory_space<vmem>>
        %dma_start3A_188 = tpu.memref_squeeze %dma_start3A_187 : memref<1x80xi32, #tpu.memory_space<vmem>> -> memref<80xi32, #tpu.memory_space<vmem>>
        %dma_start3A_189 = arith.constant 0 : i32
        %dma_start3A_190 = arith.constant 0 : i32
        %dma_start3A_191 = tpu.memref_slice %arg15[%dma_start3A_189, %dma_start3A_190] : memref<10240x64xf32, #tpu.memory_space<vmem_shared>> -> memref<10240x64xf32, #tpu.memory_space<vmem_shared>>
        tpu.enqueue_indirect_dma source(%arg13 : memref<80x64xf32, #tpu.memory_space<vmem>>) target(%dma_start3A_191 : memref<10240x64xf32, #tpu.memory_space<vmem_shared>>) offsets(%dma_start3A_188 : memref<80xi32, #tpu.memory_space<vmem>>) semaphore(%arg23 : memref<!tpu.dma_semaphore, #tpu.memory_space<semaphore_mem>>) {add = true}
      }
      %scan3A_53 = arith.constant 63 : i32
      %dma_wait3A = arith.constant 0 : i32
      %dma_wait3A_54 = arith.constant 0 : i32
      %dma_wait3A_55 = tpu.memref_slice %arg9[%dma_wait3A, %dma_wait3A_54] : memref<252x80xi32, #tpu.memory_space<vmem>> -> memref<1x80xi32, #tpu.memory_space<vmem>>
      %dma_wait3A_56 = tpu.memref_squeeze %dma_wait3A_55 : memref<1x80xi32, #tpu.memory_space<vmem>> -> memref<80xi32, #tpu.memory_space<vmem>>
      %dma_wait3A_57 = arith.constant 0 : i32
      %dma_wait3A_58 = arith.constant 0 : i32
      %dma_wait3A_59 = tpu.memref_slice %arg15[%dma_wait3A_57, %dma_wait3A_58] : memref<10240x64xf32, #tpu.memory_space<vmem_shared>> -> memref<10240x64xf32, #tpu.memory_space<vmem_shared>>
      tpu.wait_indirect_dma semaphore(%arg21 : memref<!tpu.dma_semaphore, #tpu.memory_space<semaphore_mem>>) src(%arg11 : memref<80x64xf32, #tpu.memory_space<vmem>>) dst(%dma_wait3A_59 : memref<10240x64xf32, #tpu.memory_space<vmem_shared>>)
      %dma_wait3A_60 = arith.constant 0 : i32
      %dma_wait3A_61 = arith.constant 0 : i32
      %dma_wait3A_62 = tpu.memref_slice %arg9[%dma_wait3A_60, %dma_wait3A_61] : memref<252x80xi32, #tpu.memory_space<vmem>> -> memref<1x80xi32, #tpu.memory_space<vmem>>
      %dma_wait3A_63 = tpu.memref_squeeze %dma_wait3A_62 : memref<1x80xi32, #tpu.memory_space<vmem>> -> memref<80xi32, #tpu.memory_space<vmem>>
      %dma_wait3A_64 = arith.constant 0 : i32
      %dma_wait3A_65 = arith.constant 0 : i32
      %dma_wait3A_66 = tpu.memref_slice %arg15[%dma_wait3A_64, %dma_wait3A_65] : memref<10240x64xf32, #tpu.memory_space<vmem_shared>> -> memref<10240x64xf32, #tpu.memory_space<vmem_shared>>
      tpu.wait_indirect_dma semaphore(%arg22 : memref<!tpu.dma_semaphore, #tpu.memory_space<semaphore_mem>>) src(%arg12 : memref<80x64xf32, #tpu.memory_space<vmem>>) dst(%dma_wait3A_66 : memref<10240x64xf32, #tpu.memory_space<vmem_shared>>)
      %dma_wait3A_67 = arith.constant 0 : i32
      %dma_wait3A_68 = arith.constant 0 : i32
      %dma_wait3A_69 = tpu.memref_slice %arg9[%dma_wait3A_67, %dma_wait3A_68] : memref<252x80xi32, #tpu.memory_space<vmem>> -> memref<1x80xi32, #tpu.memory_space<vmem>>
      %dma_wait3A_70 = tpu.memref_squeeze %dma_wait3A_69 : memref<1x80xi32, #tpu.memory_space<vmem>> -> memref<80xi32, #tpu.memory_space<vmem>>
      %dma_wait3A_71 = arith.constant 0 : i32
      %dma_wait3A_72 = arith.constant 0 : i32
      %dma_wait3A_73 = tpu.memref_slice %arg15[%dma_wait3A_71, %dma_wait3A_72] : memref<10240x64xf32, #tpu.memory_space<vmem_shared>> -> memref<10240x64xf32, #tpu.memory_space<vmem_shared>>
      tpu.wait_indirect_dma semaphore(%arg23 : memref<!tpu.dma_semaphore, #tpu.memory_space<semaphore_mem>>) src(%arg13 : memref<80x64xf32, #tpu.memory_space<vmem>>) dst(%dma_wait3A_73 : memref<10240x64xf32, #tpu.memory_space<vmem_shared>>)
    } else {
    }
    %barrier3A_31 = arith.constant 0 : index
    tpu.barrier barrier_id(%barrier3A_31)
    %eq3A_32 = arith.constant 0 : i32
    %eq3A_33 = arith.cmpi eq, %arg0, %eq3A_32 : i32
    %convert_element_type3A_34 = arith.extui %eq3A_33 : i1 to i32
    %cond3A_35 = arith.constant 0 : i32
    %cond3A_36 = arith.cmpi ne, %convert_element_type3A_34, %cond3A_35 : i32
    scf.if %cond3A_36 {
      %mul3A_42 = arith.constant 640 : i32
      %mul3A_43 = arith.muli %arg1, %mul3A_42 : i32
      %mul3A_44 = arith.constant 640 : i32
      %mul3A_45 = arith.muli %arg1, %mul3A_44 : i32
      "tpu.region"() ({
        %run_scoped3A = tpu.sem_alloc : memref<!tpu.dma_semaphore, #tpu.memory_space<semaphore_mem>>
        %dma_start3A = arith.constant 0 : i32
        %dma_start3A_46 = tpu.memref_slice %arg6[%mul3A_45, %dma_start3A] : memref<10240x64xf32, #tpu.memory_space<hbm>> -> memref<640x64xf32, #tpu.memory_space<hbm>>
        %dma_start3A_47 = arith.constant 0 : i32
        %dma_start3A_48 = tpu.memref_slice %arg15[%mul3A_43, %dma_start3A_47] : memref<10240x64xf32, #tpu.memory_space<vmem_shared>> -> memref<640x64xf32, #tpu.memory_space<vmem_shared>>
        tpu.enqueue_dma source(%dma_start3A_48 : memref<640x64xf32, #tpu.memory_space<vmem_shared>>) target(%dma_start3A_46 : memref<640x64xf32, #tpu.memory_space<hbm>>) target_semaphore(%run_scoped3A : memref<!tpu.dma_semaphore, #tpu.memory_space<semaphore_mem>>)
        %dma_wait3A = arith.constant 0 : i32
        %dma_wait3A_49 = tpu.memref_slice %arg6[%mul3A_45, %dma_wait3A] : memref<10240x64xf32, #tpu.memory_space<hbm>> -> memref<640x64xf32, #tpu.memory_space<hbm>>
        %dma_wait3A_50 = arith.constant 0 : i32
        %dma_wait3A_51 = tpu.memref_slice %arg15[%mul3A_43, %dma_wait3A_50] : memref<10240x64xf32, #tpu.memory_space<vmem_shared>> -> memref<640x64xf32, #tpu.memory_space<vmem_shared>>
        tpu.wait_dma2 semaphore(%run_scoped3A : memref<!tpu.dma_semaphore, #tpu.memory_space<semaphore_mem>>) src(%dma_wait3A_51 : memref<640x64xf32, #tpu.memory_space<vmem_shared>>) dst(%dma_wait3A_49 : memref<640x64xf32, #tpu.memory_space<hbm>>)
        tpu.yield
      }) : () -> ()
    } else {
    }
    %eq3A_37 = arith.constant 1 : i32
    %eq3A_38 = arith.cmpi eq, %arg0, %eq3A_37 : i32
    %convert_element_type3A_39 = arith.extui %eq3A_38 : i1 to i32
    %cond3A_40 = arith.constant 0 : i32
    %cond3A_41 = arith.cmpi ne, %convert_element_type3A_39, %cond3A_40 : i32
    scf.if %cond3A_41 {
      %mul3A_42 = arith.constant 640 : i32
      %mul3A_43 = arith.muli %arg1, %mul3A_42 : i32
      %mul3A_44 = arith.constant 640 : i32
      %mul3A_45 = arith.muli %arg1, %mul3A_44 : i32
      "tpu.region"() ({
        %run_scoped3A = tpu.sem_alloc : memref<!tpu.dma_semaphore, #tpu.memory_space<semaphore_mem>>
        %dma_start3A = arith.constant 0 : i32
        %dma_start3A_46 = tpu.memref_slice %arg7[%mul3A_45, %dma_start3A] : memref<10240x64xf32, #tpu.memory_space<hbm>> -> memref<640x64xf32, #tpu.memory_space<hbm>>
        %dma_start3A_47 = arith.constant 0 : i32
        %dma_start3A_48 = tpu.memref_slice %arg15[%mul3A_43, %dma_start3A_47] : memref<10240x64xf32, #tpu.memory_space<vmem_shared>> -> memref<640x64xf32, #tpu.memory_space<vmem_shared>>
        tpu.enqueue_dma source(%dma_start3A_48 : memref<640x64xf32, #tpu.memory_space<vmem_shared>>) target(%dma_start3A_46 : memref<640x64xf32, #tpu.memory_space<hbm>>) target_semaphore(%run_scoped3A : memref<!tpu.dma_semaphore, #tpu.memory_space<semaphore_mem>>)
        %dma_wait3A = arith.constant 0 : i32
        %dma_wait3A_49 = tpu.memref_slice %arg7[%mul3A_45, %dma_wait3A] : memref<10240x64xf32, #tpu.memory_space<hbm>> -> memref<640x64xf32, #tpu.memory_space<hbm>>
        %dma_wait3A_50 = arith.constant 0 : i32
        %dma_wait3A_51 = tpu.memref_slice %arg15[%mul3A_43, %dma_wait3A_50] : memref<10240x64xf32, #tpu.memory_space<vmem_shared>> -> memref<640x64xf32, #tpu.memory_space<vmem_shared>>
        tpu.wait_dma2 semaphore(%run_scoped3A : memref<!tpu.dma_semaphore, #tpu.memory_space<semaphore_mem>>) src(%dma_wait3A_51 : memref<640x64xf32, #tpu.memory_space<vmem_shared>>) dst(%dma_wait3A_49 : memref<640x64xf32, #tpu.memory_space<hbm>>)
        tpu.yield
      }) : () -> ()
    } else {
    }
    return
  }
}

module attributes {stable_mosaic.version = 14 : i64} {
  func.func @_t1_body(%arg0: i32, %arg1: memref<2x1024x16xf32, #tpu.memory_space<vmem>>, %arg2: memref<1024x128xf32, #tpu.memory_space<vmem>>, %arg3: memref<128x128xf32, #tpu.memory_space<vmem>>, %arg4: memref<1024x64xf32, #tpu.memory_space<vmem>>, %arg5: memref<1024x64xf32, #tpu.memory_space<vmem>>) attributes {dimension_semantics = [#tpu.dimension_semantics<arbitrary>], iteration_bounds = array<i64: 10>, scalar_prefetch = 0 : i64, scratch_operands = 0 : i64, tpu.core_type = #tpu.core_type<tc>, window_params = [{transform_indices = @transform_0, window_bounds = array<i64: 2, 1024, 16>}, {transform_indices = @transform_1, window_bounds = array<i64: 1024, 128>}, {pipeline_mode = #tpu.pipeline_mode<synchronous>, transform_indices = @transform_2, window_bounds = array<i64: 128, 128>}, {transform_indices = @transform_3, window_bounds = array<i64: 1024, 64>}, {transform_indices = @transform_4, window_bounds = array<i64: 1024, 64>}]} {
    %get3A = arith.constant 0 : index
    %get3A_0 = arith.constant 0 : index
    %get3A_1 = vector.load %arg2[%get3A, %get3A_0] : memref<1024x128xf32, #tpu.memory_space<vmem>>, vector<1024x128xf32>
    %get3A_2 = arith.constant 0 : index
    %get3A_3 = arith.constant 0 : index
    %get3A_4 = vector.load %arg3[%get3A_2, %get3A_3] : memref<128x128xf32, #tpu.memory_space<vmem>>, vector<128x128xf32>
    %dot_general3A = arith.constant dense<0.000000e+00> : vector<1024x128xf32>
    %dot_general3A_5 = tpu.matmul %get3A_1, %get3A_4, %dot_general3A {dimension_numbers = #tpu.dot_dimension_numbers<[1], [0], [0], [1], [0, 0, 1, 1], [], []>, transpose_lhs_hint = false} : vector<1024x128xf32>, vector<128x128xf32>, vector<1024x128xf32> -> vector<1024x128xf32>
    %get3A_6 = arith.constant 0 : index
    %get3A_7 = arith.constant 0 : index
    %get3A_8 = arith.constant 0 : index
    %get3A_9 = vector.load %arg1[%get3A_6, %get3A_7, %get3A_8] : memref<2x1024x16xf32, #tpu.memory_space<vmem>>, vector<2x1024x16xf32>
    %slice3A = vector.extract_strided_slice %get3A_9 {offsets = [0, 0, 0], sizes = [1, 1024, 1], strides = [1, 1, 1]} : vector<2x1024x16xf32> to vector<1x1024x1xf32>
    %squeeze3A = vector.shape_cast %slice3A : vector<1x1024x1xf32> to vector<1024xf32>
    %add3A = arith.constant 1.000000e+00 : f32
    %add3A_10 = vector.broadcast %add3A : f32 to vector<1024xf32>
    %add3A_11 = arith.addf %add3A_10, %squeeze3A : vector<1024xf32>
    %slice3A_12 = vector.extract_strided_slice %get3A_9 {offsets = [1, 0, 0], sizes = [1, 1024, 1], strides = [1, 1, 1]} : vector<2x1024x16xf32> to vector<1x1024x1xf32>
    %squeeze3A_13 = vector.shape_cast %slice3A_12 : vector<1x1024x1xf32> to vector<1024xf32>
    %add3A_14 = arith.addf %add3A_11, %squeeze3A_13 : vector<1024xf32>
    %rsqrt3A = math.rsqrt %add3A_14 : vector<1024xf32>
    %broadcast_in_dim3A = vector.shape_cast %rsqrt3A : vector<1024xf32> to vector<1024x1xf32>
    %mul3A = vector.broadcast %broadcast_in_dim3A : vector<1024x1xf32> to vector<1024x128xf32>
    %mul3A_15 = arith.mulf %dot_general3A_5, %mul3A : vector<1024x128xf32>
    %slice3A_16 = vector.extract_strided_slice %mul3A_15 {offsets = [0, 0], sizes = [1024, 64], strides = [1, 1]} : vector<1024x128xf32> to vector<1024x64xf32>
    %swap3A = arith.constant 0 : index
    %swap3A_17 = arith.constant 0 : index
    %swap3A_18 = vector.load %arg4[%swap3A, %swap3A_17] : memref<1024x64xf32, #tpu.memory_space<vmem>>, vector<1024x64xf32>
    tpu.vector_store %arg4[%swap3A, %swap3A_17], %slice3A_16 {strides = array<i32>} : memref<1024x64xf32, #tpu.memory_space<vmem>>, vector<1024x64xf32>,
    %slice3A_19 = vector.extract_strided_slice %mul3A_15 {offsets = [0, 64], sizes = [1024, 64], strides = [1, 1]} : vector<1024x128xf32> to vector<1024x64xf32>
    %swap3A_20 = arith.constant 0 : index
    %swap3A_21 = arith.constant 0 : index
    %swap3A_22 = vector.load %arg5[%swap3A_20, %swap3A_21] : memref<1024x64xf32, #tpu.memory_space<vmem>>, vector<1024x64xf32>
    tpu.vector_store %arg5[%swap3A_20, %swap3A_21], %slice3A_19 {strides = array<i32>} : memref<1024x64xf32, #tpu.memory_space<vmem>>, vector<1024x64xf32>,
    return
  }
  func.func @transform_0(%arg0: i32) -> (i32, i32, i32) {
    %c0_i32 = arith.constant 0 : i32
    %c0_i32_0 = arith.constant 0 : i32
    %c0_i32_1 = arith.constant 0 : i32
    return %c0_i32, %arg0, %c0_i32_0 : i32, i32, i32
  }
  func.func @transform_1(%arg0: i32) -> (i32, i32) {
    %c0_i32 = arith.constant 0 : i32
    %c0_i32_0 = arith.constant 0 : i32
    return %arg0, %c0_i32 : i32, i32
  }
  func.func @transform_2(%arg0: i32) -> (i32, i32) {
    %c0_i32 = arith.constant 0 : i32
    %c0_i32_0 = arith.constant 0 : i32
    %c0_i32_1 = arith.constant 0 : i32
    return %c0_i32, %c0_i32_0 : i32, i32
  }
  func.func @transform_3(%arg0: i32) -> (i32, i32) {
    %c0_i32 = arith.constant 0 : i32
    %c0_i32_0 = arith.constant 0 : i32
    return %arg0, %c0_i32 : i32, i32
  }
  func.func @transform_4(%arg0: i32) -> (i32, i32) {
    %c0_i32 = arith.constant 0 : i32
    %c0_i32_0 = arith.constant 0 : i32
    return %arg0, %c0_i32 : i32, i32
  }
}

module attributes {stable_mosaic.version = 14 : i64} {
  func.func @_t2_body(%arg0: i32, %arg1: memref<2x1024x16xf32, #tpu.memory_space<vmem>>, %arg2: memref<1024x64xf32, #tpu.memory_space<vmem>>, %arg3: memref<1024x64xf32, #tpu.memory_space<vmem>>, %arg4: memref<1024x64xf32, #tpu.memory_space<vmem>>, %arg5: memref<1024x64xf32, #tpu.memory_space<vmem>>, %arg6: memref<1x128xf32, #tpu.memory_space<vmem>>, %arg7: memref<128x128xf32, #tpu.memory_space<vmem>>, %arg8: memref<1024x64xf32, #tpu.memory_space<vmem>>, %arg9: memref<1024x64xf32, #tpu.memory_space<vmem>>) attributes {dimension_semantics = [#tpu.dimension_semantics<arbitrary>], iteration_bounds = array<i64: 10>, scalar_prefetch = 0 : i64, scratch_operands = 0 : i64, tpu.core_type = #tpu.core_type<tc>, window_params = [{transform_indices = @transform_0, window_bounds = array<i64: 2, 1024, 16>}, {transform_indices = @transform_1, window_bounds = array<i64: 1024, 64>}, {transform_indices = @transform_2, window_bounds = array<i64: 1024, 64>}, {transform_indices = @transform_3, window_bounds = array<i64: 1024, 64>}, {transform_indices = @transform_4, window_bounds = array<i64: 1024, 64>}, {pipeline_mode = #tpu.pipeline_mode<synchronous>, transform_indices = @transform_5, window_bounds = array<i64: 1, 128>}, {pipeline_mode = #tpu.pipeline_mode<synchronous>, transform_indices = @transform_6, window_bounds = array<i64: 128, 128>}, {transform_indices = @transform_7, window_bounds = array<i64: 1024, 64>}, {transform_indices = @transform_8, window_bounds = array<i64: 1024, 64>}]} {
    %get3A = arith.constant 0 : index
    %get3A_0 = arith.constant 0 : index
    %get3A_1 = arith.constant 0 : index
    %get3A_2 = vector.load %arg1[%get3A, %get3A_0, %get3A_1] : memref<2x1024x16xf32, #tpu.memory_space<vmem>>, vector<2x1024x16xf32>
    %slice3A = vector.extract_strided_slice %get3A_2 {offsets = [0, 0, 0], sizes = [1, 1024, 1], strides = [1, 1, 1]} : vector<2x1024x16xf32> to vector<1x1024x1xf32>
    %squeeze3A = vector.shape_cast %slice3A : vector<1x1024x1xf32> to vector<1024xf32>
    %add3A = arith.constant 1.000000e+00 : f32
    %add3A_3 = vector.broadcast %add3A : f32 to vector<1024xf32>
    %add3A_4 = arith.addf %add3A_3, %squeeze3A : vector<1024xf32>
    %slice3A_5 = vector.extract_strided_slice %get3A_2 {offsets = [1, 0, 0], sizes = [1, 1024, 1], strides = [1, 1, 1]} : vector<2x1024x16xf32> to vector<1x1024x1xf32>
    %squeeze3A_6 = vector.shape_cast %slice3A_5 : vector<1x1024x1xf32> to vector<1024xf32>
    %add3A_7 = arith.addf %add3A_4, %squeeze3A_6 : vector<1024xf32>
    %rsqrt3A = math.rsqrt %add3A_7 : vector<1024xf32>
    %broadcast_in_dim3A = vector.shape_cast %rsqrt3A : vector<1024xf32> to vector<1024x1xf32>
    %get3A_8 = arith.constant 0 : index
    %get3A_9 = arith.constant 0 : index
    %get3A_10 = vector.load %arg2[%get3A_8, %get3A_9] : memref<1024x64xf32, #tpu.memory_space<vmem>>, vector<1024x64xf32>
    %get3A_11 = arith.constant 0 : index
    %get3A_12 = arith.constant 0 : index
    %get3A_13 = vector.load %arg4[%get3A_11, %get3A_12] : memref<1024x64xf32, #tpu.memory_space<vmem>>, vector<1024x64xf32>
    %add3A_14 = arith.addf %get3A_10, %get3A_13 : vector<1024x64xf32>
    %get3A_15 = arith.constant 0 : index
    %get3A_16 = arith.constant 0 : index
    %get3A_17 = vector.load %arg3[%get3A_15, %get3A_16] : memref<1024x64xf32, #tpu.memory_space<vmem>>, vector<1024x64xf32>
    %get3A_18 = arith.constant 0 : index
    %get3A_19 = arith.constant 0 : index
    %get3A_20 = vector.load %arg5[%get3A_18, %get3A_19] : memref<1024x64xf32, #tpu.memory_space<vmem>>, vector<1024x64xf32>
    %add3A_21 = arith.addf %get3A_17, %get3A_20 : vector<1024x64xf32>
    %concatenate3A = tpu.concatenate %add3A_14, %add3A_21 in 1 : vector<1024x64xf32>, vector<1024x64xf32> -> vector<1024x128xf32>
    %mul3A = vector.broadcast %broadcast_in_dim3A : vector<1024x1xf32> to vector<1024x128xf32>
    %mul3A_22 = arith.mulf %concatenate3A, %mul3A : vector<1024x128xf32>
    %get3A_23 = arith.constant 0 : index
    %get3A_24 = arith.constant 0 : index
    %get3A_25 = vector.load %arg6[%get3A_23, %get3A_24] : memref<1x128xf32, #tpu.memory_space<vmem>>, vector<1x128xf32>
    %add3A_26 = vector.broadcast %get3A_25 : vector<1x128xf32> to vector<1024x128xf32>
    %add3A_27 = arith.addf %mul3A_22, %add3A_26 : vector<1024x128xf32>
    %max3A = arith.constant 0.000000e+00 : f32
    %max3A_28 = vector.broadcast %max3A : f32 to vector<1024x128xf32>
    %max3A_29 = arith.maximumf %add3A_27, %max3A_28 : vector<1024x128xf32>
    %get3A_30 = arith.constant 0 : index
    %get3A_31 = arith.constant 0 : index
    %get3A_32 = vector.load %arg7[%get3A_30, %get3A_31] : memref<128x128xf32, #tpu.memory_space<vmem>>, vector<128x128xf32>
    %dot_general3A = arith.constant dense<0.000000e+00> : vector<1024x128xf32>
    %dot_general3A_33 = tpu.matmul %max3A_29, %get3A_32, %dot_general3A {dimension_numbers = #tpu.dot_dimension_numbers<[1], [0], [0], [1], [0, 0, 1, 1], [], []>, transpose_lhs_hint = false} : vector<1024x128xf32>, vector<128x128xf32>, vector<1024x128xf32> -> vector<1024x128xf32>
    %mul3A_34 = vector.broadcast %broadcast_in_dim3A : vector<1024x1xf32> to vector<1024x128xf32>
    %mul3A_35 = arith.mulf %dot_general3A_33, %mul3A_34 : vector<1024x128xf32>
    %slice3A_36 = vector.extract_strided_slice %mul3A_35 {offsets = [0, 0], sizes = [1024, 64], strides = [1, 1]} : vector<1024x128xf32> to vector<1024x64xf32>
    %swap3A = arith.constant 0 : index
    %swap3A_37 = arith.constant 0 : index
    %swap3A_38 = vector.load %arg8[%swap3A, %swap3A_37] : memref<1024x64xf32, #tpu.memory_space<vmem>>, vector<1024x64xf32>
    tpu.vector_store %arg8[%swap3A, %swap3A_37], %slice3A_36 {strides = array<i32>} : memref<1024x64xf32, #tpu.memory_space<vmem>>, vector<1024x64xf32>,
    %slice3A_39 = vector.extract_strided_slice %mul3A_35 {offsets = [0, 64], sizes = [1024, 64], strides = [1, 1]} : vector<1024x128xf32> to vector<1024x64xf32>
    %swap3A_40 = arith.constant 0 : index
    %swap3A_41 = arith.constant 0 : index
    %swap3A_42 = vector.load %arg9[%swap3A_40, %swap3A_41] : memref<1024x64xf32, #tpu.memory_space<vmem>>, vector<1024x64xf32>
    tpu.vector_store %arg9[%swap3A_40, %swap3A_41], %slice3A_39 {strides = array<i32>} : memref<1024x64xf32, #tpu.memory_space<vmem>>, vector<1024x64xf32>,
    return
  }
  func.func @transform_0(%arg0: i32) -> (i32, i32, i32) {
    %c0_i32 = arith.constant 0 : i32
    %c0_i32_0 = arith.constant 0 : i32
    %c0_i32_1 = arith.constant 0 : i32
    return %c0_i32, %arg0, %c0_i32_0 : i32, i32, i32
  }
  func.func @transform_1(%arg0: i32) -> (i32, i32) {
    %c0_i32 = arith.constant 0 : i32
    %c0_i32_0 = arith.constant 0 : i32
    return %arg0, %c0_i32 : i32, i32
  }
  func.func @transform_2(%arg0: i32) -> (i32, i32) {
    %c0_i32 = arith.constant 0 : i32
    %c0_i32_0 = arith.constant 0 : i32
    return %arg0, %c0_i32 : i32, i32
  }
  func.func @transform_3(%arg0: i32) -> (i32, i32) {
    %c0_i32 = arith.constant 0 : i32
    %c0_i32_0 = arith.constant 0 : i32
    return %arg0, %c0_i32 : i32, i32
  }
  func.func @transform_4(%arg0: i32) -> (i32, i32) {
    %c0_i32 = arith.constant 0 : i32
    %c0_i32_0 = arith.constant 0 : i32
    return %arg0, %c0_i32 : i32, i32
  }
  func.func @transform_5(%arg0: i32) -> (i32, i32) {
    %c0_i32 = arith.constant 0 : i32
    %c0_i32_0 = arith.constant 0 : i32
    %c0_i32_1 = arith.constant 0 : i32
    return %c0_i32, %c0_i32_0 : i32, i32
  }
  func.func @transform_6(%arg0: i32) -> (i32, i32) {
    %c0_i32 = arith.constant 0 : i32
    %c0_i32_0 = arith.constant 0 : i32
    %c0_i32_1 = arith.constant 0 : i32
    return %c0_i32, %c0_i32_0 : i32, i32
  }
  func.func @transform_7(%arg0: i32) -> (i32, i32) {
    %c0_i32 = arith.constant 0 : i32
    %c0_i32_0 = arith.constant 0 : i32
    return %arg0, %c0_i32 : i32, i32
  }
  func.func @transform_8(%arg0: i32) -> (i32, i32) {
    %c0_i32 = arith.constant 0 : i32
    %c0_i32_0 = arith.constant 0 : i32
    return %arg0, %c0_i32 : i32, i32
  }
}

module attributes {stable_mosaic.version = 14 : i64} {
  func.func @_t3_body(%arg0: i32, %arg1: memref<2x1024x16xf32, #tpu.memory_space<vmem>>, %arg2: memref<1024x64xf32, #tpu.memory_space<vmem>>, %arg3: memref<1024x64xf32, #tpu.memory_space<vmem>>, %arg4: memref<1024x64xf32, #tpu.memory_space<vmem>>, %arg5: memref<1024x64xf32, #tpu.memory_space<vmem>>, %arg6: memref<1x128xf32, #tpu.memory_space<vmem>>, %arg7: memref<1024x1xi32, #tpu.memory_space<vmem>>, %arg8: memref<128x2xf32, #tpu.memory_space<vmem>>, %arg9: memref<1x2xf32, #tpu.memory_space<vmem>>, %arg10: memref<64x2xf32, #tpu.memory_space<vmem>>, %arg11: memref<64x128xf32, #tpu.memory_space<vmem>>, %arg12: memref<64x128xf32, #tpu.memory_space<vmem>>) attributes {dimension_semantics = [#tpu.dimension_semantics<arbitrary>], iteration_bounds = array<i64: 10>, scalar_prefetch = 0 : i64, scratch_operands = 2 : i64, tpu.core_type = #tpu.core_type<tc>, window_params = [{transform_indices = @transform_0, window_bounds = array<i64: 2, 1024, 16>}, {transform_indices = @transform_1, window_bounds = array<i64: 1024, 64>}, {transform_indices = @transform_2, window_bounds = array<i64: 1024, 64>}, {transform_indices = @transform_3, window_bounds = array<i64: 1024, 64>}, {transform_indices = @transform_4, window_bounds = array<i64: 1024, 64>}, {pipeline_mode = #tpu.pipeline_mode<synchronous>, transform_indices = @transform_5, window_bounds = array<i64: 1, 128>}, {transform_indices = @transform_6, window_bounds = array<i64: 1024, 1>}, {pipeline_mode = #tpu.pipeline_mode<synchronous>, transform_indices = @transform_7, window_bounds = array<i64: 128, 2>}, {pipeline_mode = #tpu.pipeline_mode<synchronous>, transform_indices = @transform_8, window_bounds = array<i64: 1, 2>}, {pipeline_mode = #tpu.pipeline_mode<synchronous>, transform_indices = @transform_9, window_bounds = array<i64: 64, 2>}]} {
    %get3A = arith.constant 0 : index
    %get3A_0 = arith.constant 0 : index
    %get3A_1 = arith.constant 0 : index
    %get3A_2 = vector.load %arg1[%get3A, %get3A_0, %get3A_1] : memref<2x1024x16xf32, #tpu.memory_space<vmem>>, vector<2x1024x16xf32>
    %slice3A = vector.extract_strided_slice %get3A_2 {offsets = [0, 0, 0], sizes = [1, 1024, 1], strides = [1, 1, 1]} : vector<2x1024x16xf32> to vector<1x1024x1xf32>
    %squeeze3A = vector.shape_cast %slice3A : vector<1x1024x1xf32> to vector<1024xf32>
    %add3A = arith.constant 1.000000e+00 : f32
    %add3A_3 = vector.broadcast %add3A : f32 to vector<1024xf32>
    %add3A_4 = arith.addf %add3A_3, %squeeze3A : vector<1024xf32>
    %slice3A_5 = vector.extract_strided_slice %get3A_2 {offsets = [1, 0, 0], sizes = [1, 1024, 1], strides = [1, 1, 1]} : vector<2x1024x16xf32> to vector<1x1024x1xf32>
    %squeeze3A_6 = vector.shape_cast %slice3A_5 : vector<1x1024x1xf32> to vector<1024xf32>
    %add3A_7 = arith.addf %add3A_4, %squeeze3A_6 : vector<1024xf32>
    %rsqrt3A = math.rsqrt %add3A_7 : vector<1024xf32>
    %broadcast_in_dim3A = vector.shape_cast %rsqrt3A : vector<1024xf32> to vector<1024x1xf32>
    %get3A_8 = arith.constant 0 : index
    %get3A_9 = arith.constant 0 : index
    %get3A_10 = vector.load %arg2[%get3A_8, %get3A_9] : memref<1024x64xf32, #tpu.memory_space<vmem>>, vector<1024x64xf32>
    %get3A_11 = arith.constant 0 : index
    %get3A_12 = arith.constant 0 : index
    %get3A_13 = vector.load %arg4[%get3A_11, %get3A_12] : memref<1024x64xf32, #tpu.memory_space<vmem>>, vector<1024x64xf32>
    %add3A_14 = arith.addf %get3A_10, %get3A_13 : vector<1024x64xf32>
    %get3A_15 = arith.constant 0 : index
    %get3A_16 = arith.constant 0 : index
    %get3A_17 = vector.load %arg3[%get3A_15, %get3A_16] : memref<1024x64xf32, #tpu.memory_space<vmem>>, vector<1024x64xf32>
    %get3A_18 = arith.constant 0 : index
    %get3A_19 = arith.constant 0 : index
    %get3A_20 = vector.load %arg5[%get3A_18, %get3A_19] : memref<1024x64xf32, #tpu.memory_space<vmem>>, vector<1024x64xf32>
    %add3A_21 = arith.addf %get3A_17, %get3A_20 : vector<1024x64xf32>
    %concatenate3A = tpu.concatenate %add3A_14, %add3A_21 in 1 : vector<1024x64xf32>, vector<1024x64xf32> -> vector<1024x128xf32>
    %mul3A = vector.broadcast %broadcast_in_dim3A : vector<1024x1xf32> to vector<1024x128xf32>
    %mul3A_22 = arith.mulf %concatenate3A, %mul3A : vector<1024x128xf32>
    %get3A_23 = arith.constant 0 : index
    %get3A_24 = arith.constant 0 : index
    %get3A_25 = vector.load %arg6[%get3A_23, %get3A_24] : memref<1x128xf32, #tpu.memory_space<vmem>>, vector<1x128xf32>
    %add3A_26 = vector.broadcast %get3A_25 : vector<1x128xf32> to vector<1024x128xf32>
    %add3A_27 = arith.addf %mul3A_22, %add3A_26 : vector<1024x128xf32>
    %max3A = arith.constant 0.000000e+00 : f32
    %max3A_28 = vector.broadcast %max3A : f32 to vector<1024x128xf32>
    %max3A_29 = arith.maximumf %add3A_27, %max3A_28 : vector<1024x128xf32>
    %get3A_30 = arith.constant 0 : index
    %get3A_31 = arith.constant 0 : index
    %get3A_32 = vector.load %arg7[%get3A_30, %get3A_31] : memref<1024x1xi32, #tpu.memory_space<vmem>>, vector<1024x1xi32>
    %iota3A = tpu.iota {dimensions = array<i32: 1>} : vector<1024x64xi32>
    %eq3A = vector.broadcast %get3A_32 : vector<1024x1xi32> to vector<1024x64xi32>
    %eq3A_33 = arith.cmpi eq, %eq3A, %iota3A : vector<1024x64xi32>
    %convert_element_type3A = arith.extui %eq3A_33 : vector<1024x64xi1> to vector<1024x64xi32>
    %convert_element_type3A_34 = arith.sitofp %convert_element_type3A : vector<1024x64xi32> to vector<1024x64xf32>
    %dot_general3A = arith.constant dense<0.000000e+00> : vector<64x128xf32>
    %dot_general3A_35 = tpu.matmul %convert_element_type3A_34, %max3A_29, %dot_general3A {dimension_numbers = #tpu.dot_dimension_numbers<[0], [0], [1], [1], [0, 1, 1, 1], [], []>, transpose_lhs_hint = false} : vector<1024x64xf32>, vector<1024x128xf32>, vector<64x128xf32> -> vector<64x128xf32>
    %reduce_sum3A = arith.constant dense<0.000000e+00> : vector<64xf32>
    %reduce_sum3A_36 = vector.multi_reduction <add>, %convert_element_type3A_34, %reduce_sum3A [0] : vector<1024x64xf32> to vector<64xf32>
    %eq3A_37 = arith.constant 0 : i32
    %eq3A_38 = arith.cmpi eq, %arg0, %eq3A_37 : i32
    %convert_element_type3A_39 = arith.extui %eq3A_38 : i1 to i32
    %cond3A = arith.constant 0 : i32
    %cond3A_40 = arith.cmpi ne, %convert_element_type3A_39, %cond3A : i32
    scf.if %cond3A_40 {
      %broadcast_in_dim3A_62 = arith.constant 0.000000e+00 : f32
      %broadcast_in_dim3A_63 = vector.broadcast %broadcast_in_dim3A_62 : f32 to vector<64x128xf32>
      %swap3A_64 = arith.constant 0 : index
      %swap3A_65 = arith.constant 0 : index
      %swap3A_66 = vector.load %arg11[%swap3A_64, %swap3A_65] : memref<64x128xf32, #tpu.memory_space<vmem>>, vector<64x128xf32>
      tpu.vector_store %arg11[%swap3A_64, %swap3A_65], %broadcast_in_dim3A_63 {strides = array<i32>} : memref<64x128xf32, #tpu.memory_space<vmem>>, vector<64x128xf32>,
      %broadcast_in_dim3A_67 = arith.constant 0.000000e+00 : f32
      %broadcast_in_dim3A_68 = vector.broadcast %broadcast_in_dim3A_67 : f32 to vector<64x128xf32>
      %swap3A_69 = arith.constant 0 : index
      %swap3A_70 = arith.constant 0 : index
      %swap3A_71 = vector.load %arg12[%swap3A_69, %swap3A_70] : memref<64x128xf32, #tpu.memory_space<vmem>>, vector<64x128xf32>
      tpu.vector_store %arg12[%swap3A_69, %swap3A_70], %broadcast_in_dim3A_68 {strides = array<i32>} : memref<64x128xf32, #tpu.memory_space<vmem>>, vector<64x128xf32>,
    } else {
    }
    %get3A_41 = arith.constant 0 : index
    %get3A_42 = arith.constant 0 : index
    %get3A_43 = vector.load %arg11[%get3A_41, %get3A_42] : memref<64x128xf32, #tpu.memory_space<vmem>>, vector<64x128xf32>
    %add3A_44 = arith.addf %get3A_43, %dot_general3A_35 : vector<64x128xf32>
    %swap3A = arith.constant 0 : index
    %swap3A_45 = arith.constant 0 : index
    %swap3A_46 = vector.load %arg11[%swap3A, %swap3A_45] : memref<64x128xf32, #tpu.memory_space<vmem>>, vector<64x128xf32>
    tpu.vector_store %arg11[%swap3A, %swap3A_45], %add3A_44 {strides = array<i32>} : memref<64x128xf32, #tpu.memory_space<vmem>>, vector<64x128xf32>,
    %get3A_47 = arith.constant 0 : index
    %get3A_48 = arith.constant 0 : index
    %get3A_49 = vector.load %arg12[%get3A_47, %get3A_48] : memref<64x128xf32, #tpu.memory_space<vmem>>, vector<64x128xf32>
    %broadcast_in_dim3A_50 = vector.shape_cast %reduce_sum3A_36 : vector<64xf32> to vector<64x1xf32>
    %broadcast_in_dim3A_51 = vector.shape_cast %broadcast_in_dim3A_50 : vector<64x1xf32> to vector<64x1xf32>
    %broadcast_in_dim3A_52 = vector.broadcast %broadcast_in_dim3A_51 : vector<64x1xf32> to vector<64x128xf32>
    %add3A_53 = arith.addf %get3A_49, %broadcast_in_dim3A_52 : vector<64x128xf32>
    %swap3A_54 = arith.constant 0 : index
    %swap3A_55 = arith.constant 0 : index
    %swap3A_56 = vector.load %arg12[%swap3A_54, %swap3A_55] : memref<64x128xf32, #tpu.memory_space<vmem>>, vector<64x128xf32>
    tpu.vector_store %arg12[%swap3A_54, %swap3A_55], %add3A_53 {strides = array<i32>} : memref<64x128xf32, #tpu.memory_space<vmem>>, vector<64x128xf32>,
    %eq3A_57 = arith.constant 9 : i32
    %eq3A_58 = arith.cmpi eq, %arg0, %eq3A_57 : i32
    %convert_element_type3A_59 = arith.extui %eq3A_58 : i1 to i32
    %cond3A_60 = arith.constant 0 : i32
    %cond3A_61 = arith.cmpi ne, %convert_element_type3A_59, %cond3A_60 : i32
    scf.if %cond3A_61 {
      %get3A_62 = arith.constant 0 : index
      %get3A_63 = arith.constant 0 : index
      %get3A_64 = vector.load %arg11[%get3A_62, %get3A_63] : memref<64x128xf32, #tpu.memory_space<vmem>>, vector<64x128xf32>
      %get3A_65 = arith.constant 0 : index
      %get3A_66 = arith.constant 0 : index
      %get3A_67 = vector.load %arg12[%get3A_65, %get3A_66] : memref<64x128xf32, #tpu.memory_space<vmem>>, vector<64x128xf32>
      %max3A_68 = arith.constant 1.000000e+00 : f32
      %max3A_69 = vector.broadcast %max3A_68 : f32 to vector<64x128xf32>
      %max3A_70 = arith.maximumf %get3A_67, %max3A_69 : vector<64x128xf32>
      %div3A = arith.divf %get3A_64, %max3A_70 : vector<64x128xf32>
      %get3A_71 = arith.constant 0 : index
      %get3A_72 = arith.constant 0 : index
      %get3A_73 = vector.load %arg8[%get3A_71, %get3A_72] : memref<128x2xf32, #tpu.memory_space<vmem>>, vector<128x2xf32>
      %dot_general3A_74 = arith.constant dense<0.000000e+00> : vector<64x2xf32>
      %dot_general3A_75 = tpu.matmul %div3A, %get3A_73, %dot_general3A_74 {dimension_numbers = #tpu.dot_dimension_numbers<[1], [0], [0], [1], [0, 0, 1, 1], [], []>, transpose_lhs_hint = false} : vector<64x128xf32>, vector<128x2xf32>, vector<64x2xf32> -> vector<64x2xf32>
      %get3A_76 = arith.constant 0 : index
      %get3A_77 = arith.constant 0 : index
      %get3A_78 = vector.load %arg9[%get3A_76, %get3A_77] : memref<1x2xf32, #tpu.memory_space<vmem>>, vector<1x2xf32>
      %add3A_79 = vector.broadcast %get3A_78 : vector<1x2xf32> to vector<64x2xf32>
      %add3A_80 = arith.addf %dot_general3A_75, %add3A_79 : vector<64x2xf32>
      %swap3A_81 = arith.constant 0 : index
      %swap3A_82 = arith.constant 0 : index
      %swap3A_83 = vector.load %arg10[%swap3A_81, %swap3A_82] : memref<64x2xf32, #tpu.memory_space<vmem>>, vector<64x2xf32>
      tpu.vector_store %arg10[%swap3A_81, %swap3A_82], %add3A_80 {strides = array<i32>} : memref<64x2xf32, #tpu.memory_space<vmem>>, vector<64x2xf32>,
    } else {
    }
    return
  }
  func.func @transform_0(%arg0: i32) -> (i32, i32, i32) {
    %c0_i32 = arith.constant 0 : i32
    %c0_i32_0 = arith.constant 0 : i32
    %c0_i32_1 = arith.constant 0 : i32
    return %c0_i32, %arg0, %c0_i32_0 : i32, i32, i32
  }
  func.func @transform_1(%arg0: i32) -> (i32, i32) {
    %c0_i32 = arith.constant 0 : i32
    %c0_i32_0 = arith.constant 0 : i32
    return %arg0, %c0_i32 : i32, i32
  }
  func.func @transform_2(%arg0: i32) -> (i32, i32) {
    %c0_i32 = arith.constant 0 : i32
    %c0_i32_0 = arith.constant 0 : i32
    return %arg0, %c0_i32 : i32, i32
  }
  func.func @transform_3(%arg0: i32) -> (i32, i32) {
    %c0_i32 = arith.constant 0 : i32
    %c0_i32_0 = arith.constant 0 : i32
    return %arg0, %c0_i32 : i32, i32
  }
  func.func @transform_4(%arg0: i32) -> (i32, i32) {
    %c0_i32 = arith.constant 0 : i32
    %c0_i32_0 = arith.constant 0 : i32
    return %arg0, %c0_i32 : i32, i32
  }
  func.func @transform_5(%arg0: i32) -> (i32, i32) {
    %c0_i32 = arith.constant 0 : i32
    %c0_i32_0 = arith.constant 0 : i32
    %c0_i32_1 = arith.constant 0 : i32
    return %c0_i32, %c0_i32_0 : i32, i32
  }
  func.func @transform_6(%arg0: i32) -> (i32, i32) {
    %c0_i32 = arith.constant 0 : i32
    %c0_i32_0 = arith.constant 0 : i32
    return %arg0, %c0_i32 : i32, i32
  }
  func.func @transform_7(%arg0: i32) -> (i32, i32) {
    %c0_i32 = arith.constant 0 : i32
    %c0_i32_0 = arith.constant 0 : i32
    %c0_i32_1 = arith.constant 0 : i32
    return %c0_i32, %c0_i32_0 : i32, i32
  }
  func.func @transform_8(%arg0: i32) -> (i32, i32) {
    %c0_i32 = arith.constant 0 : i32
    %c0_i32_0 = arith.constant 0 : i32
    %c0_i32_1 = arith.constant 0 : i32
    return %c0_i32, %c0_i32_0 : i32, i32
  }
  func.func @transform_9(%arg0: i32) -> (i32, i32) {
    %c0_i32 = arith.constant 0 : i32
    %c0_i32_0 = arith.constant 0 : i32
    %c0_i32_1 = arith.constant 0 : i32
    return %c0_i32, %c0_i32_0 : i32, i32
  }
}

</mosaic_0001>

<sc_bundles>
// kernel: _impl.11.cloned.1.call-start
scs
__scs_entry_jumppad:
0x0: {  	(pc) =	sbr.rel $0x88, $3  }
0x1: {  	(tag) =	ssettag $0x0;
	lr =	simm.s32 $0x1  }
0x2: {  	[smem:$0x3F98] =	sst lr;
	_ =	strace $0xD0000000  }
0x3: {  	_ = 	snop  }
0x4: {  	_ = 	snop  }
0x5: {  	_ = 	snop  }
0x6: {  	_ = 	snop  }
0x7: {  	_ = 	snop  }
__scs_overlays_trampoline_lowered:
0x8: {  	[smem:$0x3FA7] =	sst s0  }
0x9: {  	[smem:$0x3FA8] =	sst s1  }
0xa: {  	[smem:$0x3FA9] =	sst s2  }
0xb: {  	[smem:$0x3FAA] =	sst s3  }
0xc: {  	[smem:$0x3FAB] =	sst s4  }
0xd: {  	[smem:$0x3FAC] =	sst s5  }
0xe: {  	[smem:$0x3FAD] =	sst s6  }
0xf: {  	[smem:$0x3FAE] =	sst s7  }
0x10: {  	[smem:$0x3FAF] =	sst s8  }
0x11: {  	[smem:$0x3FB0] =	sst s9;
	s0 =	simm.s32 @!p0 $0x0  }
0x12: {  	s1 =	sld [smem:$0x3F96];
	s0 =	simm.s32 @p0 $0x1  }
0x13: {  	[smem:$0x3FB1] =	sst s0;
	s0 =	simm.s32 @!p1 $0x0  }
0x14: {  	s2 =	sld [smem:$0x3F95];
	s0 =	simm.s32 @p1 $0x1  }
0x15: {  	[smem:$0x3FB2] =	sst s0;
	s0 =	simm.s32 @!p2 $0x0  }
0x16: {  	s3 =	sld [smem:$0x3FDB];
	s0 =	simm.s32 @p2 $0x1  }
0x17: {  	s4 =	simm.s32 $0x1BF5;
	[smem:$0x3FB4] =	sst s0  }
0x18: {  	s0 =	sld [smem:$0x3F97];
	_ =	swait.ge [sflag:s4], $0x0  }
0x19: {  	s7 =	sld [smem:$0x3F98]  }
0x1a: {  	s8 =	sadd.s32 $0xFFFFE003, lr  }
0x1b: {  	s9 =	sadd.s32 $0xFFFFFEF7, lr;
	s5 =	simm.s32 $0xFFFFFFFF;
	p2 =	slt.u32 s8, $0xFFFFF086  }
0x1c: {  	p1 =	slt.u32 s9, $0xF7A;
	s5 =	simm.s32 @!p2 $0x0  }
0x1d: {  	s5 =	simm.s32 @p1 $0x1;
	p0 =	seq.s32 s7, s2  }
0x1e: {  	s7 =	smul.u32 @!p0 $0xF7A, s2;
	p2 =	seq.s32 @!p0 s5, $0x0  }
0x1f: {  	s9 =	smul.u32 $0xF7A, s1;
	s8 =	simm.s32 @!p0 $0x1BF5;
	p2 =	por !p2, p0  }
0x20: {  	[sflag:s8] =	ssyncset.s32 @!p0 $0xFFFFF086;
	s6 =	sadd.s32 @!p0 s3, s7;
	s7 =	simm.s32 @!p0 $0x108  }
0x21: {  	s3 =	sadd.s32 s3, s9;
	s6 =	sadd.s32 @!p0 $0x88, s6;
	s7 =	simm.s32 @p2 $0x1082  }
0x22: {  	[simem:s7], [sflag:s8] =	dma.local @!p0 [hbm:s6], $0xF7A  }
0x23: {  	s9 =	sor.u32 $0xD0000000, s2;
	s6 =	simm.s32 $0x108;
	_ =	swait.ge @!p0 [sflag:s8], $0x0  }
0x24: {  	s3 =	sadd.s32 $0x88, s3;
	s6 =	simm.s32 @!p1 $0x1082;
	[sflag:s4] =	ssyncset.s32 $0xFFFFF086  }
0x25: {  	[simem:s6], [sflag:s4] =	dma.local [hbm:s3], $0xF7A  }
0x26: {  	[smem:$0x3F98] =	sst s1;
	(tag) =	ssettag s2;
	_ =	strace s9  }
0x27: {  	s1 =	sld [smem:$0x3FA8]  }
0x28: {  	s2 =	sld [smem:$0x3FA9]  }
0x29: {  	s4 =	sld [smem:$0x3FAB]  }
0x2a: {  	p0 =	seq.s32 s5, $0x0;
	s5 =	sld [smem:$0x3FAC]  }
0x2b: {  	s6 =	sld [smem:$0x3FAD]  }
0x2c: {  	s7 =	sld [smem:$0x3FAE]  }
0x2d: {  	s3 =	simm.s32 $0x108;
	s8 =	sld [smem:$0x3FAF]  }
0x2e: {  	s3 =	simm.s32 @!p0 $0x1082;
	s9 =	sld [smem:$0x3FB0]  }
0x2f: {  	lr =	sadd.s32 s0, s3;
	s0 =	sld [smem:$0x3FA7]  }
0x30: {  	s3 =	sld [smem:$0x3FAA]  }
0x31: {  	[smem:$0x3FB3] =	sst s10  }
0x32: {  	s10 =	sld [smem:$0x3FB1];
	_ =	sdelay $0x3  }
0x33: {  	p0 =	seq.s32 s10, $0x1;
	s10 =	sld [smem:$0x3FB3];
	_ =	sdelay $0x3  }
0x34: {  	[smem:$0x3FB3] =	sst s10  }
0x35: {  	s10 =	sld [smem:$0x3FB2];
	_ =	sdelay $0x3  }
0x36: {  	p1 =	seq.s32 s10, $0x1;
	s10 =	sld [smem:$0x3FB3];
	_ =	sdelay $0x3  }
0x37: {  	[smem:$0x3FB3] =	sst s10  }
0x38: {  	s10 =	sld [smem:$0x3FB4]  }
0x39: {  	_ = 	snop;
	(pc) =	sbr.ind lr, $3  }
0x3a: {  	_ = 	snop  }
0x3b: {  	_ = 	snop  }
0x3c: {  	p2 =	seq.s32 s10, $0x1;
	s10 =	sld [smem:$0x3FB3]  }
0x3d: {  	_ =	shalt  }
0x3e: {  	_ =	shalt  }
0x3f: {  	_ =	shalt  }
0x40: {  	_ =	shalt  }
0x41: {  	_ =	shalt  }
0x42: {  	_ =	shalt  }
0x43: {  	_ =	shalt  }
0x44: {  	_ =	shalt  }
0x45: {  	_ =	shalt  }
0x46: {  	_ =	shalt  }
0x47: {  	_ =	shalt  }
0x48: {  	_ =	shalt  }
0x49: {  	_ =	shalt  }
0x4a: {  	_ =	shalt  }
0x4b: {  	_ =	shalt  }
0x4c: {  	_ =	shalt  }
0x4d: {  	_ =	shalt  }
0x4e: {  	_ =	shalt  }
0x4f: {  	_ =	shalt  }
0x50: {  	_ =	shalt  }
0x51: {  	_ =	shalt  }
0x52: {  	_ =	shalt  }
0x53: {  	_ =	shalt  }
0x54: {  	_ =	shalt  }
0x55: {  	_ =	shalt  }
0x56: {  	_ =	shalt  }
0x57: {  	_ =	shalt  }
0x58: {  	_ =	shalt  }
0x59: {  	_ =	shalt  }
0x5a: {  	_ =	shalt  }
0x5b: {  	_ =	shalt  }
0x5c: {  	_ =	shalt  }
0x5d: {  	_ =	shalt  }
0x5e: {  	_ =	shalt  }
0x5f: {  	_ =	shalt  }
0x60: {  	_ =	shalt  }
0x61: {  	_ =	shalt  }
0x62: {  	_ =	shalt  }
0x63: {  	_ =	shalt  }
0x64: {  	_ =	shalt  }
0x65: {  	_ =	shalt  }
0x66: {  	_ =	shalt  }
0x67: {  	_ =	shalt  }
0x68: {  	_ =	shalt  }
0x69: {  	_ =	shalt  }
0x6a: {  	_ =	shalt  }
0x6b: {  	_ =	shalt  }
0x6c: {  	_ =	shalt  }
0x6d: {  	_ =	shalt  }
0x6e: {  	_ =	shalt  }
0x6f: {  	_ =	shalt  }
0x70: {  	_ =	shalt  }
0x71: {  	_ =	shalt  }
0x72: {  	_ =	shalt  }
0x73: {  	_ =	shalt  }
0x74: {  	_ =	shalt  }
0x75: {  	_ =	shalt  }
0x76: {  	_ =	shalt  }
0x77: {  	_ =	shalt  }
0x78: {  	_ =	shalt  }
0x79: {  	_ =	shalt  }
0x7a: {  	_ =	shalt  }
0x7b: {  	_ =	shalt  }
0x7c: {  	_ =	shalt  }
0x7d: {  	_ =	shalt  }
0x7e: {  	_ =	shalt  }
0x7f: {  	_ =	shalt  }
0x80: {  	_ =	shalt  }
0x81: {  	_ =	shalt  }
0x82: {  	_ =	shalt  }
0x83: {  	_ =	shalt  }
0x84: {  	_ =	shalt  }
0x85: {  	_ =	shalt  }
0x86: {  	_ =	shalt  }
0x87: {  	_ =	shalt  }
.Lfunc_end0:
.L_simem_size_0:
called_computation.1_lowered:
.L_overlay_start_0:
0x88: {  	s2 =	sld [smem:$0x3FD9]  }
0x89: {  	s3 =	sld [smem:$0x3FFE];
	_ =	sdelay $0x1  }
0x8a: {  	s1 =	srdreg.scid  }
0x8b: {  	s0 =	sand.u32 $0x1, s1  }
0x8c: {  	s16 =	sshll.u32 s0, $0xA;
	s2 =	sadd.s32 s3, s2  }
0x8d: {  	s2 =	sadd.s32 s2, s16  }
0x8e: {  	[smem:$0x3FBF] =	sst s2  }
0x8f: {  	_ = 	snop  }
0x90: {  	(tm) =	ssettm $0x1  }
0x91: {  	s17 =	sld [smem:$0x3FFB];
	_ =	sdelay $0x3  }
0x92: {  	_ =	strace s17  }
0x93: {  	s2 =	sld [smem:$0x3FFC];
	_ =	sdelay $0x3  }
0x94: {  	_ =	strace s2  }
0x95: {  	s2 =	sld [smem:$0x3FFD];
	_ =	sdelay $0x3  }
0x96: {  	_ =	strace s2  }
0x97: {  	_ =	strace $0x8FFFFFFF  }
0x98: {  	s18 =	sld [smem:$0x3FDB];
	_ =	sdelay $0x1  }
0x99: {  	s19 =	simm.s32 $_scs_section_size  }
0x9a: {  	s4 =	simm.s32 $_size__tile_overlayer_lowered;
	s5 =	simm.s32 $_tile_overlayer_lowered  }
0x9b: {  	s22 =	simm.s32 $0x1BFF;
	s21 =	sshll.u32 s5, $0x1;
	s2 =	sadd.s32 s19, s18  }
0x9c: {  	s6 =	simm.s32 $0x0;
	s20 =	sshll.u32 s4, $0x1;
	s4 =	sadd.s32 s21, s2  }
0x9d: {  	[timem:s6], [sflag:s22] =	dma.local [hbm:s4], s20  }
0x9e: {  	_ =	swait.ge [sflag:s22], s20  }
0x9f: {  	s3 =	ssub.s32 $0x0, s20;
	[sflag:s22] =	ssyncset.done $0x0  }
0xa0: {  	[sflag:s22] =	ssyncadd.s32 s3;
	_ =	sdelay $0x1  }
0xa1: {  	s23 =	simm.s32 $0x1B8B  }
0xa2: {  	_ =	swait.ge [sflag:s23], $0x1  }
0xa3: {  	[sflag:s23] =	ssyncset.done $0x0  }
0xa4: {  	s25 =	simm.s32 $0x1B8E;
	s24 =	sld [smem:$0x3FFE];
	[sflag:s23] =	ssyncadd.s32 $0xFFFFFFFF  }
0xa5: {  	s26 =	simm.s32 $execute0_lowered;
	[smem:$0x3FD2] =	sst s25  }
0xa6: {  	s4 =	sshll.u32 s26, $0x1;
	_ =	strace $0x80000049;
	[dreg:$0x1] =	wrdreg $0xFFFFFFFF  }
0xa7: {  	s28 =	simm.s32 $_size_execute0_lowered;
	s2 =	sadd.s32 s2, s4;
	[dreg:$0x0] =	wrdreg $0x0  }
0xa8: {  	s4 =	sshll.u32 s28, $0x1;
	[dreg:$0x2] =	wrdreg s2  }
0xa9: {  	[dreg:$0x3] =	wrdreg s4  }
0xaa: {  	[dreg:$0x4] =	wrdreg $0xC0  }
0xab: {  	_ =	task [dreg:s6], $0x5FFFF  }
0xac: {  	[dreg:$0x1] =	wrdreg $0xFFFFFFFF  }
0xad: {  	[dreg:$0x0] =	wrdreg $0x60  }
0xae: {  	[dreg:$0x2] =	wrdreg s24  }
0xaf: {  	[dreg:$0x3] =	wrdreg $0x10D800  }
0xb0: {  	[dreg:$0x4] =	wrdreg $0x9  }
0xb1: {  	_ =	task.clear_ibuf [dreg:s6], $0x5FFFF;
	_ =	strace $0x90000049  }
0xb2: {  	s29 =	simm.s32 $0x9;
	_ =	strace $0x8000004B  }
0xb3: {  	_ =	swait.ge [sflag:s29], $0x1  }
0xb4: {  	[sflag:s29] =	ssyncadd.s32 $0xFFFFFFFF  }
0xb5: {  	_ =	strace $0x9000004B  }
0xb6: {  	_ =	sfence  }
0xb7: {  	s30 =	sld [smem:$0x0];
	_ =	sdelay $0x2  }
0xb8: {  	s31 =	sshll.u32 s1, $0xD;
	s1 =	sshrl.u32 s1, $0x2  }
0xb9: {  	s3 =	sand.u32 $0x4000, s31;
	s1 =	sadd.s32 s1, s30  }
0xba: {  	s0 =	sor.u32 s3, s0;
	s1 =	sshll.u32 s1, $0x11  }
0xbb: {  	s0 =	sor.u32 s1, s0  }
0xbc: {  	s0 =	sadd.s32 $0x8F2B, s0  }
0xbd: {  	[sflag:s0] =	ssyncadd.remote.s32 $0x1  }
0xbe: {  	_ =	sfence.sel $0xFFFF  }
0xbf: {  	[dreg:$0x0] =	wrdreg $0xFFFFFFFF;
	(pc) =	sbr.abs _section_cstart, $3  }
0xc0: {  	[dreg:$0x1] =	wrdreg $0xFFFFFFFF  }
0xc1: {  	_ =	task.clear_ibuf [dreg:s6], $0x2FFFF;
	_ =	strace $0x9FFFFFFF  }
0xc2: {  	(tm) =	ssettm $0x7FFFFFFF  }
0xc3: {  	_ =	shalt  }
tec
execute0_lowered:
.L_overlay_start_1:
0x0: {  	(tag) =	ssettag $0x1  }
0x1: {  	s0 =	rddreg [dreg:$0x0]  }
0x2: {  	s2 =	rddreg [dreg:$0x1];
	s1 =	simm.s32 $0x0;
	s8 =	stileid.u32  }
0x3: {  	s3 =	srdreg.scid;
	s17 =	simm.s32 $0x9;
	s18 =	simm.s32 $0x4EC0  }
0x4: {  	s19 =	simm.s32 $0xED80;
	s20 =	simm.s32 $0x50;
	s21 =	simm.s32 $0x9D80  }
0x5: {  	s30 =	simm.s32 $0xD980;
	s31 =	simm.s32 $0x3;
	s29 =	simm.s32 $0x6  }
0x6: {  	s28 =	simm.s32 $0x0;
	[smem:$0x7FF] =	sst s1;
	s22 =	smul.u32 $0x9D8, s8  }
0x7: {  	s4 =	sadd.s32 $0xDEA00, s0;
	s5 =	sadd.s32 $0xCAA00, s0;
	s7 =	smul.u32 $0x28000, s8  }
0x8: {  	s3 =	sand.u32 $0x1, s3;
	s9 =	sadd.s32 $0x106A00, s0;
	s24 =	smul.u32 $0xA000, s8  }
0x9: {  	_ =	strace $0x8000004A;
	s6 =	ssub.s32 $0x2, s3;
	[dreg:$0x3] =	wrdreg s9  }
0xa: {  	p0 =	sne.s32 s3, $0x0;
	s1 =	sadd.s32 s22, s0;
	s0 =	sadd.s32 $0xF2A00, s0  }
0xb: {  	s23 =	sshrl.u32 s6, $0x1;
	s7 =	sshrl.u32 s7, $0x2;
	s10 =	sadd.s32 s24, s2  }
0xc: {  	s15 =	sshrl.u32 s24, $0x3;
	s22 =	simm.s32 $0xB180;
	s24 =	simm.s32 $0x4  }
0xd: {  	[dreg:$0x4] =	wrdreg s0;
	s0 =	ssub.s32 s6, s23;
	s25 =	sadd.s32 $0x20C00, s1  }
.Ltmp0:
0xe: {  	s9 =	sadd.s32 $0x16E00, s1;
	s26 =	sadd.s32 s7, s2;
	(pc) =	sbr.rel .LBB2_1-.Ltmp0, $4  }
0xf: {  	s23 =	simm.s32 $0x1;
	s6 =	simm.s32 $0x5;
	s7 =	simm.s32 $0x8  }
0x10: {  	[dreg:$0x5] =	wrdreg s25;
	s11 =	sadd.s32 $0x2000, s26;
	s12 =	sadd.s32 $0x4000, s26  }
0x11: {  	s13 =	sadd.s32 $0x6000, s26;
	s14 =	sadd.s32 $0x8000, s26;
	s16 =	smax.u32 s0, $0x1  }
0x12: {  	v0 =	vimm.f32 $0.0e+00;
	s25 =	simm.s32 $0xC580;
	s26 =	simm.s32 $0x2;
	s0 =	simm.s32 $0x7  }
.LBB2_9:
0x13: {  	[spmem:s2] =	stream.indirect.scatter.add.f32 [tilespmem:s30], [sflag:$0x8], $0x40, s3, s20, $0xb8;
	[tilespmem:$0x1AD80] =	vst v63  }
0x14: {  	_ =	swait.ge [sflag:s29], $0x1400  }
0x15: {  	[sflag:s29] =	ssyncset.done $0x0  }
0x16: {  	s8 =	simm.s32 $0x4DD0;
	[sflag:s29] =	ssyncadd.s32 $0xFFFFEC00  }
0x17: {  	[tilespmem:s22], [sflag:$0x2] =	stream.indirect.gather [hbm4b:s5+s20], $0x40, s8, s20, $0xb8;
	[tilespmem:$0x1AD80] =	vst v63  }
0x18: {  	_ =	swait.ge [sflag:s23], $0x1400  }
0x19: {  	s1 =	sshra.s32 s1, $0x2;
	[sflag:s23] =	ssyncset.done $0x0  }
0x1a: {  	s8 =	sadd.s32 $0x5000, s1;
	[sflag:s23] =	ssyncadd.s32 $0xFFFFEC00  }
0x1b: {  	[spmem:s2] =	stream.indirect.scatter.add.f32 [tilespmem:s21], [sflag:$0x5], $0x40, s8, s20, $0xb8;
	[tilespmem:$0x1AD80] =	vst v63  }
0x1c: {  	_ =	swait.ge [sflag:s0], $0x1400  }
0x1d: {  	[sflag:s0] =	ssyncset.done $0x0  }
0x1e: {  	s8 =	sadd.s32 $0x1E0, s1;
	[sflag:s0] =	ssyncadd.s32 $0xFFFFEC00  }
0x1f: {  	[tilespmem:s25], [sflag:$0x3] =	stream.indirect.gather [hbm4b:s5+s20], $0x40, s8, s20, $0xb8;
	[tilespmem:$0x1AD80] =	vst v63  }
0x20: {  	_ =	swait.ge [sflag:s26], $0x1400  }
0x21: {  	[sflag:s26] =	ssyncset.done $0x0  }
0x22: {  	s8 =	simm.s32 $0x9C90;
	[sflag:s26] =	ssyncadd.s32 $0xFFFFEC00  }
0x23: {  	[spmem:s2] =	stream.indirect.scatter.add.f32 [tilespmem:s22], [sflag:$0x6], $0x40, s8, s20, $0xb8;
	[tilespmem:$0x1AD80] =	vst v63  }
0x24: {  	_ =	swait.ge [sflag:s7], $0x1400  }
0x25: {  	[sflag:s7] =	ssyncset.done $0x0  }
0x26: {  	s8 =	sadd.s32 $0x230, s1;
	[sflag:s7] =	ssyncadd.s32 $0xFFFFEC00  }
0x27: {  	[tilespmem:s30], [sflag:$0x4] =	stream.indirect.gather [hbm4b:s5+s20], $0x40, s8, s20, $0xb8;
	[tilespmem:$0x1AD80] =	vst v63  }
0x28: {  	_ =	swait.ge [sflag:s31], $0x1400  }
0x29: {  	[sflag:s31] =	ssyncset.done $0x0  }
0x2a: {  	s8 =	sadd.s32 $0x50A0, s1;
	[sflag:s31] =	ssyncadd.s32 $0xFFFFEC00  }
0x2b: {  	[spmem:s2] =	stream.indirect.scatter.add.f32 [tilespmem:s25], [sflag:$0x7], $0x40, s8, s20, $0xb8;
	[tilespmem:$0x1AD80] =	vst v63  }
0x2c: {  	_ =	swait.ge [sflag:s6], $0x1400  }
0x2d: {  	[sflag:s6] =	ssyncset.done $0x0  }
0x2e: {  	[sflag:s6] =	ssyncadd.s32 $0xFFFFEC00  }
0x2f: {  	_ =	swait.ge [sflag:s24], $0x1400  }
0x30: {  	[sflag:s24] =	ssyncset.done $0x0  }
0x31: {  	s1 =	sadd.s32 $0x50F0, s1;
	[sflag:s24] =	ssyncadd.s32 $0xFFFFEC00  }
0x32: {  	[spmem:s2] =	stream.indirect.scatter.add.f32 [tilespmem:s30], [sflag:$0x8], $0x40, s1, s20, $0xb8;
	[tilespmem:$0x1AD80] =	vst v63  }
0x33: {  	s1 =	rddreg [dreg:$0x4]  }
.LBB2_10:
0x34: {  	_ =	swait.ge [sflag:s29], $0x1400  }
0x35: {  	[sflag:s29] =	ssyncset.done $0x0  }
0x36: {  	[sflag:s29] =	ssyncadd.s32 $0xFFFFEC00  }
0x37: {  	_ =	swait.ge [sflag:s0], $0x1400  }
0x38: {  	[sflag:s0] =	ssyncset.done $0x0  }
0x39: {  	[sflag:s0] =	ssyncadd.s32 $0xFFFFEC00  }
0x3a: {  	s1 =	sadd.s32 s1, s15;
	s3 =	stileid.u32;
	_ =	swait.ge [sflag:s7], $0x1400  }
0x3b: {  	s8 =	sshrl.u32 s10, $0x3;
	s28 =	sadd.s32 $0x1, s28;
	[sflag:s7] =	ssyncset.done $0x0  }
0x3c: {  	s3 =	sshll.u32 s3, $0x6;
	p1 =	sne.s32 s28, s16;
	[sflag:s7] =	ssyncadd.s32 $0xFFFFEC00  }
.Ltmp1:
0x3d: {  	s3 =	sor.u32 $0x1C09, s3;
	[bflag:$0x0] =	sbarrier.arrive $0xFFFF;
	(pc) =	sbr.rel @!p1 .LBB2_11-.Ltmp1, $4  }
0x3e: {  	[hbm:s1], [sflag:s3] =	dma.local [spmem:s8], $0x1400  }
0x3f: {  	_ =	swait.ge [sflag:s17], $0x1400  }
0x40: {  	[sflag:s17] =	ssyncset.done $0x0  }
0x41: {  	[sflag:s17] =	ssyncadd.s32 $0xFFFFEC00  }
.LBB2_1:
0x42: {  	s1 =	simm.s32 $0x0;
	s3 =	rddreg [dreg:$0x5]  }
0x43: {  	[tilespmem:s1], [sflag:$0x9] =	stream.linear.gather [hbm4b:s3+s1], $0x4EC0, $0x38;
	[tilespmem:$0x1AD80] =	vst v63  }
0x44: {  	_ =	swait.ge [sflag:s17], $0x4EC0  }
0x45: {  	[sflag:s17] =	ssyncset.done $0x0  }
0x46: {  	[sflag:s17] =	ssyncadd.s32 $0xFFFFB140  }
0x47: {  	[tilespmem:s18], [sflag:$0x9] =	stream.linear.gather [hbm4b:s9+s1], $0x4EC0, $0x38;
	[tilespmem:$0x1AD80] =	vst v63  }
0x48: {  	_ =	swait.ge [sflag:s17], $0x4EC0  }
0x49: {  	[sflag:s17] =	ssyncset.done $0x0  }
0x4a: {  	s3 =	simm.s32 $0x100;
	s1 =	simm.s32 $0x0;
	[sflag:s17] =	ssyncadd.s32 $0xFFFFB140  }
.LBB2_2:
0x4b: {  	p1 =	sne.s32 s3, $0x7F00;
	[tilespmem:s1+$0xEDB0] =	vst v0;
	s8 =	smov.u32 s3;
	s3 =	sadd.s32 $0x100, s3  }
.Ltmp2:
0x4c: {  	[tilespmem:s1+$0xEDA0] =	vst v0;
	(pc) =	sbr.rel @p1 .LBB2_2-.Ltmp2, $3  }
0x4d: {  	[tilespmem:s1+$0xED80] =	vst v0  }
0x4e: {  	[tilespmem:s1+$0xED90] =	vst v0;
	_ =	sdelay $0x1  }
0x4f: {  	s1 =	sshra.s32 s8, $0x2  }
0x50: {  	[tilespmem:s1+$0xEDB0] =	vst v0  }
0x51: {  	[tilespmem:s1+$0xEDA0] =	vst v0  }
0x52: {  	[tilespmem:s1+$0xED80] =	vst v0  }
0x53: {  	[tilespmem:s1+$0xED90] =	vst v0  }
0x54: {  	[spmem:s10] =	stream.linear.scatter [tilespmem:s19], [sflag:$0x9], $0x2000, $0x38;
	[tilespmem:$0x1AD80] =	vst v63  }
0x55: {  	_ =	swait.ge [sflag:s17], $0x2000  }
0x56: {  	[sflag:s17] =	ssyncset.done $0x0  }
0x57: {  	[sflag:s17] =	ssyncadd.s32 $0xFFFFE000  }
0x58: {  	[spmem:s11] =	stream.linear.scatter [tilespmem:s19], [sflag:$0x9], $0x2000, $0x38;
	[tilespmem:$0x1AD80] =	vst v63  }
0x59: {  	_ =	swait.ge [sflag:s17], $0x2000  }
0x5a: {  	[sflag:s17] =	ssyncset.done $0x0  }
0x5b: {  	[sflag:s17] =	ssyncadd.s32 $0xFFFFE000  }
0x5c: {  	[spmem:s12] =	stream.linear.scatter [tilespmem:s19], [sflag:$0x9], $0x2000, $0x38;
	[tilespmem:$0x1AD80] =	vst v63  }
0x5d: {  	_ =	swait.ge [sflag:s17], $0x2000  }
0x5e: {  	[sflag:s17] =	ssyncset.done $0x0  }
0x5f: {  	[sflag:s17] =	ssyncadd.s32 $0xFFFFE000  }
0x60: {  	[spmem:s13] =	stream.linear.scatter [tilespmem:s19], [sflag:$0x9], $0x2000, $0x38;
	[tilespmem:$0x1AD80] =	vst v63  }
0x61: {  	_ =	swait.ge [sflag:s17], $0x2000  }
0x62: {  	[sflag:s17] =	ssyncset.done $0x0  }
0x63: {  	[sflag:s17] =	ssyncadd.s32 $0xFFFFE000  }
0x64: {  	[spmem:s14] =	stream.linear.scatter [tilespmem:s19], [sflag:$0x9], $0x2000, $0x38;
	[tilespmem:$0x1AD80] =	vst v63  }
.Ltmp3:
0x65: {  	_ =	swait.ge [sflag:s17], $0x2000;
	(pc) =	sbr.rel @p0 .LBB2_7-.Ltmp3, $4  }
0x66: {  	[sflag:s17] =	ssyncset.done $0x0  }
0x67: {  	[sflag:s17] =	ssyncadd.s32 $0xFFFFE000  }
0x68: {  	[bflag:$0x0] =	sbarrier.arrive $0xFFFF  }
0x69: {  	s1 =	simm.s32 $0x0  }
0x6a: {  	[tilespmem:s21], [sflag:$0x1] =	stream.indirect.gather [hbm4b:s4+s20], $0x40, s1, s20, $0xb8;
	[tilespmem:$0x1AD80] =	vst v63  }
0x6b: {  	_ = 	snop  }
0x6c: {  	[tilespmem:s22], [sflag:$0x2] =	stream.indirect.gather [hbm4b:s4+s20], $0x40, s20, s20, $0xb8;
	[tilespmem:$0x1AD80] =	vst v63  }
0x6d: {  	_ =	swait.ge [sflag:s23], $0x1400  }
0x6e: {  	[sflag:s23] =	ssyncset.done $0x0  }
0x6f: {  	[sflag:s23] =	ssyncadd.s32 $0xFFFFEC00  }
0x70: {  	[spmem:s2] =	stream.indirect.scatter.add.f32 [tilespmem:s21], [sflag:$0x5], $0x40, s18, s20, $0xb8;
	[tilespmem:$0x1AD80] =	vst v63  }
0x71: {  	s8 =	simm.s32 $0xA0  }
0x72: {  	[tilespmem:s25], [sflag:$0x3] =	stream.indirect.gather [hbm4b:s4+s20], $0x40, s8, s20, $0xb8;
	[tilespmem:$0x1AD80] =	vst v63  }
0x73: {  	_ =	swait.ge [sflag:s26], $0x1400  }
0x74: {  	[sflag:s26] =	ssyncset.done $0x0  }
0x75: {  	s3 =	simm.s32 $0x4F10;
	[sflag:s26] =	ssyncadd.s32 $0xFFFFEC00  }
0x76: {  	[spmem:s2] =	stream.indirect.scatter.add.f32 [tilespmem:s22], [sflag:$0x6], $0x40, s3, s20, $0xb8;
	[tilespmem:$0x1AD80] =	vst v63  }
0x77: {  	s8 =	simm.s32 $0xF0  }
0x78: {  	[tilespmem:s30], [sflag:$0x4] =	stream.indirect.gather [hbm4b:s4+s20], $0x40, s8, s20, $0xb8;
	[tilespmem:$0x1AD80] =	vst v63  }
0x79: {  	_ =	swait.ge [sflag:s31], $0x1400  }
0x7a: {  	[sflag:s31] =	ssyncset.done $0x0  }
0x7b: {  	s3 =	simm.s32 $0x4F60;
	[sflag:s31] =	ssyncadd.s32 $0xFFFFEC00  }
0x7c: {  	[spmem:s2] =	stream.indirect.scatter.add.f32 [tilespmem:s25], [sflag:$0x7], $0x40, s3, s20, $0xb8;
	[tilespmem:$0x1AD80] =	vst v63  }
0x7d: {  	_ =	swait.ge [sflag:s6], $0x1400  }
0x7e: {  	[sflag:s6] =	ssyncset.done $0x0  }
0x7f: {  	s8 =	simm.s32 $0x140;
	[sflag:s6] =	ssyncadd.s32 $0xFFFFEC00  }
0x80: {  	[tilespmem:s21], [sflag:$0x1] =	stream.indirect.gather [hbm4b:s4+s20], $0x40, s8, s20, $0xb8;
	[tilespmem:$0x1AD80] =	vst v63  }
0x81: {  	_ =	swait.ge [sflag:s24], $0x1400  }
0x82: {  	[sflag:s24] =	ssyncset.done $0x0  }
0x83: {  	s3 =	simm.s32 $0x4FB0;
	[sflag:s24] =	ssyncadd.s32 $0xFFFFEC00  }
0x84: {  	[spmem:s2] =	stream.indirect.scatter.add.f32 [tilespmem:s30], [sflag:$0x8], $0x40, s3, s20, $0xb8;
	[tilespmem:$0x1AD80] =	vst v63  }
0x85: {  	_ =	swait.ge [sflag:s29], $0x1400  }
0x86: {  	[sflag:s29] =	ssyncset.done $0x0  }
0x87: {  	s8 =	simm.s32 $0x190;
	[sflag:s29] =	ssyncadd.s32 $0xFFFFEC00  }
0x88: {  	[tilespmem:s22], [sflag:$0x2] =	stream.indirect.gather [hbm4b:s4+s20], $0x40, s8, s20, $0xb8;
	[tilespmem:$0x1AD80] =	vst v63  }
0x89: {  	_ =	swait.ge [sflag:s23], $0x1400  }
0x8a: {  	[sflag:s23] =	ssyncset.done $0x0  }
0x8b: {  	s3 =	simm.s32 $0x5000;
	[sflag:s23] =	ssyncadd.s32 $0xFFFFEC00  }
0x8c: {  	[spmem:s2] =	stream.indirect.scatter.add.f32 [tilespmem:s21], [sflag:$0x5], $0x40, s3, s20, $0xb8;
	[tilespmem:$0x1AD80] =	vst v63  }
0x8d: {  	_ =	swait.ge [sflag:s0], $0x1400  }
0x8e: {  	[sflag:s0] =	ssyncset.done $0x0  }
0x8f: {  	s8 =	simm.s32 $0x1E0;
	[sflag:s0] =	ssyncadd.s32 $0xFFFFEC00  }
0x90: {  	[tilespmem:s25], [sflag:$0x3] =	stream.indirect.gather [hbm4b:s4+s20], $0x40, s8, s20, $0xb8;
	[tilespmem:$0x1AD80] =	vst v63  }
0x91: {  	_ =	swait.ge [sflag:s26], $0x1400  }
0x92: {  	[sflag:s26] =	ssyncset.done $0x0  }
0x93: {  	s3 =	simm.s32 $0x5050;
	[sflag:s26] =	ssyncadd.s32 $0xFFFFEC00  }
0x94: {  	[spmem:s2] =	stream.indirect.scatter.add.f32 [tilespmem:s22], [sflag:$0x6], $0x40, s3, s20, $0xb8;
	[tilespmem:$0x1AD80] =	vst v63  }
0x95: {  	_ =	swait.ge [sflag:s7], $0x1400  }
0x96: {  	[sflag:s7] =	ssyncset.done $0x0  }
0x97: {  	s8 =	simm.s32 $0x230;
	[sflag:s7] =	ssyncadd.s32 $0xFFFFEC00  }
0x98: {  	[tilespmem:s30], [sflag:$0x4] =	stream.indirect.gather [hbm4b:s4+s20], $0x40, s8, s20, $0xb8;
	[tilespmem:$0x1AD80] =	vst v63  }
0x99: {  	_ =	swait.ge [sflag:s31], $0x1400  }
0x9a: {  	[sflag:s31] =	ssyncset.done $0x0  }
0x9b: {  	s3 =	simm.s32 $0x50A0;
	[sflag:s31] =	ssyncadd.s32 $0xFFFFEC00  }
0x9c: {  	[spmem:s2] =	stream.indirect.scatter.add.f32 [tilespmem:s25], [sflag:$0x7], $0x40, s3, s20, $0xb8;
	[tilespmem:$0x1AD80] =	vst v63  }
0x9d: {  	_ =	swait.ge [sflag:s6], $0x1400  }
0x9e: {  	[sflag:s6] =	ssyncset.done $0x0  }
0x9f: {  	s8 =	simm.s32 $0x280;
	[sflag:s6] =	ssyncadd.s32 $0xFFFFEC00  }
0xa0: {  	[tilespmem:s21], [sflag:$0x1] =	stream.indirect.gather [hbm4b:s4+s20], $0x40, s8, s20, $0xb8;
	[tilespmem:$0x1AD80] =	vst v63  }
0xa1: {  	_ =	swait.ge [sflag:s24], $0x1400  }
0xa2: {  	[sflag:s24] =	ssyncset.done $0x0  }
0xa3: {  	s1 =	simm.s32 $0x500;
	s3 =	simm.s32 $0x50F0;
	[sflag:s24] =	ssyncadd.s32 $0xFFFFEC00  }
.LBB2_5:
0xa4: {  	[spmem:s2] =	stream.indirect.scatter.add.f32 [tilespmem:s30], [sflag:$0x8], $0x40, s3, s20, $0xb8;
	[tilespmem:$0x1AD80] =	vst v63  }
0xa5: {  	s3 =	smov.u32 s1;
	s1 =	sadd.s32 $0x500, s1;
	_ =	swait.ge [sflag:s29], $0x1400  }
0xa6: {  	s3 =	sshra.s32 s3, $0x2;
	p1 =	seq.s32 s1, $0x13100;
	[sflag:s29] =	ssyncset.done $0x0  }
0xa7: {  	s8 =	sadd.s32 $0x190, s3;
	[sflag:s29] =	ssyncadd.s32 $0xFFFFEC00  }
0xa8: {  	[tilespmem:s22], [sflag:$0x2] =	stream.indirect.gather [hbm4b:s4+s20], $0x40, s8, s20, $0xb8;
	[tilespmem:$0x1AD80] =	vst v63  }
0xa9: {  	_ =	swait.ge [sflag:s23], $0x1400  }
0xaa: {  	[sflag:s23] =	ssyncset.done $0x0  }
0xab: {  	s8 =	sadd.s32 $0x5000, s3;
	[sflag:s23] =	ssyncadd.s32 $0xFFFFEC00  }
0xac: {  	[spmem:s2] =	stream.indirect.scatter.add.f32 [tilespmem:s21], [sflag:$0x5], $0x40, s8, s20, $0xb8;
	[tilespmem:$0x1AD80] =	vst v63  }
0xad: {  	_ =	swait.ge [sflag:s0], $0x1400  }
0xae: {  	[sflag:s0] =	ssyncset.done $0x0  }
0xaf: {  	s8 =	sadd.s32 $0x1E0, s3;
	[sflag:s0] =	ssyncadd.s32 $0xFFFFEC00  }
0xb0: {  	[tilespmem:s25], [sflag:$0x3] =	stream.indirect.gather [hbm4b:s4+s20], $0x40, s8, s20, $0xb8;
	[tilespmem:$0x1AD80] =	vst v63  }
0xb1: {  	_ =	swait.ge [sflag:s26], $0x1400  }
0xb2: {  	[sflag:s26] =	ssyncset.done $0x0  }
0xb3: {  	s8 =	sadd.s32 $0x5050, s3;
	[sflag:s26] =	ssyncadd.s32 $0xFFFFEC00  }
0xb4: {  	[spmem:s2] =	stream.indirect.scatter.add.f32 [tilespmem:s22], [sflag:$0x6], $0x40, s8, s20, $0xb8;
	[tilespmem:$0x1AD80] =	vst v63  }
0xb5: {  	_ =	swait.ge [sflag:s7], $0x1400  }
0xb6: {  	[sflag:s7] =	ssyncset.done $0x0  }
0xb7: {  	s8 =	sadd.s32 $0x230, s3;
	[sflag:s7] =	ssyncadd.s32 $0xFFFFEC00  }
0xb8: {  	[tilespmem:s30], [sflag:$0x4] =	stream.indirect.gather [hbm4b:s4+s20], $0x40, s8, s20, $0xb8;
	[tilespmem:$0x1AD80] =	vst v63  }
0xb9: {  	_ =	swait.ge [sflag:s31], $0x1400  }
0xba: {  	[sflag:s31] =	ssyncset.done $0x0  }
0xbb: {  	s8 =	sadd.s32 $0x50A0, s3;
	[sflag:s31] =	ssyncadd.s32 $0xFFFFEC00  }
0xbc: {  	[spmem:s2] =	stream.indirect.scatter.add.f32 [tilespmem:s25], [sflag:$0x7], $0x40, s8, s20, $0xb8;
	[tilespmem:$0x1AD80] =	vst v63  }
0xbd: {  	_ =	swait.ge [sflag:s6], $0x1400  }
0xbe: {  	[sflag:s6] =	ssyncset.done $0x0  }
.Ltmp4:
0xbf: {  	s8 =	sadd.s32 $0x280, s3;
	[sflag:s6] =	ssyncadd.s32 $0xFFFFEC00;
	(pc) =	sbr.rel @!p1 .LBB2_5-.Ltmp4, $4  }
0xc0: {  	[tilespmem:s21], [sflag:$0x1] =	stream.indirect.gather [hbm4b:s4+s20], $0x40, s8, s20, $0xb8;
	[tilespmem:$0x1AD80] =	vst v63  }
0xc1: {  	_ =	swait.ge [sflag:s24], $0x1400  }
0xc2: {  	[sflag:s24] =	ssyncset.done $0x0  }
0xc3: {  	s3 =	sadd.s32 $0x50F0, s3;
	[sflag:s24] =	ssyncadd.s32 $0xFFFFEC00  }
0xc4: {  	[spmem:s2] =	stream.indirect.scatter.add.f32 [tilespmem:s30], [sflag:$0x8], $0x40, s3, s20, $0xb8;
	[tilespmem:$0x1AD80] =	vst v63  }
0xc5: {  	_ =	swait.ge [sflag:s29], $0x1400  }
0xc6: {  	[sflag:s29] =	ssyncset.done $0x0  }
0xc7: {  	s8 =	simm.s32 $0x4DD0;
	[sflag:s29] =	ssyncadd.s32 $0xFFFFEC00  }
0xc8: {  	[tilespmem:s22], [sflag:$0x2] =	stream.indirect.gather [hbm4b:s4+s20], $0x40, s8, s20, $0xb8;
	[tilespmem:$0x1AD80] =	vst v63  }
0xc9: {  	_ =	swait.ge [sflag:s23], $0x1400  }
0xca: {  	s1 =	sshra.s32 s1, $0x2;
	[sflag:s23] =	ssyncset.done $0x0  }
0xcb: {  	s8 =	sadd.s32 $0x5000, s1;
	[sflag:s23] =	ssyncadd.s32 $0xFFFFEC00  }
0xcc: {  	[spmem:s2] =	stream.indirect.scatter.add.f32 [tilespmem:s21], [sflag:$0x5], $0x40, s8, s20, $0xb8;
	[tilespmem:$0x1AD80] =	vst v63  }
0xcd: {  	_ =	swait.ge [sflag:s0], $0x1400  }
0xce: {  	[sflag:s0] =	ssyncset.done $0x0  }
0xcf: {  	s8 =	sadd.s32 $0x1E0, s1;
	[sflag:s0] =	ssyncadd.s32 $0xFFFFEC00  }
0xd0: {  	[tilespmem:s25], [sflag:$0x3] =	stream.indirect.gather [hbm4b:s4+s20], $0x40, s8, s20, $0xb8;
	[tilespmem:$0x1AD80] =	vst v63  }
0xd1: {  	_ =	swait.ge [sflag:s26], $0x1400  }
0xd2: {  	[sflag:s26] =	ssyncset.done $0x0  }
0xd3: {  	s8 =	simm.s32 $0x9C90;
	[sflag:s26] =	ssyncadd.s32 $0xFFFFEC00  }
0xd4: {  	[spmem:s2] =	stream.indirect.scatter.add.f32 [tilespmem:s22], [sflag:$0x6], $0x40, s8, s20, $0xb8;
	[tilespmem:$0x1AD80] =	vst v63  }
0xd5: {  	_ =	swait.ge [sflag:s7], $0x1400  }
0xd6: {  	[sflag:s7] =	ssyncset.done $0x0  }
0xd7: {  	s8 =	sadd.s32 $0x230, s1;
	[sflag:s7] =	ssyncadd.s32 $0xFFFFEC00  }
0xd8: {  	[tilespmem:s30], [sflag:$0x4] =	stream.indirect.gather [hbm4b:s4+s20], $0x40, s8, s20, $0xb8;
	[tilespmem:$0x1AD80] =	vst v63  }
0xd9: {  	_ =	swait.ge [sflag:s31], $0x1400  }
0xda: {  	[sflag:s31] =	ssyncset.done $0x0  }
0xdb: {  	s8 =	sadd.s32 $0x50A0, s1;
	[sflag:s31] =	ssyncadd.s32 $0xFFFFEC00  }
0xdc: {  	[spmem:s2] =	stream.indirect.scatter.add.f32 [tilespmem:s25], [sflag:$0x7], $0x40, s8, s20, $0xb8;
	[tilespmem:$0x1AD80] =	vst v63  }
0xdd: {  	_ =	swait.ge [sflag:s6], $0x1400  }
0xde: {  	[sflag:s6] =	ssyncset.done $0x0  }
0xdf: {  	[sflag:s6] =	ssyncadd.s32 $0xFFFFEC00  }
.Ltmp5:
0xe0: {  	_ =	swait.ge [sflag:s24], $0x1400;
	(pc) =	sbr.rel .LBB2_10-.Ltmp5, $4  }
0xe1: {  	[sflag:s24] =	ssyncset.done $0x0  }
0xe2: {  	s1 =	sadd.s32 $0x50F0, s1;
	[sflag:s24] =	ssyncadd.s32 $0xFFFFEC00  }
0xe3: {  	[spmem:s2] =	stream.indirect.scatter.add.f32 [tilespmem:s30], [sflag:$0x8], $0x40, s1, s20, $0xb8;
	[tilespmem:$0x1AD80] =	vst v63  }
0xe4: {  	s1 =	rddreg [dreg:$0x3]  }
.LBB2_7:
0xe5: {  	[tilespmem:s21], [sflag:$0x1] =	stream.indirect.gather [hbm4b:s5+s20], $0x40, s1, s20, $0xb8;
	[tilespmem:$0x1AD80] =	vst v63  }
0xe6: {  	_ = 	snop  }
0xe7: {  	[tilespmem:s22], [sflag:$0x2] =	stream.indirect.gather [hbm4b:s5+s20], $0x40, s20, s20, $0xb8;
	[tilespmem:$0x1AD80] =	vst v63  }
0xe8: {  	_ =	swait.ge [sflag:s23], $0x1400  }
0xe9: {  	[sflag:s23] =	ssyncset.done $0x0  }
0xea: {  	[sflag:s23] =	ssyncadd.s32 $0xFFFFEC00  }
0xeb: {  	[spmem:s2] =	stream.indirect.scatter.add.f32 [tilespmem:s21], [sflag:$0x5], $0x40, s18, s20, $0xb8;
	[tilespmem:$0x1AD80] =	vst v63  }
0xec: {  	s8 =	simm.s32 $0xA0  }
0xed: {  	[tilespmem:s25], [sflag:$0x3] =	stream.indirect.gather [hbm4b:s5+s20], $0x40, s8, s20, $0xb8;
	[tilespmem:$0x1AD80] =	vst v63  }
0xee: {  	_ =	swait.ge [sflag:s26], $0x1400  }
0xef: {  	[sflag:s26] =	ssyncset.done $0x0  }
0xf0: {  	s3 =	simm.s32 $0x4F10;
	[sflag:s26] =	ssyncadd.s32 $0xFFFFEC00  }
0xf1: {  	[spmem:s2] =	stream.indirect.scatter.add.f32 [tilespmem:s22], [sflag:$0x6], $0x40, s3, s20, $0xb8;
	[tilespmem:$0x1AD80] =	vst v63  }
0xf2: {  	s8 =	simm.s32 $0xF0  }
0xf3: {  	[tilespmem:s30], [sflag:$0x4] =	stream.indirect.gather [hbm4b:s5+s20], $0x40, s8, s20, $0xb8;
	[tilespmem:$0x1AD80] =	vst v63  }
0xf4: {  	_ =	swait.ge [sflag:s31], $0x1400  }
0xf5: {  	[sflag:s31] =	ssyncset.done $0x0  }
0xf6: {  	s3 =	simm.s32 $0x4F60;
	[sflag:s31] =	ssyncadd.s32 $0xFFFFEC00  }
0xf7: {  	[spmem:s2] =	stream.indirect.scatter.add.f32 [tilespmem:s25], [sflag:$0x7], $0x40, s3, s20, $0xb8;
	[tilespmem:$0x1AD80] =	vst v63  }
0xf8: {  	_ =	swait.ge [sflag:s6], $0x1400  }
0xf9: {  	[sflag:s6] =	ssyncset.done $0x0  }
0xfa: {  	s8 =	simm.s32 $0x140;
	[sflag:s6] =	ssyncadd.s32 $0xFFFFEC00  }
0xfb: {  	[tilespmem:s21], [sflag:$0x1] =	stream.indirect.gather [hbm4b:s5+s20], $0x40, s8, s20, $0xb8;
	[tilespmem:$0x1AD80] =	vst v63  }
0xfc: {  	_ =	swait.ge [sflag:s24], $0x1400  }
0xfd: {  	[sflag:s24] =	ssyncset.done $0x0  }
0xfe: {  	s3 =	simm.s32 $0x4FB0;
	[sflag:s24] =	ssyncadd.s32 $0xFFFFEC00  }
0xff: {  	[spmem:s2] =	stream.indirect.scatter.add.f32 [tilespmem:s30], [sflag:$0x8], $0x40, s3, s20, $0xb8;
	[tilespmem:$0x1AD80] =	vst v63  }
0x100: {  	_ =	swait.ge [sflag:s29], $0x1400  }
0x101: {  	[sflag:s29] =	ssyncset.done $0x0  }
0x102: {  	s8 =	simm.s32 $0x190;
	[sflag:s29] =	ssyncadd.s32 $0xFFFFEC00  }
0x103: {  	[tilespmem:s22], [sflag:$0x2] =	stream.indirect.gather [hbm4b:s5+s20], $0x40, s8, s20, $0xb8;
	[tilespmem:$0x1AD80] =	vst v63  }
0x104: {  	_ =	swait.ge [sflag:s23], $0x1400  }
0x105: {  	[sflag:s23] =	ssyncset.done $0x0  }
0x106: {  	s3 =	simm.s32 $0x5000;
	[sflag:s23] =	ssyncadd.s32 $0xFFFFEC00  }
0x107: {  	[spmem:s2] =	stream.indirect.scatter.add.f32 [tilespmem:s21], [sflag:$0x5], $0x40, s3, s20, $0xb8;
	[tilespmem:$0x1AD80] =	vst v63  }
0x108: {  	_ =	swait.ge [sflag:s0], $0x1400  }
0x109: {  	[sflag:s0] =	ssyncset.done $0x0  }
0x10a: {  	s8 =	simm.s32 $0x1E0;
	[sflag:s0] =	ssyncadd.s32 $0xFFFFEC00  }
0x10b: {  	[tilespmem:s25], [sflag:$0x3] =	stream.indirect.gather [hbm4b:s5+s20], $0x40, s8, s20, $0xb8;
	[tilespmem:$0x1AD80] =	vst v63  }
0x10c: {  	_ =	swait.ge [sflag:s26], $0x1400  }
0x10d: {  	[sflag:s26] =	ssyncset.done $0x0  }
0x10e: {  	s3 =	simm.s32 $0x5050;
	[sflag:s26] =	ssyncadd.s32 $0xFFFFEC00  }
0x10f: {  	[spmem:s2] =	stream.indirect.scatter.add.f32 [tilespmem:s22], [sflag:$0x6], $0x40, s3, s20, $0xb8;
	[tilespmem:$0x1AD80] =	vst v63  }
0x110: {  	_ =	swait.ge [sflag:s7], $0x1400  }
0x111: {  	[sflag:s7] =	ssyncset.done $0x0  }
0x112: {  	s8 =	simm.s32 $0x230;
	[sflag:s7] =	ssyncadd.s32 $0xFFFFEC00  }
0x113: {  	[tilespmem:s30], [sflag:$0x4] =	stream.indirect.gather [hbm4b:s5+s20], $0x40, s8, s20, $0xb8;
	[tilespmem:$0x1AD80] =	vst v63  }
0x114: {  	_ =	swait.ge [sflag:s31], $0x1400  }
0x115: {  	[sflag:s31] =	ssyncset.done $0x0  }
0x116: {  	s3 =	simm.s32 $0x50A0;
	[sflag:s31] =	ssyncadd.s32 $0xFFFFEC00  }
0x117: {  	[spmem:s2] =	stream.indirect.scatter.add.f32 [tilespmem:s25], [sflag:$0x7], $0x40, s3, s20, $0xb8;
	[tilespmem:$0x1AD80] =	vst v63  }
0x118: {  	_ =	swait.ge [sflag:s6], $0x1400  }
0x119: {  	[sflag:s6] =	ssyncset.done $0x0  }
0x11a: {  	s8 =	simm.s32 $0x280;
	[sflag:s6] =	ssyncadd.s32 $0xFFFFEC00  }
0x11b: {  	[tilespmem:s21], [sflag:$0x1] =	stream.indirect.gather [hbm4b:s5+s20], $0x40, s8, s20, $0xb8;
	[tilespmem:$0x1AD80] =	vst v63  }
0x11c: {  	_ =	swait.ge [sflag:s24], $0x1400  }
0x11d: {  	[sflag:s24] =	ssyncset.done $0x0  }
0x11e: {  	s1 =	simm.s32 $0x500;
	s3 =	simm.s32 $0x50F0;
	[sflag:s24] =	ssyncadd.s32 $0xFFFFEC00  }
.LBB2_8:
0x11f: {  	[spmem:s2] =	stream.indirect.scatter.add.f32 [tilespmem:s30], [sflag:$0x8], $0x40, s3, s20, $0xb8;
	[tilespmem:$0x1AD80] =	vst v63  }
0x120: {  	s3 =	smov.u32 s1;
	s1 =	sadd.s32 $0x500, s1;
	_ =	swait.ge [sflag:s29], $0x1400  }
0x121: {  	s3 =	sshra.s32 s3, $0x2;
	p1 =	seq.s32 s1, $0x13100;
	[sflag:s29] =	ssyncset.done $0x0  }
0x122: {  	s8 =	sadd.s32 $0x190, s3;
	[sflag:s29] =	ssyncadd.s32 $0xFFFFEC00  }
0x123: {  	[tilespmem:s22], [sflag:$0x2] =	stream.indirect.gather [hbm4b:s5+s20], $0x40, s8, s20, $0xb8;
	[tilespmem:$0x1AD80] =	vst v63  }
0x124: {  	_ =	swait.ge [sflag:s23], $0x1400  }
0x125: {  	[sflag:s23] =	ssyncset.done $0x0  }
0x126: {  	s8 =	sadd.s32 $0x5000, s3;
	[sflag:s23] =	ssyncadd.s32 $0xFFFFEC00  }
0x127: {  	[spmem:s2] =	stream.indirect.scatter.add.f32 [tilespmem:s21], [sflag:$0x5], $0x40, s8, s20, $0xb8;
	[tilespmem:$0x1AD80] =	vst v63  }
0x128: {  	_ =	swait.ge [sflag:s0], $0x1400  }
0x129: {  	[sflag:s0] =	ssyncset.done $0x0  }
0x12a: {  	s8 =	sadd.s32 $0x1E0, s3;
	[sflag:s0] =	ssyncadd.s32 $0xFFFFEC00  }
0x12b: {  	[tilespmem:s25], [sflag:$0x3] =	stream.indirect.gather [hbm4b:s5+s20], $0x40, s8, s20, $0xb8;
	[tilespmem:$0x1AD80] =	vst v63  }
0x12c: {  	_ =	swait.ge [sflag:s26], $0x1400  }
0x12d: {  	[sflag:s26] =	ssyncset.done $0x0  }
0x12e: {  	s8 =	sadd.s32 $0x5050, s3;
	[sflag:s26] =	ssyncadd.s32 $0xFFFFEC00  }
0x12f: {  	[spmem:s2] =	stream.indirect.scatter.add.f32 [tilespmem:s22], [sflag:$0x6], $0x40, s8, s20, $0xb8;
	[tilespmem:$0x1AD80] =	vst v63  }
0x130: {  	_ =	swait.ge [sflag:s7], $0x1400  }
0x131: {  	[sflag:s7] =	ssyncset.done $0x0  }
0x132: {  	s8 =	sadd.s32 $0x230, s3;
	[sflag:s7] =	ssyncadd.s32 $0xFFFFEC00  }
0x133: {  	[tilespmem:s30], [sflag:$0x4] =	stream.indirect.gather [hbm4b:s5+s20], $0x40, s8, s20, $0xb8;
	[tilespmem:$0x1AD80] =	vst v63  }
0x134: {  	_ =	swait.ge [sflag:s31], $0x1400  }
0x135: {  	[sflag:s31] =	ssyncset.done $0x0  }
0x136: {  	s8 =	sadd.s32 $0x50A0, s3;
	[sflag:s31] =	ssyncadd.s32 $0xFFFFEC00  }
0x137: {  	[spmem:s2] =	stream.indirect.scatter.add.f32 [tilespmem:s25], [sflag:$0x7], $0x40, s8, s20, $0xb8;
	[tilespmem:$0x1AD80] =	vst v63  }
0x138: {  	_ =	swait.ge [sflag:s6], $0x1400  }
0x139: {  	[sflag:s6] =	ssyncset.done $0x0  }
.Ltmp6:
0x13a: {  	s8 =	sadd.s32 $0x280, s3;
	[sflag:s6] =	ssyncadd.s32 $0xFFFFEC00;
	(pc) =	sbr.rel @!p1 .LBB2_8-.Ltmp6, $4  }
0x13b: {  	[tilespmem:s21], [sflag:$0x1] =	stream.indirect.gather [hbm4b:s5+s20], $0x40, s8, s20, $0xb8;
	[tilespmem:$0x1AD80] =	vst v63  }
0x13c: {  	_ =	swait.ge [sflag:s24], $0x1400  }
0x13d: {  	[sflag:s24] =	ssyncset.done $0x0  }
0x13e: {  	s3 =	sadd.s32 $0x50F0, s3;
	[sflag:s24] =	ssyncadd.s32 $0xFFFFEC00  }
.Ltmp7:
0x13f: {  	_ = 	snop;
	(pc) =	sbr.rel .LBB2_9-.Ltmp7, $1  }
0x140: {  	_ =	sdelay $0x3  }
.LBB2_11:
0x141: {  	_ =	sfence.sel $0x180000  }
0x142: {  	[bflag:$0x0] =	sbarrier.arrive $0xFFFF  }
0x143: {  	_ =	strace $0x9000004A  }
0x144: {  	s0 =	stileid.u32;
	[bflag:$0x2] =	sbarrier.arrive $0xFFFF  }
0x145: {  	p0 =	sne.s32 s0, $0x0;
	s0 =	rddreg [dreg:$0x2]  }
0x146: {  	s0 =	sadd.s32 @!p0 $0x100000, s0  }
0x147: {  	[sflag:s0] =	ssyncadd.tile.s32 @!p0 $0x1;
	_ =	shalt  }
.Lfunc_end2:
_tile_overlayer_lowered:
.L_overlay_start_2:
0x148: {  	(tag) =	ssettag $0x2  }
0x149: {  	s0 =	rddreg [dreg:$0x0];
	s2 =	stileid.u32  }
0x14a: {  	s1 =	rddreg [dreg:$0x1];
	p0 =	sne.s32 s2, $0x0  }
0x14b: {  	s3 =	rddreg [dreg:$0x2];
	[bflag:$0x3] =	sbarrier.arrive $0xFFFF;
	s2 =	simm.s32 @!p0 $0x1C09  }
0x14c: {  	[timem:s3], [sflag:s2] =	dma.local @!p0 [hbm:s0], s1  }
0x14d: {  	s0 =	simm.s32 @!p0 $0x9  }
0x14e: {  	_ =	swait.ge @!p0 [sflag:s0], s1  }
0x14f: {  	s1 =	ssub.s32 @!p0 $0x0, s1;
	[sflag:s0] =	ssyncset.done @!p0 $0x0  }
0x150: {  	[sflag:s0] =	ssyncadd.s32 @!p0 s1  }
0x151: {  	[bflag:$0x3] =	sbarrier.arrive $0xFFFF  }
0x152: {  	_ =	shalt  }

// kernel: _impl.14.cloned.1.call-start
scs
__scs_entry_jumppad:
0x0: {  	(pc) =	sbr.rel $0x88, $3  }
0x1: {  	(tag) =	ssettag $0x0;
	lr =	simm.s32 $0x1  }
0x2: {  	[smem:$0x3F98] =	sst lr;
	_ =	strace $0xD0000000  }
0x3: {  	_ = 	snop  }
0x4: {  	_ = 	snop  }
0x5: {  	_ = 	snop  }
0x6: {  	_ = 	snop  }
0x7: {  	_ = 	snop  }
__scs_overlays_trampoline_lowered:
0x8: {  	[smem:$0x3FA7] =	sst s0  }
0x9: {  	[smem:$0x3FA8] =	sst s1  }
0xa: {  	[smem:$0x3FA9] =	sst s2  }
0xb: {  	[smem:$0x3FAA] =	sst s3  }
0xc: {  	[smem:$0x3FAB] =	sst s4  }
0xd: {  	[smem:$0x3FAC] =	sst s5  }
0xe: {  	[smem:$0x3FAD] =	sst s6  }
0xf: {  	[smem:$0x3FAE] =	sst s7  }
0x10: {  	[smem:$0x3FAF] =	sst s8  }
0x11: {  	[smem:$0x3FB0] =	sst s9;
	s0 =	simm.s32 @!p0 $0x0  }
0x12: {  	s1 =	sld [smem:$0x3F96];
	s0 =	simm.s32 @p0 $0x1  }
0x13: {  	[smem:$0x3FB1] =	sst s0;
	s0 =	simm.s32 @!p1 $0x0  }
0x14: {  	s2 =	sld [smem:$0x3F95];
	s0 =	simm.s32 @p1 $0x1  }
0x15: {  	[smem:$0x3FB2] =	sst s0;
	s0 =	simm.s32 @!p2 $0x0  }
0x16: {  	s3 =	sld [smem:$0x3FDB];
	s0 =	simm.s32 @p2 $0x1  }
0x17: {  	s4 =	simm.s32 $0x1BF5;
	[smem:$0x3FB4] =	sst s0  }
0x18: {  	s0 =	sld [smem:$0x3F97];
	_ =	swait.ge [sflag:s4], $0x0  }
0x19: {  	s7 =	sld [smem:$0x3F98]  }
0x1a: {  	s8 =	sadd.s32 $0xFFFFE003, lr  }
0x1b: {  	s9 =	sadd.s32 $0xFFFFFEF7, lr;
	s5 =	simm.s32 $0xFFFFFFFF;
	p2 =	slt.u32 s8, $0xFFFFF086  }
0x1c: {  	p1 =	slt.u32 s9, $0xF7A;
	s5 =	simm.s32 @!p2 $0x0  }
0x1d: {  	s5 =	simm.s32 @p1 $0x1;
	p0 =	seq.s32 s7, s2  }
0x1e: {  	s7 =	smul.u32 @!p0 $0xF7A, s2;
	p2 =	seq.s32 @!p0 s5, $0x0  }
0x1f: {  	s9 =	smul.u32 $0xF7A, s1;
	s8 =	simm.s32 @!p0 $0x1BF5;
	p2 =	por !p2, p0  }
0x20: {  	[sflag:s8] =	ssyncset.s32 @!p0 $0xFFFFF086;
	s6 =	sadd.s32 @!p0 s3, s7;
	s7 =	simm.s32 @!p0 $0x108  }
0x21: {  	s3 =	sadd.s32 s3, s9;
	s6 =	sadd.s32 @!p0 $0x88, s6;
	s7 =	simm.s32 @p2 $0x1082  }
0x22: {  	[simem:s7], [sflag:s8] =	dma.local @!p0 [hbm:s6], $0xF7A  }
0x23: {  	s9 =	sor.u32 $0xD0000000, s2;
	s6 =	simm.s32 $0x108;
	_ =	swait.ge @!p0 [sflag:s8], $0x0  }
0x24: {  	s3 =	sadd.s32 $0x88, s3;
	s6 =	simm.s32 @!p1 $0x1082;
	[sflag:s4] =	ssyncset.s32 $0xFFFFF086  }
0x25: {  	[simem:s6], [sflag:s4] =	dma.local [hbm:s3], $0xF7A  }
0x26: {  	[smem:$0x3F98] =	sst s1;
	(tag) =	ssettag s2;
	_ =	strace s9  }
0x27: {  	s1 =	sld [smem:$0x3FA8]  }
0x28: {  	s2 =	sld [smem:$0x3FA9]  }
0x29: {  	s4 =	sld [smem:$0x3FAB]  }
0x2a: {  	p0 =	seq.s32 s5, $0x0;
	s5 =	sld [smem:$0x3FAC]  }
0x2b: {  	s6 =	sld [smem:$0x3FAD]  }
0x2c: {  	s7 =	sld [smem:$0x3FAE]  }
0x2d: {  	s3 =	simm.s32 $0x108;
	s8 =	sld [smem:$0x3FAF]  }
0x2e: {  	s3 =	simm.s32 @!p0 $0x1082;
	s9 =	sld [smem:$0x3FB0]  }
0x2f: {  	lr =	sadd.s32 s0, s3;
	s0 =	sld [smem:$0x3FA7]  }
0x30: {  	s3 =	sld [smem:$0x3FAA]  }
0x31: {  	[smem:$0x3FB3] =	sst s10  }
0x32: {  	s10 =	sld [smem:$0x3FB1];
	_ =	sdelay $0x3  }
0x33: {  	p0 =	seq.s32 s10, $0x1;
	s10 =	sld [smem:$0x3FB3];
	_ =	sdelay $0x3  }
0x34: {  	[smem:$0x3FB3] =	sst s10  }
0x35: {  	s10 =	sld [smem:$0x3FB2];
	_ =	sdelay $0x3  }
0x36: {  	p1 =	seq.s32 s10, $0x1;
	s10 =	sld [smem:$0x3FB3];
	_ =	sdelay $0x3  }
0x37: {  	[smem:$0x3FB3] =	sst s10  }
0x38: {  	s10 =	sld [smem:$0x3FB4]  }
0x39: {  	_ = 	snop;
	(pc) =	sbr.ind lr, $3  }
0x3a: {  	_ = 	snop  }
0x3b: {  	_ = 	snop  }
0x3c: {  	p2 =	seq.s32 s10, $0x1;
	s10 =	sld [smem:$0x3FB3]  }
0x3d: {  	_ =	shalt  }
0x3e: {  	_ =	shalt  }
0x3f: {  	_ =	shalt  }
0x40: {  	_ =	shalt  }
0x41: {  	_ =	shalt  }
0x42: {  	_ =	shalt  }
0x43: {  	_ =	shalt  }
0x44: {  	_ =	shalt  }
0x45: {  	_ =	shalt  }
0x46: {  	_ =	shalt  }
0x47: {  	_ =	shalt  }
0x48: {  	_ =	shalt  }
0x49: {  	_ =	shalt  }
0x4a: {  	_ =	shalt  }
0x4b: {  	_ =	shalt  }
0x4c: {  	_ =	shalt  }
0x4d: {  	_ =	shalt  }
0x4e: {  	_ =	shalt  }
0x4f: {  	_ =	shalt  }
0x50: {  	_ =	shalt  }
0x51: {  	_ =	shalt  }
0x52: {  	_ =	shalt  }
0x53: {  	_ =	shalt  }
0x54: {  	_ =	shalt  }
0x55: {  	_ =	shalt  }
0x56: {  	_ =	shalt  }
0x57: {  	_ =	shalt  }
0x58: {  	_ =	shalt  }
0x59: {  	_ =	shalt  }
0x5a: {  	_ =	shalt  }
0x5b: {  	_ =	shalt  }
0x5c: {  	_ =	shalt  }
0x5d: {  	_ =	shalt  }
0x5e: {  	_ =	shalt  }
0x5f: {  	_ =	shalt  }
0x60: {  	_ =	shalt  }
0x61: {  	_ =	shalt  }
0x62: {  	_ =	shalt  }
0x63: {  	_ =	shalt  }
0x64: {  	_ =	shalt  }
0x65: {  	_ =	shalt  }
0x66: {  	_ =	shalt  }
0x67: {  	_ =	shalt  }
0x68: {  	_ =	shalt  }
0x69: {  	_ =	shalt  }
0x6a: {  	_ =	shalt  }
0x6b: {  	_ =	shalt  }
0x6c: {  	_ =	shalt  }
0x6d: {  	_ =	shalt  }
0x6e: {  	_ =	shalt  }
0x6f: {  	_ =	shalt  }
0x70: {  	_ =	shalt  }
0x71: {  	_ =	shalt  }
0x72: {  	_ =	shalt  }
0x73: {  	_ =	shalt  }
0x74: {  	_ =	shalt  }
0x75: {  	_ =	shalt  }
0x76: {  	_ =	shalt  }
0x77: {  	_ =	shalt  }
0x78: {  	_ =	shalt  }
0x79: {  	_ =	shalt  }
0x7a: {  	_ =	shalt  }
0x7b: {  	_ =	shalt  }
0x7c: {  	_ =	shalt  }
0x7d: {  	_ =	shalt  }
0x7e: {  	_ =	shalt  }
0x7f: {  	_ =	shalt  }
0x80: {  	_ =	shalt  }
0x81: {  	_ =	shalt  }
0x82: {  	_ =	shalt  }
0x83: {  	_ =	shalt  }
0x84: {  	_ =	shalt  }
0x85: {  	_ =	shalt  }
0x86: {  	_ =	shalt  }
0x87: {  	_ =	shalt  }
.Lfunc_end0:
.L_simem_size_0:
called_computation.2_lowered:
.L_overlay_start_0:
0x88: {  	s2 =	sld [smem:$0x3FD9]  }
0x89: {  	s3 =	sld [smem:$0x3FFE];
	_ =	sdelay $0x1  }
0x8a: {  	s1 =	srdreg.scid  }
0x8b: {  	s0 =	sand.u32 $0x1, s1  }
0x8c: {  	s16 =	sshll.u32 s0, $0xA;
	s2 =	sadd.s32 s3, s2  }
0x8d: {  	s2 =	sadd.s32 s2, s16  }
0x8e: {  	[smem:$0x3FBF] =	sst s2  }
0x8f: {  	_ = 	snop  }
0x90: {  	(tm) =	ssettm $0x1  }
0x91: {  	s17 =	sld [smem:$0x3FFB];
	_ =	sdelay $0x3  }
0x92: {  	_ =	strace s17  }
0x93: {  	s2 =	sld [smem:$0x3FFC];
	_ =	sdelay $0x3  }
0x94: {  	_ =	strace s2  }
0x95: {  	s2 =	sld [smem:$0x3FFD];
	_ =	sdelay $0x3  }
0x96: {  	_ =	strace s2  }
0x97: {  	_ =	strace $0x8FFFFFFF  }
0x98: {  	s18 =	sld [smem:$0x3FDB];
	_ =	sdelay $0x1  }
0x99: {  	s19 =	simm.s32 $_scs_section_size  }
0x9a: {  	s4 =	simm.s32 $_size__tile_overlayer_lowered;
	s5 =	simm.s32 $_tile_overlayer_lowered  }
0x9b: {  	s22 =	simm.s32 $0x1BFF;
	s21 =	sshll.u32 s5, $0x1;
	s2 =	sadd.s32 s19, s18  }
0x9c: {  	s6 =	simm.s32 $0x0;
	s20 =	sshll.u32 s4, $0x1;
	s4 =	sadd.s32 s21, s2  }
0x9d: {  	[timem:s6], [sflag:s22] =	dma.local [hbm:s4], s20  }
0x9e: {  	_ =	swait.ge [sflag:s22], s20  }
0x9f: {  	s3 =	ssub.s32 $0x0, s20;
	[sflag:s22] =	ssyncset.done $0x0  }
0xa0: {  	[sflag:s22] =	ssyncadd.s32 s3;
	_ =	sdelay $0x1  }
0xa1: {  	s23 =	simm.s32 $0x1B8B  }
0xa2: {  	_ =	swait.ge [sflag:s23], $0x1  }
0xa3: {  	[sflag:s23] =	ssyncset.done $0x0  }
0xa4: {  	s25 =	simm.s32 $0x1B8E;
	s24 =	sld [smem:$0x3FFE];
	[sflag:s23] =	ssyncadd.s32 $0xFFFFFFFF  }
0xa5: {  	s26 =	simm.s32 $execute0_lowered;
	[smem:$0x3FD2] =	sst s25  }
0xa6: {  	s4 =	sshll.u32 s26, $0x1;
	_ =	strace $0x8000004C;
	[dreg:$0x1] =	wrdreg $0xFFFFFFFF  }
0xa7: {  	s28 =	simm.s32 $_size_execute0_lowered;
	s2 =	sadd.s32 s2, s4;
	[dreg:$0x0] =	wrdreg $0x0  }
0xa8: {  	s4 =	sshll.u32 s28, $0x1;
	[dreg:$0x2] =	wrdreg s2  }
0xa9: {  	[dreg:$0x3] =	wrdreg s4  }
0xaa: {  	[dreg:$0x4] =	wrdreg $0xC0  }
0xab: {  	_ =	task [dreg:s6], $0x5FFFF  }
0xac: {  	[dreg:$0x1] =	wrdreg $0xFFFFFFFF  }
0xad: {  	[dreg:$0x0] =	wrdreg $0x60  }
0xae: {  	[dreg:$0x2] =	wrdreg s24  }
0xaf: {  	[dreg:$0x3] =	wrdreg $0x10D800  }
0xb0: {  	[dreg:$0x4] =	wrdreg $0x9  }
0xb1: {  	_ =	task.clear_ibuf [dreg:s6], $0x5FFFF;
	_ =	strace $0x9000004C  }
0xb2: {  	s29 =	simm.s32 $0x9;
	_ =	strace $0x8000004E  }
0xb3: {  	_ =	swait.ge [sflag:s29], $0x1  }
0xb4: {  	[sflag:s29] =	ssyncadd.s32 $0xFFFFFFFF  }
0xb5: {  	_ =	strace $0x9000004E  }
0xb6: {  	_ =	sfence  }
0xb7: {  	s30 =	sld [smem:$0x0];
	_ =	sdelay $0x2  }
0xb8: {  	s31 =	sshll.u32 s1, $0xD;
	s1 =	sshrl.u32 s1, $0x2  }
0xb9: {  	s3 =	sand.u32 $0x4000, s31;
	s1 =	sadd.s32 s1, s30  }
0xba: {  	s0 =	sor.u32 s3, s0;
	s1 =	sshll.u32 s1, $0x11  }
0xbb: {  	s0 =	sor.u32 s1, s0  }
0xbc: {  	s0 =	sadd.s32 $0x8F2B, s0  }
0xbd: {  	[sflag:s0] =	ssyncadd.remote.s32 $0x1  }
0xbe: {  	_ =	sfence.sel $0xFFFF  }
0xbf: {  	[dreg:$0x0] =	wrdreg $0xFFFFFFFF;
	(pc) =	sbr.abs _section_cstart, $3  }
0xc0: {  	[dreg:$0x1] =	wrdreg $0xFFFFFFFF  }
0xc1: {  	_ =	task.clear_ibuf [dreg:s6], $0x2FFFF;
	_ =	strace $0x9FFFFFFF  }
0xc2: {  	(tm) =	ssettm $0x7FFFFFFF  }
0xc3: {  	_ =	shalt  }
tec
execute0_lowered:
.L_overlay_start_1:
0x0: {  	(tag) =	ssettag $0x1  }
0x1: {  	s0 =	rddreg [dreg:$0x0]  }
0x2: {  	s2 =	rddreg [dreg:$0x1];
	s1 =	simm.s32 $0x0;
	s8 =	stileid.u32  }
0x3: {  	s3 =	srdreg.scid;
	s17 =	simm.s32 $0x9;
	s18 =	simm.s32 $0x4EC0  }
0x4: {  	s19 =	simm.s32 $0xED80;
	s20 =	simm.s32 $0x50;
	s21 =	simm.s32 $0x9D80  }
0x5: {  	s30 =	simm.s32 $0xD980;
	s31 =	simm.s32 $0x3;
	s29 =	simm.s32 $0x6  }
0x6: {  	s28 =	simm.s32 $0x0;
	[smem:$0x7FF] =	sst s1;
	s22 =	smul.u32 $0x9D8, s8  }
0x7: {  	s4 =	sadd.s32 $0x8EA00, s0;
	s5 =	sadd.s32 $0x7AA00, s0;
	s7 =	smul.u32 $0x28000, s8  }
0x8: {  	s3 =	sand.u32 $0x1, s3;
	s9 =	sadd.s32 $0xB6A00, s0;
	s24 =	smul.u32 $0xA000, s8  }
0x9: {  	_ =	strace $0x8000004D;
	s6 =	ssub.s32 $0x2, s3;
	[dreg:$0x3] =	wrdreg s9  }
0xa: {  	p0 =	sne.s32 s3, $0x0;
	s1 =	sadd.s32 s22, s0;
	s0 =	sadd.s32 $0xA2A00, s0  }
0xb: {  	s23 =	sshrl.u32 s6, $0x1;
	s7 =	sshrl.u32 s7, $0x2;
	s10 =	sadd.s32 s24, s2  }
0xc: {  	s15 =	sshrl.u32 s24, $0x3;
	s22 =	simm.s32 $0xB180;
	s24 =	simm.s32 $0x4  }
0xd: {  	[dreg:$0x4] =	wrdreg s0;
	s0 =	ssub.s32 s6, s23;
	s25 =	sadd.s32 $0x20C00, s1  }
.Ltmp0:
0xe: {  	s9 =	sadd.s32 $0x16E00, s1;
	s26 =	sadd.s32 s7, s2;
	(pc) =	sbr.rel .LBB2_1-.Ltmp0, $4  }
0xf: {  	s23 =	simm.s32 $0x1;
	s6 =	simm.s32 $0x5;
	s7 =	simm.s32 $0x8  }
0x10: {  	[dreg:$0x5] =	wrdreg s25;
	s11 =	sadd.s32 $0x2000, s26;
	s12 =	sadd.s32 $0x4000, s26  }
0x11: {  	s13 =	sadd.s32 $0x6000, s26;
	s14 =	sadd.s32 $0x8000, s26;
	s16 =	smax.u32 s0, $0x1  }
0x12: {  	v0 =	vimm.f32 $0.0e+00;
	s25 =	simm.s32 $0xC580;
	s26 =	simm.s32 $0x2;
	s0 =	simm.s32 $0x7  }
.LBB2_9:
0x13: {  	[spmem:s2] =	stream.indirect.scatter.add.f32 [tilespmem:s30], [sflag:$0x8], $0x40, s3, s20, $0xb8;
	[tilespmem:$0x1AD80] =	vst v63  }
0x14: {  	_ =	swait.ge [sflag:s29], $0x1400  }
0x15: {  	[sflag:s29] =	ssyncset.done $0x0  }
0x16: {  	s8 =	simm.s32 $0x4DD0;
	[sflag:s29] =	ssyncadd.s32 $0xFFFFEC00  }
0x17: {  	[tilespmem:s22], [sflag:$0x2] =	stream.indirect.gather [hbm4b:s5+s20], $0x40, s8, s20, $0xb8;
	[tilespmem:$0x1AD80] =	vst v63  }
0x18: {  	_ =	swait.ge [sflag:s23], $0x1400  }
0x19: {  	s1 =	sshra.s32 s1, $0x2;
	[sflag:s23] =	ssyncset.done $0x0  }
0x1a: {  	s8 =	sadd.s32 $0x5000, s1;
	[sflag:s23] =	ssyncadd.s32 $0xFFFFEC00  }
0x1b: {  	[spmem:s2] =	stream.indirect.scatter.add.f32 [tilespmem:s21], [sflag:$0x5], $0x40, s8, s20, $0xb8;
	[tilespmem:$0x1AD80] =	vst v63  }
0x1c: {  	_ =	swait.ge [sflag:s0], $0x1400  }
0x1d: {  	[sflag:s0] =	ssyncset.done $0x0  }
0x1e: {  	s8 =	sadd.s32 $0x1E0, s1;
	[sflag:s0] =	ssyncadd.s32 $0xFFFFEC00  }
0x1f: {  	[tilespmem:s25], [sflag:$0x3] =	stream.indirect.gather [hbm4b:s5+s20], $0x40, s8, s20, $0xb8;
	[tilespmem:$0x1AD80] =	vst v63  }
0x20: {  	_ =	swait.ge [sflag:s26], $0x1400  }
0x21: {  	[sflag:s26] =	ssyncset.done $0x0  }
0x22: {  	s8 =	simm.s32 $0x9C90;
	[sflag:s26] =	ssyncadd.s32 $0xFFFFEC00  }
0x23: {  	[spmem:s2] =	stream.indirect.scatter.add.f32 [tilespmem:s22], [sflag:$0x6], $0x40, s8, s20, $0xb8;
	[tilespmem:$0x1AD80] =	vst v63  }
0x24: {  	_ =	swait.ge [sflag:s7], $0x1400  }
0x25: {  	[sflag:s7] =	ssyncset.done $0x0  }
0x26: {  	s8 =	sadd.s32 $0x230, s1;
	[sflag:s7] =	ssyncadd.s32 $0xFFFFEC00  }
0x27: {  	[tilespmem:s30], [sflag:$0x4] =	stream.indirect.gather [hbm4b:s5+s20], $0x40, s8, s20, $0xb8;
	[tilespmem:$0x1AD80] =	vst v63  }
0x28: {  	_ =	swait.ge [sflag:s31], $0x1400  }
0x29: {  	[sflag:s31] =	ssyncset.done $0x0  }
0x2a: {  	s8 =	sadd.s32 $0x50A0, s1;
	[sflag:s31] =	ssyncadd.s32 $0xFFFFEC00  }
0x2b: {  	[spmem:s2] =	stream.indirect.scatter.add.f32 [tilespmem:s25], [sflag:$0x7], $0x40, s8, s20, $0xb8;
	[tilespmem:$0x1AD80] =	vst v63  }
0x2c: {  	_ =	swait.ge [sflag:s6], $0x1400  }
0x2d: {  	[sflag:s6] =	ssyncset.done $0x0  }
0x2e: {  	[sflag:s6] =	ssyncadd.s32 $0xFFFFEC00  }
0x2f: {  	_ =	swait.ge [sflag:s24], $0x1400  }
0x30: {  	[sflag:s24] =	ssyncset.done $0x0  }
0x31: {  	s1 =	sadd.s32 $0x50F0, s1;
	[sflag:s24] =	ssyncadd.s32 $0xFFFFEC00  }
0x32: {  	[spmem:s2] =	stream.indirect.scatter.add.f32 [tilespmem:s30], [sflag:$0x8], $0x40, s1, s20, $0xb8;
	[tilespmem:$0x1AD80] =	vst v63  }
0x33: {  	s1 =	rddreg [dreg:$0x4]  }
.LBB2_10:
0x34: {  	_ =	swait.ge [sflag:s29], $0x1400  }
0x35: {  	[sflag:s29] =	ssyncset.done $0x0  }
0x36: {  	[sflag:s29] =	ssyncadd.s32 $0xFFFFEC00  }
0x37: {  	_ =	swait.ge [sflag:s0], $0x1400  }
0x38: {  	[sflag:s0] =	ssyncset.done $0x0  }
0x39: {  	[sflag:s0] =	ssyncadd.s32 $0xFFFFEC00  }
0x3a: {  	s1 =	sadd.s32 s1, s15;
	s3 =	stileid.u32;
	_ =	swait.ge [sflag:s7], $0x1400  }
0x3b: {  	s8 =	sshrl.u32 s10, $0x3;
	s28 =	sadd.s32 $0x1, s28;
	[sflag:s7] =	ssyncset.done $0x0  }
0x3c: {  	s3 =	sshll.u32 s3, $0x6;
	p1 =	sne.s32 s28, s16;
	[sflag:s7] =	ssyncadd.s32 $0xFFFFEC00  }
.Ltmp1:
0x3d: {  	s3 =	sor.u32 $0x1C09, s3;
	[bflag:$0x0] =	sbarrier.arrive $0xFFFF;
	(pc) =	sbr.rel @!p1 .LBB2_11-.Ltmp1, $4  }
0x3e: {  	[hbm:s1], [sflag:s3] =	dma.local [spmem:s8], $0x1400  }
0x3f: {  	_ =	swait.ge [sflag:s17], $0x1400  }
0x40: {  	[sflag:s17] =	ssyncset.done $0x0  }
0x41: {  	[sflag:s17] =	ssyncadd.s32 $0xFFFFEC00  }
.LBB2_1:
0x42: {  	s1 =	simm.s32 $0x0;
	s3 =	rddreg [dreg:$0x5]  }
0x43: {  	[tilespmem:s1], [sflag:$0x9] =	stream.linear.gather [hbm4b:s3+s1], $0x4EC0, $0x38;
	[tilespmem:$0x1AD80] =	vst v63  }
0x44: {  	_ =	swait.ge [sflag:s17], $0x4EC0  }
0x45: {  	[sflag:s17] =	ssyncset.done $0x0  }
0x46: {  	[sflag:s17] =	ssyncadd.s32 $0xFFFFB140  }
0x47: {  	[tilespmem:s18], [sflag:$0x9] =	stream.linear.gather [hbm4b:s9+s1], $0x4EC0, $0x38;
	[tilespmem:$0x1AD80] =	vst v63  }
0x48: {  	_ =	swait.ge [sflag:s17], $0x4EC0  }
0x49: {  	[sflag:s17] =	ssyncset.done $0x0  }
0x4a: {  	s3 =	simm.s32 $0x100;
	s1 =	simm.s32 $0x0;
	[sflag:s17] =	ssyncadd.s32 $0xFFFFB140  }
.LBB2_2:
0x4b: {  	p1 =	sne.s32 s3, $0x7F00;
	[tilespmem:s1+$0xEDB0] =	vst v0;
	s8 =	smov.u32 s3;
	s3 =	sadd.s32 $0x100, s3  }
.Ltmp2:
0x4c: {  	[tilespmem:s1+$0xEDA0] =	vst v0;
	(pc) =	sbr.rel @p1 .LBB2_2-.Ltmp2, $3  }
0x4d: {  	[tilespmem:s1+$0xED80] =	vst v0  }
0x4e: {  	[tilespmem:s1+$0xED90] =	vst v0;
	_ =	sdelay $0x1  }
0x4f: {  	s1 =	sshra.s32 s8, $0x2  }
0x50: {  	[tilespmem:s1+$0xEDB0] =	vst v0  }
0x51: {  	[tilespmem:s1+$0xEDA0] =	vst v0  }
0x52: {  	[tilespmem:s1+$0xED80] =	vst v0  }
0x53: {  	[tilespmem:s1+$0xED90] =	vst v0  }
0x54: {  	[spmem:s10] =	stream.linear.scatter [tilespmem:s19], [sflag:$0x9], $0x2000, $0x38;
	[tilespmem:$0x1AD80] =	vst v63  }
0x55: {  	_ =	swait.ge [sflag:s17], $0x2000  }
0x56: {  	[sflag:s17] =	ssyncset.done $0x0  }
0x57: {  	[sflag:s17] =	ssyncadd.s32 $0xFFFFE000  }
0x58: {  	[spmem:s11] =	stream.linear.scatter [tilespmem:s19], [sflag:$0x9], $0x2000, $0x38;
	[tilespmem:$0x1AD80] =	vst v63  }
0x59: {  	_ =	swait.ge [sflag:s17], $0x2000  }
0x5a: {  	[sflag:s17] =	ssyncset.done $0x0  }
0x5b: {  	[sflag:s17] =	ssyncadd.s32 $0xFFFFE000  }
0x5c: {  	[spmem:s12] =	stream.linear.scatter [tilespmem:s19], [sflag:$0x9], $0x2000, $0x38;
	[tilespmem:$0x1AD80] =	vst v63  }
0x5d: {  	_ =	swait.ge [sflag:s17], $0x2000  }
0x5e: {  	[sflag:s17] =	ssyncset.done $0x0  }
0x5f: {  	[sflag:s17] =	ssyncadd.s32 $0xFFFFE000  }
0x60: {  	[spmem:s13] =	stream.linear.scatter [tilespmem:s19], [sflag:$0x9], $0x2000, $0x38;
	[tilespmem:$0x1AD80] =	vst v63  }
0x61: {  	_ =	swait.ge [sflag:s17], $0x2000  }
0x62: {  	[sflag:s17] =	ssyncset.done $0x0  }
0x63: {  	[sflag:s17] =	ssyncadd.s32 $0xFFFFE000  }
0x64: {  	[spmem:s14] =	stream.linear.scatter [tilespmem:s19], [sflag:$0x9], $0x2000, $0x38;
	[tilespmem:$0x1AD80] =	vst v63  }
.Ltmp3:
0x65: {  	_ =	swait.ge [sflag:s17], $0x2000;
	(pc) =	sbr.rel @p0 .LBB2_7-.Ltmp3, $4  }
0x66: {  	[sflag:s17] =	ssyncset.done $0x0  }
0x67: {  	[sflag:s17] =	ssyncadd.s32 $0xFFFFE000  }
0x68: {  	[bflag:$0x0] =	sbarrier.arrive $0xFFFF  }
0x69: {  	s1 =	simm.s32 $0x0  }
0x6a: {  	[tilespmem:s21], [sflag:$0x1] =	stream.indirect.gather [hbm4b:s4+s20], $0x40, s1, s20, $0xb8;
	[tilespmem:$0x1AD80] =	vst v63  }
0x6b: {  	_ = 	snop  }
0x6c: {  	[tilespmem:s22], [sflag:$0x2] =	stream.indirect.gather [hbm4b:s4+s20], $0x40, s20, s20, $0xb8;
	[tilespmem:$0x1AD80] =	vst v63  }
0x6d: {  	_ =	swait.ge [sflag:s23], $0x1400  }
0x6e: {  	[sflag:s23] =	ssyncset.done $0x0  }
0x6f: {  	[sflag:s23] =	ssyncadd.s32 $0xFFFFEC00  }
0x70: {  	[spmem:s2] =	stream.indirect.scatter.add.f32 [tilespmem:s21], [sflag:$0x5], $0x40, s18, s20, $0xb8;
	[tilespmem:$0x1AD80] =	vst v63  }
0x71: {  	s8 =	simm.s32 $0xA0  }
0x72: {  	[tilespmem:s25], [sflag:$0x3] =	stream.indirect.gather [hbm4b:s4+s20], $0x40, s8, s20, $0xb8;
	[tilespmem:$0x1AD80] =	vst v63  }
0x73: {  	_ =	swait.ge [sflag:s26], $0x1400  }
0x74: {  	[sflag:s26] =	ssyncset.done $0x0  }
0x75: {  	s3 =	simm.s32 $0x4F10;
	[sflag:s26] =	ssyncadd.s32 $0xFFFFEC00  }
0x76: {  	[spmem:s2] =	stream.indirect.scatter.add.f32 [tilespmem:s22], [sflag:$0x6], $0x40, s3, s20, $0xb8;
	[tilespmem:$0x1AD80] =	vst v63  }
0x77: {  	s8 =	simm.s32 $0xF0  }
0x78: {  	[tilespmem:s30], [sflag:$0x4] =	stream.indirect.gather [hbm4b:s4+s20], $0x40, s8, s20, $0xb8;
	[tilespmem:$0x1AD80] =	vst v63  }
0x79: {  	_ =	swait.ge [sflag:s31], $0x1400  }
0x7a: {  	[sflag:s31] =	ssyncset.done $0x0  }
0x7b: {  	s3 =	simm.s32 $0x4F60;
	[sflag:s31] =	ssyncadd.s32 $0xFFFFEC00  }
0x7c: {  	[spmem:s2] =	stream.indirect.scatter.add.f32 [tilespmem:s25], [sflag:$0x7], $0x40, s3, s20, $0xb8;
	[tilespmem:$0x1AD80] =	vst v63  }
0x7d: {  	_ =	swait.ge [sflag:s6], $0x1400  }
0x7e: {  	[sflag:s6] =	ssyncset.done $0x0  }
0x7f: {  	s8 =	simm.s32 $0x140;
	[sflag:s6] =	ssyncadd.s32 $0xFFFFEC00  }
0x80: {  	[tilespmem:s21], [sflag:$0x1] =	stream.indirect.gather [hbm4b:s4+s20], $0x40, s8, s20, $0xb8;
	[tilespmem:$0x1AD80] =	vst v63  }
0x81: {  	_ =	swait.ge [sflag:s24], $0x1400  }
0x82: {  	[sflag:s24] =	ssyncset.done $0x0  }
0x83: {  	s3 =	simm.s32 $0x4FB0;
	[sflag:s24] =	ssyncadd.s32 $0xFFFFEC00  }
0x84: {  	[spmem:s2] =	stream.indirect.scatter.add.f32 [tilespmem:s30], [sflag:$0x8], $0x40, s3, s20, $0xb8;
	[tilespmem:$0x1AD80] =	vst v63  }
0x85: {  	_ =	swait.ge [sflag:s29], $0x1400  }
0x86: {  	[sflag:s29] =	ssyncset.done $0x0  }
0x87: {  	s8 =	simm.s32 $0x190;
	[sflag:s29] =	ssyncadd.s32 $0xFFFFEC00  }
0x88: {  	[tilespmem:s22], [sflag:$0x2] =	stream.indirect.gather [hbm4b:s4+s20], $0x40, s8, s20, $0xb8;
	[tilespmem:$0x1AD80] =	vst v63  }
0x89: {  	_ =	swait.ge [sflag:s23], $0x1400  }
0x8a: {  	[sflag:s23] =	ssyncset.done $0x0  }
0x8b: {  	s3 =	simm.s32 $0x5000;
	[sflag:s23] =	ssyncadd.s32 $0xFFFFEC00  }
0x8c: {  	[spmem:s2] =	stream.indirect.scatter.add.f32 [tilespmem:s21], [sflag:$0x5], $0x40, s3, s20, $0xb8;
	[tilespmem:$0x1AD80] =	vst v63  }
0x8d: {  	_ =	swait.ge [sflag:s0], $0x1400  }
0x8e: {  	[sflag:s0] =	ssyncset.done $0x0  }
0x8f: {  	s8 =	simm.s32 $0x1E0;
	[sflag:s0] =	ssyncadd.s32 $0xFFFFEC00  }
0x90: {  	[tilespmem:s25], [sflag:$0x3] =	stream.indirect.gather [hbm4b:s4+s20], $0x40, s8, s20, $0xb8;
	[tilespmem:$0x1AD80] =	vst v63  }
0x91: {  	_ =	swait.ge [sflag:s26], $0x1400  }
0x92: {  	[sflag:s26] =	ssyncset.done $0x0  }
0x93: {  	s3 =	simm.s32 $0x5050;
	[sflag:s26] =	ssyncadd.s32 $0xFFFFEC00  }
0x94: {  	[spmem:s2] =	stream.indirect.scatter.add.f32 [tilespmem:s22], [sflag:$0x6], $0x40, s3, s20, $0xb8;
	[tilespmem:$0x1AD80] =	vst v63  }
0x95: {  	_ =	swait.ge [sflag:s7], $0x1400  }
0x96: {  	[sflag:s7] =	ssyncset.done $0x0  }
0x97: {  	s8 =	simm.s32 $0x230;
	[sflag:s7] =	ssyncadd.s32 $0xFFFFEC00  }
0x98: {  	[tilespmem:s30], [sflag:$0x4] =	stream.indirect.gather [hbm4b:s4+s20], $0x40, s8, s20, $0xb8;
	[tilespmem:$0x1AD80] =	vst v63  }
0x99: {  	_ =	swait.ge [sflag:s31], $0x1400  }
0x9a: {  	[sflag:s31] =	ssyncset.done $0x0  }
0x9b: {  	s3 =	simm.s32 $0x50A0;
	[sflag:s31] =	ssyncadd.s32 $0xFFFFEC00  }
0x9c: {  	[spmem:s2] =	stream.indirect.scatter.add.f32 [tilespmem:s25], [sflag:$0x7], $0x40, s3, s20, $0xb8;
	[tilespmem:$0x1AD80] =	vst v63  }
0x9d: {  	_ =	swait.ge [sflag:s6], $0x1400  }
0x9e: {  	[sflag:s6] =	ssyncset.done $0x0  }
0x9f: {  	s8 =	simm.s32 $0x280;
	[sflag:s6] =	ssyncadd.s32 $0xFFFFEC00  }
0xa0: {  	[tilespmem:s21], [sflag:$0x1] =	stream.indirect.gather [hbm4b:s4+s20], $0x40, s8, s20, $0xb8;
	[tilespmem:$0x1AD80] =	vst v63  }
0xa1: {  	_ =	swait.ge [sflag:s24], $0x1400  }
0xa2: {  	[sflag:s24] =	ssyncset.done $0x0  }
0xa3: {  	s1 =	simm.s32 $0x500;
	s3 =	simm.s32 $0x50F0;
	[sflag:s24] =	ssyncadd.s32 $0xFFFFEC00  }
.LBB2_5:
0xa4: {  	[spmem:s2] =	stream.indirect.scatter.add.f32 [tilespmem:s30], [sflag:$0x8], $0x40, s3, s20, $0xb8;
	[tilespmem:$0x1AD80] =	vst v63  }
0xa5: {  	s3 =	smov.u32 s1;
	s1 =	sadd.s32 $0x500, s1;
	_ =	swait.ge [sflag:s29], $0x1400  }
0xa6: {  	s3 =	sshra.s32 s3, $0x2;
	p1 =	seq.s32 s1, $0x13100;
	[sflag:s29] =	ssyncset.done $0x0  }
0xa7: {  	s8 =	sadd.s32 $0x190, s3;
	[sflag:s29] =	ssyncadd.s32 $0xFFFFEC00  }
0xa8: {  	[tilespmem:s22], [sflag:$0x2] =	stream.indirect.gather [hbm4b:s4+s20], $0x40, s8, s20, $0xb8;
	[tilespmem:$0x1AD80] =	vst v63  }
0xa9: {  	_ =	swait.ge [sflag:s23], $0x1400  }
0xaa: {  	[sflag:s23] =	ssyncset.done $0x0  }
0xab: {  	s8 =	sadd.s32 $0x5000, s3;
	[sflag:s23] =	ssyncadd.s32 $0xFFFFEC00  }
0xac: {  	[spmem:s2] =	stream.indirect.scatter.add.f32 [tilespmem:s21], [sflag:$0x5], $0x40, s8, s20, $0xb8;
	[tilespmem:$0x1AD80] =	vst v63  }
0xad: {  	_ =	swait.ge [sflag:s0], $0x1400  }
0xae: {  	[sflag:s0] =	ssyncset.done $0x0  }
0xaf: {  	s8 =	sadd.s32 $0x1E0, s3;
	[sflag:s0] =	ssyncadd.s32 $0xFFFFEC00  }
0xb0: {  	[tilespmem:s25], [sflag:$0x3] =	stream.indirect.gather [hbm4b:s4+s20], $0x40, s8, s20, $0xb8;
	[tilespmem:$0x1AD80] =	vst v63  }
0xb1: {  	_ =	swait.ge [sflag:s26], $0x1400  }
0xb2: {  	[sflag:s26] =	ssyncset.done $0x0  }
0xb3: {  	s8 =	sadd.s32 $0x5050, s3;
	[sflag:s26] =	ssyncadd.s32 $0xFFFFEC00  }
0xb4: {  	[spmem:s2] =	stream.indirect.scatter.add.f32 [tilespmem:s22], [sflag:$0x6], $0x40, s8, s20, $0xb8;
	[tilespmem:$0x1AD80] =	vst v63  }
0xb5: {  	_ =	swait.ge [sflag:s7], $0x1400  }
0xb6: {  	[sflag:s7] =	ssyncset.done $0x0  }
0xb7: {  	s8 =	sadd.s32 $0x230, s3;
	[sflag:s7] =	ssyncadd.s32 $0xFFFFEC00  }
0xb8: {  	[tilespmem:s30], [sflag:$0x4] =	stream.indirect.gather [hbm4b:s4+s20], $0x40, s8, s20, $0xb8;
	[tilespmem:$0x1AD80] =	vst v63  }
0xb9: {  	_ =	swait.ge [sflag:s31], $0x1400  }
0xba: {  	[sflag:s31] =	ssyncset.done $0x0  }
0xbb: {  	s8 =	sadd.s32 $0x50A0, s3;
	[sflag:s31] =	ssyncadd.s32 $0xFFFFEC00  }
0xbc: {  	[spmem:s2] =	stream.indirect.scatter.add.f32 [tilespmem:s25], [sflag:$0x7], $0x40, s8, s20, $0xb8;
	[tilespmem:$0x1AD80] =	vst v63  }
0xbd: {  	_ =	swait.ge [sflag:s6], $0x1400  }
0xbe: {  	[sflag:s6] =	ssyncset.done $0x0  }
.Ltmp4:
0xbf: {  	s8 =	sadd.s32 $0x280, s3;
	[sflag:s6] =	ssyncadd.s32 $0xFFFFEC00;
	(pc) =	sbr.rel @!p1 .LBB2_5-.Ltmp4, $4  }
0xc0: {  	[tilespmem:s21], [sflag:$0x1] =	stream.indirect.gather [hbm4b:s4+s20], $0x40, s8, s20, $0xb8;
	[tilespmem:$0x1AD80] =	vst v63  }
0xc1: {  	_ =	swait.ge [sflag:s24], $0x1400  }
0xc2: {  	[sflag:s24] =	ssyncset.done $0x0  }
0xc3: {  	s3 =	sadd.s32 $0x50F0, s3;
	[sflag:s24] =	ssyncadd.s32 $0xFFFFEC00  }
0xc4: {  	[spmem:s2] =	stream.indirect.scatter.add.f32 [tilespmem:s30], [sflag:$0x8], $0x40, s3, s20, $0xb8;
	[tilespmem:$0x1AD80] =	vst v63  }
0xc5: {  	_ =	swait.ge [sflag:s29], $0x1400  }
0xc6: {  	[sflag:s29] =	ssyncset.done $0x0  }
0xc7: {  	s8 =	simm.s32 $0x4DD0;
	[sflag:s29] =	ssyncadd.s32 $0xFFFFEC00  }
0xc8: {  	[tilespmem:s22], [sflag:$0x2] =	stream.indirect.gather [hbm4b:s4+s20], $0x40, s8, s20, $0xb8;
	[tilespmem:$0x1AD80] =	vst v63  }
0xc9: {  	_ =	swait.ge [sflag:s23], $0x1400  }
0xca: {  	s1 =	sshra.s32 s1, $0x2;
	[sflag:s23] =	ssyncset.done $0x0  }
0xcb: {  	s8 =	sadd.s32 $0x5000, s1;
	[sflag:s23] =	ssyncadd.s32 $0xFFFFEC00  }
0xcc: {  	[spmem:s2] =	stream.indirect.scatter.add.f32 [tilespmem:s21], [sflag:$0x5], $0x40, s8, s20, $0xb8;
	[tilespmem:$0x1AD80] =	vst v63  }
0xcd: {  	_ =	swait.ge [sflag:s0], $0x1400  }
0xce: {  	[sflag:s0] =	ssyncset.done $0x0  }
0xcf: {  	s8 =	sadd.s32 $0x1E0, s1;
	[sflag:s0] =	ssyncadd.s32 $0xFFFFEC00  }
0xd0: {  	[tilespmem:s25], [sflag:$0x3] =	stream.indirect.gather [hbm4b:s4+s20], $0x40, s8, s20, $0xb8;
	[tilespmem:$0x1AD80] =	vst v63  }
0xd1: {  	_ =	swait.ge [sflag:s26], $0x1400  }
0xd2: {  	[sflag:s26] =	ssyncset.done $0x0  }
0xd3: {  	s8 =	simm.s32 $0x9C90;
	[sflag:s26] =	ssyncadd.s32 $0xFFFFEC00  }
0xd4: {  	[spmem:s2] =	stream.indirect.scatter.add.f32 [tilespmem:s22], [sflag:$0x6], $0x40, s8, s20, $0xb8;
	[tilespmem:$0x1AD80] =	vst v63  }
0xd5: {  	_ =	swait.ge [sflag:s7], $0x1400  }
0xd6: {  	[sflag:s7] =	ssyncset.done $0x0  }
0xd7: {  	s8 =	sadd.s32 $0x230, s1;
	[sflag:s7] =	ssyncadd.s32 $0xFFFFEC00  }
0xd8: {  	[tilespmem:s30], [sflag:$0x4] =	stream.indirect.gather [hbm4b:s4+s20], $0x40, s8, s20, $0xb8;
	[tilespmem:$0x1AD80] =	vst v63  }
0xd9: {  	_ =	swait.ge [sflag:s31], $0x1400  }
0xda: {  	[sflag:s31] =	ssyncset.done $0x0  }
0xdb: {  	s8 =	sadd.s32 $0x50A0, s1;
	[sflag:s31] =	ssyncadd.s32 $0xFFFFEC00  }
0xdc: {  	[spmem:s2] =	stream.indirect.scatter.add.f32 [tilespmem:s25], [sflag:$0x7], $0x40, s8, s20, $0xb8;
	[tilespmem:$0x1AD80] =	vst v63  }
0xdd: {  	_ =	swait.ge [sflag:s6], $0x1400  }
0xde: {  	[sflag:s6] =	ssyncset.done $0x0  }
0xdf: {  	[sflag:s6] =	ssyncadd.s32 $0xFFFFEC00  }
.Ltmp5:
0xe0: {  	_ =	swait.ge [sflag:s24], $0x1400;
	(pc) =	sbr.rel .LBB2_10-.Ltmp5, $4  }
0xe1: {  	[sflag:s24] =	ssyncset.done $0x0  }
0xe2: {  	s1 =	sadd.s32 $0x50F0, s1;
	[sflag:s24] =	ssyncadd.s32 $0xFFFFEC00  }
0xe3: {  	[spmem:s2] =	stream.indirect.scatter.add.f32 [tilespmem:s30], [sflag:$0x8], $0x40, s1, s20, $0xb8;
	[tilespmem:$0x1AD80] =	vst v63  }
0xe4: {  	s1 =	rddreg [dreg:$0x3]  }
.LBB2_7:
0xe5: {  	[tilespmem:s21], [sflag:$0x1] =	stream.indirect.gather [hbm4b:s5+s20], $0x40, s1, s20, $0xb8;
	[tilespmem:$0x1AD80] =	vst v63  }
0xe6: {  	_ = 	snop  }
0xe7: {  	[tilespmem:s22], [sflag:$0x2] =	stream.indirect.gather [hbm4b:s5+s20], $0x40, s20, s20, $0xb8;
	[tilespmem:$0x1AD80] =	vst v63  }
0xe8: {  	_ =	swait.ge [sflag:s23], $0x1400  }
0xe9: {  	[sflag:s23] =	ssyncset.done $0x0  }
0xea: {  	[sflag:s23] =	ssyncadd.s32 $0xFFFFEC00  }
0xeb: {  	[spmem:s2] =	stream.indirect.scatter.add.f32 [tilespmem:s21], [sflag:$0x5], $0x40, s18, s20, $0xb8;
	[tilespmem:$0x1AD80] =	vst v63  }
0xec: {  	s8 =	simm.s32 $0xA0  }
0xed: {  	[tilespmem:s25], [sflag:$0x3] =	stream.indirect.gather [hbm4b:s5+s20], $0x40, s8, s20, $0xb8;
	[tilespmem:$0x1AD80] =	vst v63  }
0xee: {  	_ =	swait.ge [sflag:s26], $0x1400  }
0xef: {  	[sflag:s26] =	ssyncset.done $0x0  }
0xf0: {  	s3 =	simm.s32 $0x4F10;
	[sflag:s26] =	ssyncadd.s32 $0xFFFFEC00  }
0xf1: {  	[spmem:s2] =	stream.indirect.scatter.add.f32 [tilespmem:s22], [sflag:$0x6], $0x40, s3, s20, $0xb8;
	[tilespmem:$0x1AD80] =	vst v63  }
0xf2: {  	s8 =	simm.s32 $0xF0  }
0xf3: {  	[tilespmem:s30], [sflag:$0x4] =	stream.indirect.gather [hbm4b:s5+s20], $0x40, s8, s20, $0xb8;
	[tilespmem:$0x1AD80] =	vst v63  }
0xf4: {  	_ =	swait.ge [sflag:s31], $0x1400  }
0xf5: {  	[sflag:s31] =	ssyncset.done $0x0  }
0xf6: {  	s3 =	simm.s32 $0x4F60;
	[sflag:s31] =	ssyncadd.s32 $0xFFFFEC00  }
0xf7: {  	[spmem:s2] =	stream.indirect.scatter.add.f32 [tilespmem:s25], [sflag:$0x7], $0x40, s3, s20, $0xb8;
	[tilespmem:$0x1AD80] =	vst v63  }
0xf8: {  	_ =	swait.ge [sflag:s6], $0x1400  }
0xf9: {  	[sflag:s6] =	ssyncset.done $0x0  }
0xfa: {  	s8 =	simm.s32 $0x140;
	[sflag:s6] =	ssyncadd.s32 $0xFFFFEC00  }
0xfb: {  	[tilespmem:s21], [sflag:$0x1] =	stream.indirect.gather [hbm4b:s5+s20], $0x40, s8, s20, $0xb8;
	[tilespmem:$0x1AD80] =	vst v63  }
0xfc: {  	_ =	swait.ge [sflag:s24], $0x1400  }
0xfd: {  	[sflag:s24] =	ssyncset.done $0x0  }
0xfe: {  	s3 =	simm.s32 $0x4FB0;
	[sflag:s24] =	ssyncadd.s32 $0xFFFFEC00  }
0xff: {  	[spmem:s2] =	stream.indirect.scatter.add.f32 [tilespmem:s30], [sflag:$0x8], $0x40, s3, s20, $0xb8;
	[tilespmem:$0x1AD80] =	vst v63  }
0x100: {  	_ =	swait.ge [sflag:s29], $0x1400  }
0x101: {  	[sflag:s29] =	ssyncset.done $0x0  }
0x102: {  	s8 =	simm.s32 $0x190;
	[sflag:s29] =	ssyncadd.s32 $0xFFFFEC00  }
0x103: {  	[tilespmem:s22], [sflag:$0x2] =	stream.indirect.gather [hbm4b:s5+s20], $0x40, s8, s20, $0xb8;
	[tilespmem:$0x1AD80] =	vst v63  }
0x104: {  	_ =	swait.ge [sflag:s23], $0x1400  }
0x105: {  	[sflag:s23] =	ssyncset.done $0x0  }
0x106: {  	s3 =	simm.s32 $0x5000;
	[sflag:s23] =	ssyncadd.s32 $0xFFFFEC00  }
0x107: {  	[spmem:s2] =	stream.indirect.scatter.add.f32 [tilespmem:s21], [sflag:$0x5], $0x40, s3, s20, $0xb8;
	[tilespmem:$0x1AD80] =	vst v63  }
0x108: {  	_ =	swait.ge [sflag:s0], $0x1400  }
0x109: {  	[sflag:s0] =	ssyncset.done $0x0  }
0x10a: {  	s8 =	simm.s32 $0x1E0;
	[sflag:s0] =	ssyncadd.s32 $0xFFFFEC00  }
0x10b: {  	[tilespmem:s25], [sflag:$0x3] =	stream.indirect.gather [hbm4b:s5+s20], $0x40, s8, s20, $0xb8;
	[tilespmem:$0x1AD80] =	vst v63  }
0x10c: {  	_ =	swait.ge [sflag:s26], $0x1400  }
0x10d: {  	[sflag:s26] =	ssyncset.done $0x0  }
0x10e: {  	s3 =	simm.s32 $0x5050;
	[sflag:s26] =	ssyncadd.s32 $0xFFFFEC00  }
0x10f: {  	[spmem:s2] =	stream.indirect.scatter.add.f32 [tilespmem:s22], [sflag:$0x6], $0x40, s3, s20, $0xb8;
	[tilespmem:$0x1AD80] =	vst v63  }
0x110: {  	_ =	swait.ge [sflag:s7], $0x1400  }
0x111: {  	[sflag:s7] =	ssyncset.done $0x0  }
0x112: {  	s8 =	simm.s32 $0x230;
	[sflag:s7] =	ssyncadd.s32 $0xFFFFEC00  }
0x113: {  	[tilespmem:s30], [sflag:$0x4] =	stream.indirect.gather [hbm4b:s5+s20], $0x40, s8, s20, $0xb8;
	[tilespmem:$0x1AD80] =	vst v63  }
0x114: {  	_ =	swait.ge [sflag:s31], $0x1400  }
0x115: {  	[sflag:s31] =	ssyncset.done $0x0  }
0x116: {  	s3 =	simm.s32 $0x50A0;
	[sflag:s31] =	ssyncadd.s32 $0xFFFFEC00  }
0x117: {  	[spmem:s2] =	stream.indirect.scatter.add.f32 [tilespmem:s25], [sflag:$0x7], $0x40, s3, s20, $0xb8;
	[tilespmem:$0x1AD80] =	vst v63  }
0x118: {  	_ =	swait.ge [sflag:s6], $0x1400  }
0x119: {  	[sflag:s6] =	ssyncset.done $0x0  }
0x11a: {  	s8 =	simm.s32 $0x280;
	[sflag:s6] =	ssyncadd.s32 $0xFFFFEC00  }
0x11b: {  	[tilespmem:s21], [sflag:$0x1] =	stream.indirect.gather [hbm4b:s5+s20], $0x40, s8, s20, $0xb8;
	[tilespmem:$0x1AD80] =	vst v63  }
0x11c: {  	_ =	swait.ge [sflag:s24], $0x1400  }
0x11d: {  	[sflag:s24] =	ssyncset.done $0x0  }
0x11e: {  	s1 =	simm.s32 $0x500;
	s3 =	simm.s32 $0x50F0;
	[sflag:s24] =	ssyncadd.s32 $0xFFFFEC00  }
.LBB2_8:
0x11f: {  	[spmem:s2] =	stream.indirect.scatter.add.f32 [tilespmem:s30], [sflag:$0x8], $0x40, s3, s20, $0xb8;
	[tilespmem:$0x1AD80] =	vst v63  }
0x120: {  	s3 =	smov.u32 s1;
	s1 =	sadd.s32 $0x500, s1;
	_ =	swait.ge [sflag:s29], $0x1400  }
0x121: {  	s3 =	sshra.s32 s3, $0x2;
	p1 =	seq.s32 s1, $0x13100;
	[sflag:s29] =	ssyncset.done $0x0  }
0x122: {  	s8 =	sadd.s32 $0x190, s3;
	[sflag:s29] =	ssyncadd.s32 $0xFFFFEC00  }
0x123: {  	[tilespmem:s22], [sflag:$0x2] =	stream.indirect.gather [hbm4b:s5+s20], $0x40, s8, s20, $0xb8;
	[tilespmem:$0x1AD80] =	vst v63  }
0x124: {  	_ =	swait.ge [sflag:s23], $0x1400  }
0x125: {  	[sflag:s23] =	ssyncset.done $0x0  }
0x126: {  	s8 =	sadd.s32 $0x5000, s3;
	[sflag:s23] =	ssyncadd.s32 $0xFFFFEC00  }
0x127: {  	[spmem:s2] =	stream.indirect.scatter.add.f32 [tilespmem:s21], [sflag:$0x5], $0x40, s8, s20, $0xb8;
	[tilespmem:$0x1AD80] =	vst v63  }
0x128: {  	_ =	swait.ge [sflag:s0], $0x1400  }
0x129: {  	[sflag:s0] =	ssyncset.done $0x0  }
0x12a: {  	s8 =	sadd.s32 $0x1E0, s3;
	[sflag:s0] =	ssyncadd.s32 $0xFFFFEC00  }
0x12b: {  	[tilespmem:s25], [sflag:$0x3] =	stream.indirect.gather [hbm4b:s5+s20], $0x40, s8, s20, $0xb8;
	[tilespmem:$0x1AD80] =	vst v63  }
0x12c: {  	_ =	swait.ge [sflag:s26], $0x1400  }
0x12d: {  	[sflag:s26] =	ssyncset.done $0x0  }
0x12e: {  	s8 =	sadd.s32 $0x5050, s3;
	[sflag:s26] =	ssyncadd.s32 $0xFFFFEC00  }
0x12f: {  	[spmem:s2] =	stream.indirect.scatter.add.f32 [tilespmem:s22], [sflag:$0x6], $0x40, s8, s20, $0xb8;
	[tilespmem:$0x1AD80] =	vst v63  }
0x130: {  	_ =	swait.ge [sflag:s7], $0x1400  }
0x131: {  	[sflag:s7] =	ssyncset.done $0x0  }
0x132: {  	s8 =	sadd.s32 $0x230, s3;
	[sflag:s7] =	ssyncadd.s32 $0xFFFFEC00  }
0x133: {  	[tilespmem:s30], [sflag:$0x4] =	stream.indirect.gather [hbm4b:s5+s20], $0x40, s8, s20, $0xb8;
	[tilespmem:$0x1AD80] =	vst v63  }
0x134: {  	_ =	swait.ge [sflag:s31], $0x1400  }
0x135: {  	[sflag:s31] =	ssyncset.done $0x0  }
0x136: {  	s8 =	sadd.s32 $0x50A0, s3;
	[sflag:s31] =	ssyncadd.s32 $0xFFFFEC00  }
0x137: {  	[spmem:s2] =	stream.indirect.scatter.add.f32 [tilespmem:s25], [sflag:$0x7], $0x40, s8, s20, $0xb8;
	[tilespmem:$0x1AD80] =	vst v63  }
0x138: {  	_ =	swait.ge [sflag:s6], $0x1400  }
0x139: {  	[sflag:s6] =	ssyncset.done $0x0  }
.Ltmp6:
0x13a: {  	s8 =	sadd.s32 $0x280, s3;
	[sflag:s6] =	ssyncadd.s32 $0xFFFFEC00;
	(pc) =	sbr.rel @!p1 .LBB2_8-.Ltmp6, $4  }
0x13b: {  	[tilespmem:s21], [sflag:$0x1] =	stream.indirect.gather [hbm4b:s5+s20], $0x40, s8, s20, $0xb8;
	[tilespmem:$0x1AD80] =	vst v63  }
0x13c: {  	_ =	swait.ge [sflag:s24], $0x1400  }
0x13d: {  	[sflag:s24] =	ssyncset.done $0x0  }
0x13e: {  	s3 =	sadd.s32 $0x50F0, s3;
	[sflag:s24] =	ssyncadd.s32 $0xFFFFEC00  }
.Ltmp7:
0x13f: {  	_ = 	snop;
	(pc) =	sbr.rel .LBB2_9-.Ltmp7, $1  }
0x140: {  	_ =	sdelay $0x3  }
.LBB2_11:
0x141: {  	_ =	sfence.sel $0x180000  }
0x142: {  	[bflag:$0x0] =	sbarrier.arrive $0xFFFF  }
0x143: {  	_ =	strace $0x9000004D  }
0x144: {  	s0 =	stileid.u32;
	[bflag:$0x2] =	sbarrier.arrive $0xFFFF  }
0x145: {  	p0 =	sne.s32 s0, $0x0;
	s0 =	rddreg [dreg:$0x2]  }
0x146: {  	s0 =	sadd.s32 @!p0 $0x100000, s0  }
0x147: {  	[sflag:s0] =	ssyncadd.tile.s32 @!p0 $0x1;
	_ =	shalt  }
.Lfunc_end2:
_tile_overlayer_lowered:
.L_overlay_start_2:
0x148: {  	(tag) =	ssettag $0x2  }
0x149: {  	s0 =	rddreg [dreg:$0x0];
	s2 =	stileid.u32  }
0x14a: {  	s1 =	rddreg [dreg:$0x1];
	p0 =	sne.s32 s2, $0x0  }
0x14b: {  	s3 =	rddreg [dreg:$0x2];
	[bflag:$0x3] =	sbarrier.arrive $0xFFFF;
	s2 =	simm.s32 @!p0 $0x1C09  }
0x14c: {  	[timem:s3], [sflag:s2] =	dma.local @!p0 [hbm:s0], s1  }
0x14d: {  	s0 =	simm.s32 @!p0 $0x9  }
0x14e: {  	_ =	swait.ge @!p0 [sflag:s0], s1  }
0x14f: {  	s1 =	ssub.s32 @!p0 $0x0, s1;
	[sflag:s0] =	ssyncset.done @!p0 $0x0  }
0x150: {  	[sflag:s0] =	ssyncadd.s32 @!p0 s1  }
0x151: {  	[bflag:$0x3] =	sbarrier.arrive $0xFFFF  }
0x152: {  	_ =	shalt  }

// kernel: _impl.8.cloned.1.call-start
scs
__scs_entry_jumppad:
0x0: {  	(pc) =	sbr.rel $0x88, $3  }
0x1: {  	(tag) =	ssettag $0x0;
	lr =	simm.s32 $0x1  }
0x2: {  	[smem:$0x3F98] =	sst lr;
	_ =	strace $0xD0000000  }
0x3: {  	_ = 	snop  }
0x4: {  	_ = 	snop  }
0x5: {  	_ = 	snop  }
0x6: {  	_ = 	snop  }
0x7: {  	_ = 	snop  }
__scs_overlays_trampoline_lowered:
0x8: {  	[smem:$0x3FA7] =	sst s0  }
0x9: {  	[smem:$0x3FA8] =	sst s1  }
0xa: {  	[smem:$0x3FA9] =	sst s2  }
0xb: {  	[smem:$0x3FAA] =	sst s3  }
0xc: {  	[smem:$0x3FAB] =	sst s4  }
0xd: {  	[smem:$0x3FAC] =	sst s5  }
0xe: {  	[smem:$0x3FAD] =	sst s6  }
0xf: {  	[smem:$0x3FAE] =	sst s7  }
0x10: {  	[smem:$0x3FAF] =	sst s8  }
0x11: {  	[smem:$0x3FB0] =	sst s9;
	s0 =	simm.s32 @!p0 $0x0  }
0x12: {  	s1 =	sld [smem:$0x3F96];
	s0 =	simm.s32 @p0 $0x1  }
0x13: {  	[smem:$0x3FB1] =	sst s0;
	s0 =	simm.s32 @!p1 $0x0  }
0x14: {  	s2 =	sld [smem:$0x3F95];
	s0 =	simm.s32 @p1 $0x1  }
0x15: {  	[smem:$0x3FB2] =	sst s0;
	s0 =	simm.s32 @!p2 $0x0  }
0x16: {  	s3 =	sld [smem:$0x3FDB];
	s0 =	simm.s32 @p2 $0x1  }
0x17: {  	s4 =	simm.s32 $0x1BF5;
	[smem:$0x3FB4] =	sst s0  }
0x18: {  	s0 =	sld [smem:$0x3F97];
	_ =	swait.ge [sflag:s4], $0x0  }
0x19: {  	s7 =	sld [smem:$0x3F98]  }
0x1a: {  	s8 =	sadd.s32 $0xFFFFE003, lr  }
0x1b: {  	s9 =	sadd.s32 $0xFFFFFEF7, lr;
	s5 =	simm.s32 $0xFFFFFFFF;
	p2 =	slt.u32 s8, $0xFFFFF086  }
0x1c: {  	p1 =	slt.u32 s9, $0xF7A;
	s5 =	simm.s32 @!p2 $0x0  }
0x1d: {  	s5 =	simm.s32 @p1 $0x1;
	p0 =	seq.s32 s7, s2  }
0x1e: {  	s7 =	smul.u32 @!p0 $0xF7A, s2;
	p2 =	seq.s32 @!p0 s5, $0x0  }
0x1f: {  	s9 =	smul.u32 $0xF7A, s1;
	s8 =	simm.s32 @!p0 $0x1BF5;
	p2 =	por !p2, p0  }
0x20: {  	[sflag:s8] =	ssyncset.s32 @!p0 $0xFFFFF086;
	s6 =	sadd.s32 @!p0 s3, s7;
	s7 =	simm.s32 @!p0 $0x108  }
0x21: {  	s3 =	sadd.s32 s3, s9;
	s6 =	sadd.s32 @!p0 $0x88, s6;
	s7 =	simm.s32 @p2 $0x1082  }
0x22: {  	[simem:s7], [sflag:s8] =	dma.local @!p0 [hbm:s6], $0xF7A  }
0x23: {  	s9 =	sor.u32 $0xD0000000, s2;
	s6 =	simm.s32 $0x108;
	_ =	swait.ge @!p0 [sflag:s8], $0x0  }
0x24: {  	s3 =	sadd.s32 $0x88, s3;
	s6 =	simm.s32 @!p1 $0x1082;
	[sflag:s4] =	ssyncset.s32 $0xFFFFF086  }
0x25: {  	[simem:s6], [sflag:s4] =	dma.local [hbm:s3], $0xF7A  }
0x26: {  	[smem:$0x3F98] =	sst s1;
	(tag) =	ssettag s2;
	_ =	strace s9  }
0x27: {  	s1 =	sld [smem:$0x3FA8]  }
0x28: {  	s2 =	sld [smem:$0x3FA9]  }
0x29: {  	s4 =	sld [smem:$0x3FAB]  }
0x2a: {  	p0 =	seq.s32 s5, $0x0;
	s5 =	sld [smem:$0x3FAC]  }
0x2b: {  	s6 =	sld [smem:$0x3FAD]  }
0x2c: {  	s7 =	sld [smem:$0x3FAE]  }
0x2d: {  	s3 =	simm.s32 $0x108;
	s8 =	sld [smem:$0x3FAF]  }
0x2e: {  	s3 =	simm.s32 @!p0 $0x1082;
	s9 =	sld [smem:$0x3FB0]  }
0x2f: {  	lr =	sadd.s32 s0, s3;
	s0 =	sld [smem:$0x3FA7]  }
0x30: {  	s3 =	sld [smem:$0x3FAA]  }
0x31: {  	[smem:$0x3FB3] =	sst s10  }
0x32: {  	s10 =	sld [smem:$0x3FB1];
	_ =	sdelay $0x3  }
0x33: {  	p0 =	seq.s32 s10, $0x1;
	s10 =	sld [smem:$0x3FB3];
	_ =	sdelay $0x3  }
0x34: {  	[smem:$0x3FB3] =	sst s10  }
0x35: {  	s10 =	sld [smem:$0x3FB2];
	_ =	sdelay $0x3  }
0x36: {  	p1 =	seq.s32 s10, $0x1;
	s10 =	sld [smem:$0x3FB3];
	_ =	sdelay $0x3  }
0x37: {  	[smem:$0x3FB3] =	sst s10  }
0x38: {  	s10 =	sld [smem:$0x3FB4]  }
0x39: {  	_ = 	snop;
	(pc) =	sbr.ind lr, $3  }
0x3a: {  	_ = 	snop  }
0x3b: {  	_ = 	snop  }
0x3c: {  	p2 =	seq.s32 s10, $0x1;
	s10 =	sld [smem:$0x3FB3]  }
0x3d: {  	_ =	shalt  }
0x3e: {  	_ =	shalt  }
0x3f: {  	_ =	shalt  }
0x40: {  	_ =	shalt  }
0x41: {  	_ =	shalt  }
0x42: {  	_ =	shalt  }
0x43: {  	_ =	shalt  }
0x44: {  	_ =	shalt  }
0x45: {  	_ =	shalt  }
0x46: {  	_ =	shalt  }
0x47: {  	_ =	shalt  }
0x48: {  	_ =	shalt  }
0x49: {  	_ =	shalt  }
0x4a: {  	_ =	shalt  }
0x4b: {  	_ =	shalt  }
0x4c: {  	_ =	shalt  }
0x4d: {  	_ =	shalt  }
0x4e: {  	_ =	shalt  }
0x4f: {  	_ =	shalt  }
0x50: {  	_ =	shalt  }
0x51: {  	_ =	shalt  }
0x52: {  	_ =	shalt  }
0x53: {  	_ =	shalt  }
0x54: {  	_ =	shalt  }
0x55: {  	_ =	shalt  }
0x56: {  	_ =	shalt  }
0x57: {  	_ =	shalt  }
0x58: {  	_ =	shalt  }
0x59: {  	_ =	shalt  }
0x5a: {  	_ =	shalt  }
0x5b: {  	_ =	shalt  }
0x5c: {  	_ =	shalt  }
0x5d: {  	_ =	shalt  }
0x5e: {  	_ =	shalt  }
0x5f: {  	_ =	shalt  }
0x60: {  	_ =	shalt  }
0x61: {  	_ =	shalt  }
0x62: {  	_ =	shalt  }
0x63: {  	_ =	shalt  }
0x64: {  	_ =	shalt  }
0x65: {  	_ =	shalt  }
0x66: {  	_ =	shalt  }
0x67: {  	_ =	shalt  }
0x68: {  	_ =	shalt  }
0x69: {  	_ =	shalt  }
0x6a: {  	_ =	shalt  }
0x6b: {  	_ =	shalt  }
0x6c: {  	_ =	shalt  }
0x6d: {  	_ =	shalt  }
0x6e: {  	_ =	shalt  }
0x6f: {  	_ =	shalt  }
0x70: {  	_ =	shalt  }
0x71: {  	_ =	shalt  }
0x72: {  	_ =	shalt  }
0x73: {  	_ =	shalt  }
0x74: {  	_ =	shalt  }
0x75: {  	_ =	shalt  }
0x76: {  	_ =	shalt  }
0x77: {  	_ =	shalt  }
0x78: {  	_ =	shalt  }
0x79: {  	_ =	shalt  }
0x7a: {  	_ =	shalt  }
0x7b: {  	_ =	shalt  }
0x7c: {  	_ =	shalt  }
0x7d: {  	_ =	shalt  }
0x7e: {  	_ =	shalt  }
0x7f: {  	_ =	shalt  }
0x80: {  	_ =	shalt  }
0x81: {  	_ =	shalt  }
0x82: {  	_ =	shalt  }
0x83: {  	_ =	shalt  }
0x84: {  	_ =	shalt  }
0x85: {  	_ =	shalt  }
0x86: {  	_ =	shalt  }
0x87: {  	_ =	shalt  }
.Lfunc_end0:
.L_simem_size_0:
called_computation_lowered:
.L_overlay_start_0:
0x88: {  	s2 =	sld [smem:$0x3FD9]  }
0x89: {  	s3 =	sld [smem:$0x3FFE];
	_ =	sdelay $0x1  }
0x8a: {  	s1 =	srdreg.scid  }
0x8b: {  	s0 =	sand.u32 $0x1, s1  }
0x8c: {  	s16 =	sshll.u32 s0, $0xA;
	s2 =	sadd.s32 s3, s2  }
0x8d: {  	s2 =	sadd.s32 s2, s16  }
0x8e: {  	[smem:$0x3FBF] =	sst s2  }
0x8f: {  	_ = 	snop  }
0x90: {  	(tm) =	ssettm $0x1  }
0x91: {  	s17 =	sld [smem:$0x3FFB];
	_ =	sdelay $0x3  }
0x92: {  	_ =	strace s17  }
0x93: {  	s2 =	sld [smem:$0x3FFC];
	_ =	sdelay $0x3  }
0x94: {  	_ =	strace s2  }
0x95: {  	s2 =	sld [smem:$0x3FFD];
	_ =	sdelay $0x3  }
0x96: {  	_ =	strace s2  }
0x97: {  	_ =	strace $0x8FFFFFFF  }
0x98: {  	s18 =	sld [smem:$0x3FDB];
	_ =	sdelay $0x1  }
0x99: {  	s19 =	simm.s32 $_scs_section_size  }
0x9a: {  	s4 =	simm.s32 $_size__tile_overlayer_lowered;
	s5 =	simm.s32 $_tile_overlayer_lowered  }
0x9b: {  	s22 =	simm.s32 $0x1BFF;
	s21 =	sshll.u32 s5, $0x1;
	s2 =	sadd.s32 s19, s18  }
0x9c: {  	s6 =	simm.s32 $0x0;
	s20 =	sshll.u32 s4, $0x1;
	s4 =	sadd.s32 s21, s2  }
0x9d: {  	[timem:s6], [sflag:s22] =	dma.local [hbm:s4], s20  }
0x9e: {  	_ =	swait.ge [sflag:s22], s20  }
0x9f: {  	s3 =	ssub.s32 $0x0, s20;
	[sflag:s22] =	ssyncset.done $0x0  }
0xa0: {  	[sflag:s22] =	ssyncadd.s32 s3;
	_ =	sdelay $0x1  }
0xa1: {  	s23 =	simm.s32 $0x1B8B  }
0xa2: {  	_ =	swait.ge [sflag:s23], $0x1  }
0xa3: {  	[sflag:s23] =	ssyncset.done $0x0  }
0xa4: {  	s25 =	simm.s32 $0x1B8E;
	s24 =	sld [smem:$0x3FFE];
	[sflag:s23] =	ssyncadd.s32 $0xFFFFFFFF  }
0xa5: {  	s26 =	simm.s32 $execute0_lowered;
	[smem:$0x3FD2] =	sst s25  }
0xa6: {  	s4 =	sshll.u32 s26, $0x1;
	_ =	strace $0x80000046;
	[dreg:$0x1] =	wrdreg $0xFFFFFFFF  }
0xa7: {  	s28 =	simm.s32 $_size_execute0_lowered;
	s2 =	sadd.s32 s2, s4;
	[dreg:$0x0] =	wrdreg $0x0  }
0xa8: {  	s4 =	sshll.u32 s28, $0x1;
	[dreg:$0x2] =	wrdreg s2  }
0xa9: {  	[dreg:$0x3] =	wrdreg s4  }
0xaa: {  	[dreg:$0x4] =	wrdreg $0xC0  }
0xab: {  	_ =	task [dreg:s6], $0x5FFFF  }
0xac: {  	[dreg:$0x1] =	wrdreg $0xFFFFFFFF  }
0xad: {  	[dreg:$0x0] =	wrdreg $0x60  }
0xae: {  	[dreg:$0x2] =	wrdreg s24  }
0xaf: {  	[dreg:$0x3] =	wrdreg $0x54100  }
0xb0: {  	[dreg:$0x4] =	wrdreg $0x9  }
0xb1: {  	_ =	task.clear_ibuf [dreg:s6], $0x5FFFF;
	_ =	strace $0x90000046  }
0xb2: {  	s29 =	simm.s32 $0x9;
	_ =	strace $0x80000048  }
0xb3: {  	_ =	swait.ge [sflag:s29], $0x1  }
0xb4: {  	[sflag:s29] =	ssyncadd.s32 $0xFFFFFFFF  }
0xb5: {  	_ =	strace $0x90000048  }
0xb6: {  	_ =	sfence  }
0xb7: {  	s30 =	sld [smem:$0x0];
	_ =	sdelay $0x2  }
0xb8: {  	s31 =	sshll.u32 s1, $0xD;
	s1 =	sshrl.u32 s1, $0x2  }
0xb9: {  	s3 =	sand.u32 $0x4000, s31;
	s1 =	sadd.s32 s1, s30  }
0xba: {  	s0 =	sor.u32 s3, s0;
	s1 =	sshll.u32 s1, $0x11  }
0xbb: {  	s0 =	sor.u32 s1, s0  }
0xbc: {  	s0 =	sadd.s32 $0x8F2B, s0  }
0xbd: {  	[sflag:s0] =	ssyncadd.remote.s32 $0x1  }
0xbe: {  	_ =	sfence.sel $0xFFFF  }
0xbf: {  	[dreg:$0x0] =	wrdreg $0xFFFFFFFF;
	(pc) =	sbr.abs _section_cstart, $3  }
0xc0: {  	[dreg:$0x1] =	wrdreg $0xFFFFFFFF  }
0xc1: {  	_ =	task.clear_ibuf [dreg:s6], $0x2FFFF;
	_ =	strace $0x9FFFFFFF  }
0xc2: {  	(tm) =	ssettm $0x7FFFFFFF  }
0xc3: {  	_ =	shalt  }
tec
execute0_lowered:
.L_overlay_start_1:
0x0: {  	(tag) =	ssettag $0x1  }
0x1: {  	s4 =	rddreg [dreg:$0x0]  }
0x2: {  	s0 =	srdreg.scid;
	s2 =	rddreg [dreg:$0x1]  }
0x3: {  	s1 =	rddreg [dreg:$0x2];
	s5 =	sand.u32 $0x1, s0  }
0x4: {  	s0 =	stileid.u32;
	s6 =	smul.u32 $0x27100, s5  }
0x5: {  	s3 =	simm.s32 $0x0;
	s10 =	simm.s32 $0x50;
	s7 =	smul.u32 $0x2710, s0  }
0x6: {  	s11 =	simm.s32 $0x2710;
	s14 =	simm.s32 $0x0;
	s8 =	smul.u32 $0x2800, s0  }
0x7: {  	[smem:$0x7FF] =	sst s3;
	s9 =	smul.u32 $0x28000, s5;
	s5 =	ssub.s32 $0x2, s5  }
0x8: {  	_ =	strace $0x80000047;
	s12 =	sshll.u32 s0, $0x6;
	s31 =	sshrl.u32 s5, $0x1  }
0x9: {  	s12 =	sor.u32 $0x1C01, s12;
	s6 =	sadd.s32 s7, s6;
	s30 =	sadd.s32 s8, s9  }
0xa: {  	s9 =	ssub.s32 s5, s31;
	s5 =	sadd.s32 s8, s2;
	s6 =	sshrl.u32 s6, $0x3  }
0xb: {  	s8 =	simm.s32 $0x1;
	s7 =	sshrl.u32 s30, $0x3;
	s6 =	sadd.s32 s6, s4  }
0xc: {  	s13 =	sshrl.u32 s5, $0x3;
	s7 =	sadd.s32 s7, s4;
	s4 =	sadd.s32 $0x3000, s6  }
0xd: {  	v0 =	vimm.f32 $1.000000000e+00;
	v1 =	vimm.f32 $0.0e+00;
	s6 =	sadd.s32 $0xCE00, s7;
	s7 =	smax.u32 s9, $0x1;
	s9 =	simm.s32 $0x2C10  }
.LBB2_1:
0xe: {  	[tilespmem:s3], [sflag:$0x1] =	stream.linear.gather [hbm4b:s4+s3], $0x2710, $0x38;
	[tilespmem:$0x7C10] =	vst v63  }
0xf: {  	_ =	swait.ge [sflag:s8], $0x2710  }
0x10: {  	[sflag:s8] =	ssyncset.done $0x0  }
0x11: {  	s15 =	simm.s32 $0x0;
	[sflag:s8] =	ssyncadd.s32 $0xFFFFD8F0  }
.LBB2_2:
0x12: {  	p0 =	sne.s32 s15, $0x13C0  }
.Ltmp0:
0x13: {  	_ = 	snop;
	(pc) =	sbr.rel @p0 .LBB2_2-.Ltmp0, $3  }
0x14: {  	_ =	sdelay $0x1  }
0x15: {  	s16 =	sshra.s32 s15, $0x2  }
0x16: {  	s15 =	sadd.s32 $0x40, s15;
	[tilespmem:s16+$0x2710] =	vst v0  }
0x17: {  	s15 =	simm.s32 $0x40;
	s16 =	simm.s32 $0x0  }
.LBB2_4:
0x18: {  	p0 =	sne.s32 s15, $0x9FC0;
	[tilespmem:s16+$0x2C10] =	vst v1;
	s16 =	smov.u32 s15;
	s15 =	sadd.s32 $0x40, s15  }
.Ltmp1:
0x19: {  	(pc) =	sbr.rel @p0 .LBB2_4-.Ltmp1, $2  }
0x1a: {  	_ =	sdelay $0x2  }
0x1b: {  	s16 =	sshra.s32 s16, $0x2  }
0x1c: {  	[tilespmem:s16+$0x2C10] =	vst v1  }
0x1d: {  	[spmem:s5] =	stream.linear.scatter [tilespmem:s9], [sflag:$0x1], $0x2800, $0x38;
	[tilespmem:$0x7C10] =	vst v63  }
0x1e: {  	_ =	swait.ge [sflag:s8], $0x2800  }
0x1f: {  	[sflag:s8] =	ssyncset.done $0x0  }
0x20: {  	[sflag:s8] =	ssyncadd.s32 $0xFFFFD800  }
0x21: {  	s15 =	simm.s32 $0x0;
	[bflag:$0x0] =	sbarrier.arrive $0xFFFF  }
0x22: {  	[spmem:s2] =	stream.indirect.scatter.add.f32 [tilespmem:s11], [sflag:$0x1], $0x10, s15, s10, $0xb8;
	[tilespmem:$0x7C10] =	vst v63  }
0x23: {  	_ =	swait.ge [sflag:s8], $0x500  }
0x24: {  	s15 =	simm.s32 $0x140;
	[sflag:s8] =	ssyncset.done $0x0  }
.LBB2_6:
0x25: {  	s16 =	sshra.s32 s15, $0x2;
	[sflag:s8] =	ssyncadd.s32 $0xFFFFFB00;
	p0 =	sne.s32 s15, $0x9B00  }
0x26: {  	[spmem:s2] =	stream.indirect.scatter.add.f32 [tilespmem:s11], [sflag:$0x1], $0x10, s16, s10, $0xb8;
	[tilespmem:$0x7C10] =	vst v63  }
.Ltmp2:
0x27: {  	_ = 	snop;
	(pc) =	sbr.rel @p0 .LBB2_6-.Ltmp2, $4  }
0x28: {  	_ = 	snop  }
0x29: {  	s15 =	sadd.s32 $0x140, s15  }
0x2a: {  	_ =	swait.ge [sflag:s8], $0x500  }
0x2b: {  	[sflag:s8] =	ssyncset.done $0x0  }
0x2c: {  	s14 =	sadd.s32 $0x1, s14  }
0x2d: {  	[sflag:s8] =	ssyncadd.s32 $0xFFFFFB00;
	p0 =	sne.s32 s14, s7  }
.Ltmp3:
0x2e: {  	[bflag:$0x0] =	sbarrier.arrive $0xFFFF;
	(pc) =	sbr.rel @p0 .LBB2_1-.Ltmp3, $4  }
0x2f: {  	[hbm:s6], [sflag:s12] =	dma.local [spmem:s13], $0x500  }
0x30: {  	_ =	swait.ge [sflag:s8], $0x500  }
0x31: {  	[sflag:s8] =	ssyncset.done $0x0  }
0x32: {  	[sflag:s8] =	ssyncadd.s32 $0xFFFFFB00  }
0x33: {  	_ =	sfence.sel $0x180000  }
0x34: {  	[bflag:$0x0] =	sbarrier.arrive $0xFFFF  }
0x35: {  	p0 =	sne.s32 s0, $0x0;
	_ =	strace $0x90000047  }
0x36: {  	s0 =	sadd.s32 @!p0 $0x100000, s1;
	[bflag:$0x2] =	sbarrier.arrive $0xFFFF  }
0x37: {  	[sflag:s0] =	ssyncadd.tile.s32 @!p0 $0x1;
	_ =	shalt  }
.Lfunc_end2:
_tile_overlayer_lowered:
.L_overlay_start_2:
0x38: {  	(tag) =	ssettag $0x2  }
0x39: {  	s0 =	rddreg [dreg:$0x0];
	s2 =	stileid.u32  }
0x3a: {  	s1 =	rddreg [dreg:$0x1];
	p0 =	sne.s32 s2, $0x0  }
0x3b: {  	s3 =	rddreg [dreg:$0x2];
	[bflag:$0x3] =	sbarrier.arrive $0xFFFF;
	s2 =	simm.s32 @!p0 $0x1C01  }
0x3c: {  	[timem:s3], [sflag:s2] =	dma.local @!p0 [hbm:s0], s1  }
0x3d: {  	s0 =	simm.s32 @!p0 $0x1  }
0x3e: {  	_ =	swait.ge @!p0 [sflag:s0], s1  }
0x3f: {  	s1 =	ssub.s32 @!p0 $0x0, s1;
	[sflag:s0] =	ssyncset.done @!p0 $0x0  }
0x40: {  	[sflag:s0] =	ssyncadd.s32 @!p0 s1  }
0x41: {  	[bflag:$0x3] =	sbarrier.arrive $0xFFFF  }
0x42: {  	_ =	shalt  }

</sc_bundles>
